<compile_context>
chip_gen: v7x
topology: tpu7x:2x2x1
jax: 0.10.2.dev20260603
libtpu: 0.0.44.dev20260713+nightly
codegen_flags: <defaults>
</compile_context>

<pallas_src>
import jax
import jax.numpy as jnp
from jax import lax
from jax.experimental import pallas as pl
from jax.experimental.pallas import tpu as pltpu
from jax.experimental.pallas import tpu_sc as plsc

B = 4
N_NODES = 2048
S = 8192
D = 1024
L = 16

NW = 32
TOKENS = B * S
TPW = TOKENS // NW
CHUNK = 16
NCHUNK = TPW // CHUNK
SLICES_PER_ROW = D // L
NBUF = 2


def _sc_body(node_hbm, tok_hbm, idx_hbm, out_hbm, idx_all,
             node_v0, node_v1, tok_v0, tok_v1, out_v0, out_v1,
             sem_n0, sem_n1, sem_t0, sem_t1, sem_o0, sem_o1):
    node_v = (node_v0, node_v1)
    tok_v = (tok_v0, tok_v1)
    out_v = (out_v0, out_v1)
    sem_n = (sem_n0, sem_n1)
    sem_t = (sem_t0, sem_t1)
    sem_o = (sem_o0, sem_o1)

    wid = lax.axis_index("s") * 2 + lax.axis_index("c")
    base = wid * TPW
    row_off = (base // S) * N_NODES

    pltpu.sync_copy(idx_hbm.at[pl.ds(base, TPW)], idx_all)

    def adjust(j, carry):
        sl = pl.ds(j * L, L)
        idx_all[sl] = idx_all[sl] + row_off
        return carry

    lax.fori_loop(0, TPW // L, adjust, None)

    def issue_in(ci, b):
        pltpu.async_copy(
            node_hbm.at[idx_all.at[pl.ds(ci * CHUNK, CHUNK)]], node_v[b], sem_n[b])
        pltpu.async_copy(
            tok_hbm.at[pl.ds(base + ci * CHUNK, CHUNK)], tok_v[b], sem_t[b])

    for b in range(NBUF):
        issue_in(b, b)

    def outer(g, carry):
        for b in range(NBUF):
            ci = g * NBUF + b
            tbase = base + ci * CHUNK
            pltpu.make_async_copy(
                node_hbm.at[pl.ds(0, CHUNK)], node_v[b], sem_n[b]).wait()
            pltpu.make_async_copy(
                tok_hbm.at[pl.ds(0, CHUNK)], tok_v[b], sem_t[b]).wait()

            @pl.when(g > 0)
            def _wait_out():
                pltpu.make_async_copy(
                    out_v[b], out_hbm.at[pl.ds(0, CHUNK)], sem_o[b]).wait()

            def row_add(r, c2):
                for j in range(SLICES_PER_ROW):
                    sl = pl.ds(j * L, L)
                    out_v[b][r, sl] = tok_v[b][r, sl] + node_v[b][r, sl]
                return c2

            lax.fori_loop(0, CHUNK, row_add, None)

            pltpu.async_copy(out_v[b], out_hbm.at[pl.ds(tbase, CHUNK)], sem_o[b])

            @pl.when(g < NCHUNK // NBUF - 1)
            def _prefetch():
                issue_in(ci + NBUF, b)
        return carry

    lax.fori_loop(0, NCHUNK // NBUF, outer, None)

    for b in range(NBUF):
        pltpu.make_async_copy(
            out_v[b], out_hbm.at[pl.ds(0, CHUNK)], sem_o[b]).wait()


@jax.jit
def _distribute(node_flat, tok_flat, idx_flat):
    mesh = plsc.VectorSubcoreMesh(core_axis_name="c", subcore_axis_name="s")
    f = pl.kernel(
        _sc_body,
        mesh=mesh,
        out_type=jax.ShapeDtypeStruct((TOKENS, D), jnp.float32),
        scratch_types=[
            pltpu.VMEM((TPW,), jnp.int32),
            pltpu.VMEM((CHUNK, D), jnp.float32),
            pltpu.VMEM((CHUNK, D), jnp.float32),
            pltpu.VMEM((CHUNK, D), jnp.float32),
            pltpu.VMEM((CHUNK, D), jnp.float32),
            pltpu.VMEM((CHUNK, D), jnp.float32),
            pltpu.VMEM((CHUNK, D), jnp.float32),
            pltpu.SemaphoreType.DMA,
            pltpu.SemaphoreType.DMA,
            pltpu.SemaphoreType.DMA,
            pltpu.SemaphoreType.DMA,
            pltpu.SemaphoreType.DMA,
            pltpu.SemaphoreType.DMA,
        ],
    )
    return f(node_flat, tok_flat, idx_flat)


def kernel(node_embeddings, token_embeddings, token_to_node):
    node_flat = node_embeddings.reshape(B * N_NODES, D)
    tok_flat = token_embeddings.reshape(TOKENS, D)
    idx_flat = token_to_node.astype(jnp.int32).reshape(TOKENS)
    out = _distribute(node_flat, tok_flat, idx_flat)
    return out.reshape(B, S, D)

# --- scband reference (transcript-rebuilt; emitter-appended) ---
"""Pipeline reference for scband-node-to-token-distributor-76579266887842 (READ-ONLY COPY).

The authoritative reference and input builder live on the scoring server;
editing this copy changes nothing except your own understanding.
"""

import jax, jax.numpy as jnp
import numpy as np


def setup_inputs(seed: int = 0) -> dict:
    key = jax.random.key(seed)
    k1, k2, k3 = jax.random.split(key, 3)
    node_embeddings = jax.random.normal(k1, (4, 2048, 1024), dtype=jnp.float32)
    token_embeddings = jax.random.normal(k2, (4, 8192, 1024), dtype=jnp.float32)
    token_to_node = jax.random.randint(k3, (4, 8192), 0, 2048, dtype=jnp.int64 if jax.config.jax_enable_x64 else jnp.int32)
    return {"node_embeddings": node_embeddings, "token_embeddings": token_embeddings, "token_to_node": token_to_node}


def reference(node_embeddings, token_embeddings, token_to_node):
    # gather node embeddings per token: equivalent of torch.gather(node_embeddings, 1, idx_expanded)
    hidden_dim = token_embeddings.shape[-1]
    idx = token_to_node[:, :, None]  # [B, S, 1]
    distributed = jnp.take_along_axis(node_embeddings, idx, axis=1)  # broadcasts over hidden dim
    # combine == 'add'
    combined = token_embeddings + distributed
    return combined

if __name__ == "__main__":
    import jax
    _d = setup_inputs()
    print(jax.jit(kernel)(*tuple(_d.values())))

</pallas_src>

<mosaic_0001>
#map = affine_map<(d0, d1) -> (0, 0)>
#map1 = affine_map<(d0, d1) -> (0)>
module attributes {stable_mosaic.version = 14 : i64} {
  func.func @_sc_body(%arg0: i32, %arg1: i32, %arg2: memref<8192x1024xf32, #tpu.memory_space<hbm>>, %arg3: memref<32768x1024xf32, #tpu.memory_space<hbm>>, %arg4: memref<32768xi32, #tpu.memory_space<hbm>>, %arg5: memref<32768x1024xf32, #tpu.memory_space<hbm>>, %arg6: memref<1024xi32, #tpu.memory_space<vmem>>, %arg7: memref<16x1024xf32, #tpu.memory_space<vmem>>, %arg8: memref<16x1024xf32, #tpu.memory_space<vmem>>, %arg9: memref<16x1024xf32, #tpu.memory_space<vmem>>, %arg10: memref<16x1024xf32, #tpu.memory_space<vmem>>, %arg11: memref<16x1024xf32, #tpu.memory_space<vmem>>, %arg12: memref<16x1024xf32, #tpu.memory_space<vmem>>, %arg13: memref<!tpu.dma_semaphore, #tpu.memory_space<semaphore_mem>>, %arg14: memref<!tpu.dma_semaphore, #tpu.memory_space<semaphore_mem>>, %arg15: memref<!tpu.dma_semaphore, #tpu.memory_space<semaphore_mem>>, %arg16: memref<!tpu.dma_semaphore, #tpu.memory_space<semaphore_mem>>, %arg17: memref<!tpu.dma_semaphore, #tpu.memory_space<semaphore_mem>>, %arg18: memref<!tpu.dma_semaphore, #tpu.memory_space<semaphore_mem>>) attributes {dimension_semantics = [#tpu.dimension_semantics<core_parallel>, #tpu.dimension_semantics<subcore_parallel>], iteration_bounds = array<i64: 2, 16>, scalar_prefetch = 0 : i64, scratch_operands = 13 : i64, tpu.core_type = #tpu.core_type<sc_vector_subcore>, window_params = [{transform_indices = #map}, {transform_indices = #map}, {transform_indices = #map1}, {transform_indices = #map}]} {
    %mul3A = arith.constant 2 : i32
    %mul3A_0 = arith.muli %arg1, %mul3A : i32
    %add3A = arith.addi %mul3A_0, %arg0 : i32
    %mul3A_1 = arith.constant 1024 : i32
    %mul3A_2 = arith.muli %add3A, %mul3A_1 : i32
    %jit3A = arith.constant 8192 : i32
    %div3A = arith.divsi %mul3A_2, %jit3A : i32
    %sign3A = arith.constant 0 : i32
    %sign3A_3 = arith.cmpi sgt, %mul3A_2, %sign3A : i32
    %sign3A_4 = arith.extui %sign3A_3 : i1 to i32
    %sign3A_5 = arith.constant 0 : i32
    %sign3A_6 = arith.cmpi slt, %mul3A_2, %sign3A_5 : i32
    %sign3A_7 = arith.extui %sign3A_6 : i1 to i32
    %sign3A_8 = arith.subi %sign3A_4, %sign3A_7 : i32
    %sign3A_9 = arith.constant 0 : i32
    %sign3A_10 = arith.cmpi sgt, %jit3A, %sign3A_9 : i32
    %sign3A_11 = arith.extui %sign3A_10 : i1 to i32
    %sign3A_12 = arith.constant 0 : i32
    %sign3A_13 = arith.cmpi slt, %jit3A, %sign3A_12 : i32
    %sign3A_14 = arith.extui %sign3A_13 : i1 to i32
    %sign3A_15 = arith.subi %sign3A_11, %sign3A_14 : i32
    %ne3A = arith.cmpi ne, %sign3A_8, %sign3A_15 : i32
    %rem3A = arith.remsi %mul3A_2, %jit3A : i32
    %ne3A_16 = arith.constant 0 : i32
    %ne3A_17 = arith.cmpi ne, %rem3A, %ne3A_16 : i32
    %and3A = arith.andi %ne3A, %ne3A_17 : i1
    %sub3A = arith.constant 1 : i32
    %sub3A_18 = arith.subi %div3A, %sub3A : i32
    %select_n3A = arith.select %and3A, %sub3A_18, %div3A : i32
    %mul3A_19 = arith.constant 2048 : i32
    %mul3A_20 = arith.muli %select_n3A, %mul3A_19 : i32
    "tpu.region"() ({
      %run_scoped3A = tpu.sem_alloc : memref<!tpu.dma_semaphore, #tpu.memory_space<semaphore_mem>>
      %dma_start3A_62 = tpu.memref_slice %arg4[%mul3A_2] : memref<32768xi32, #tpu.memory_space<hbm>> -> memref<1024xi32, #tpu.memory_space<hbm>>
      %dma_start3A_63 = tpu.memref_slice %arg4[%mul3A_2] : memref<32768xi32, #tpu.memory_space<hbm>> -> memref<1024xi32, #tpu.memory_space<hbm>>
      tpu.enqueue_dma source(%dma_start3A_63 : memref<1024xi32, #tpu.memory_space<hbm>>) target(%arg6 : memref<1024xi32, #tpu.memory_space<vmem>>) target_semaphore(%run_scoped3A : memref<!tpu.dma_semaphore, #tpu.memory_space<semaphore_mem>>)
      %dma_wait3A_64 = tpu.memref_slice %arg4[%mul3A_2] : memref<32768xi32, #tpu.memory_space<hbm>> -> memref<1024xi32, #tpu.memory_space<hbm>>
      %dma_wait3A_65 = tpu.memref_slice %arg4[%mul3A_2] : memref<32768xi32, #tpu.memory_space<hbm>> -> memref<1024xi32, #tpu.memory_space<hbm>>
      tpu.wait_dma2 semaphore(%run_scoped3A : memref<!tpu.dma_semaphore, #tpu.memory_space<semaphore_mem>>) src(%dma_wait3A_65 : memref<1024xi32, #tpu.memory_space<hbm>>) dst(%arg6 : memref<1024xi32, #tpu.memory_space<vmem>>)
      tpu.yield
    }) : () -> ()
    %scan3A = arith.constant 0 : i32
    %scan3A_21 = arith.constant 64 : i32
    %scan3A_22 = arith.addi %scan3A, %scan3A_21 : i32
    %scan3A_23 = arith.constant 1 : i32
    scf.for %scan3A_62 = %scan3A to %scan3A_22 step %scan3A_23  : i32 {
      %mul3A_63 = arith.constant 16 : i32
      %mul3A_64 = arith.muli %scan3A_62, %mul3A_63 : i32
      %get3A = arith.index_cast %mul3A_64 : i32 to index
      %get3A_65 = tpu.vector_load %arg6[%get3A] {strides = array<i32>} : memref<1024xi32, #tpu.memory_space<vmem>>, vector<16xi32>,
      %get3A_66 = vector.shape_cast %get3A_65 : vector<16xi32> to vector<16xi32>
      %add3A_67 = vector.broadcast %mul3A_20 : i32 to vector<16xi32>
      %add3A_68 = arith.addi %get3A_66, %add3A_67 : vector<16xi32>
      %swap3A = arith.index_cast %mul3A_64 : i32 to index
      %swap3A_69 = tpu.vector_load %arg6[%swap3A] {strides = array<i32>} : memref<1024xi32, #tpu.memory_space<vmem>>, vector<16xi32>,
      %swap3A_70 = vector.shape_cast %swap3A_69 : vector<16xi32> to vector<16xi32>
      %swap3A_71 = vector.shape_cast %add3A_68 : vector<16xi32> to vector<16xi32>
      tpu.vector_store %arg6[%swap3A], %swap3A_71 {strides = array<i32>} : memref<1024xi32, #tpu.memory_space<vmem>>, vector<16xi32>,
    }
    %scan3A_24 = arith.constant 64 : i32
    %dma_start3A = arith.constant 0 : i32
    %dma_start3A_25 = tpu.memref_slice %arg6[%dma_start3A] : memref<1024xi32, #tpu.memory_space<vmem>> -> memref<16xi32, #tpu.memory_space<vmem>>
    %dma_start3A_26 = arith.constant 0 : i32
    %dma_start3A_27 = arith.constant 0 : i32
    %dma_start3A_28 = tpu.memref_slice %arg2[%dma_start3A_26, %dma_start3A_27] : memref<8192x1024xf32, #tpu.memory_space<hbm>> -> memref<8192x1024xf32, #tpu.memory_space<hbm>>
    tpu.enqueue_indirect_dma source(%dma_start3A_28 : memref<8192x1024xf32, #tpu.memory_space<hbm>>) target(%arg7 : memref<16x1024xf32, #tpu.memory_space<vmem>>) offsets(%dma_start3A_25 : memref<16xi32, #tpu.memory_space<vmem>>) semaphore(%arg13 : memref<!tpu.dma_semaphore, #tpu.memory_space<semaphore_mem>>)
    %add3A_29 = arith.constant 0 : i32
    %add3A_30 = arith.addi %mul3A_2, %add3A_29 : i32
    %dma_start3A_31 = arith.constant 0 : i32
    %dma_start3A_32 = tpu.memref_slice %arg3[%add3A_30, %dma_start3A_31] : memref<32768x1024xf32, #tpu.memory_space<hbm>> -> memref<16x1024xf32, #tpu.memory_space<hbm>>
    %dma_start3A_33 = arith.constant 0 : i32
    %dma_start3A_34 = tpu.memref_slice %arg3[%add3A_30, %dma_start3A_33] : memref<32768x1024xf32, #tpu.memory_space<hbm>> -> memref<16x1024xf32, #tpu.memory_space<hbm>>
    tpu.enqueue_dma source(%dma_start3A_34 : memref<16x1024xf32, #tpu.memory_space<hbm>>) target(%arg9 : memref<16x1024xf32, #tpu.memory_space<vmem>>) target_semaphore(%arg15 : memref<!tpu.dma_semaphore, #tpu.memory_space<semaphore_mem>>)
    %dma_start3A_35 = arith.constant 16 : i32
    %dma_start3A_36 = tpu.memref_slice %arg6[%dma_start3A_35] : memref<1024xi32, #tpu.memory_space<vmem>> -> memref<16xi32, #tpu.memory_space<vmem>>
    %dma_start3A_37 = arith.constant 0 : i32
    %dma_start3A_38 = arith.constant 0 : i32
    %dma_start3A_39 = tpu.memref_slice %arg2[%dma_start3A_37, %dma_start3A_38] : memref<8192x1024xf32, #tpu.memory_space<hbm>> -> memref<8192x1024xf32, #tpu.memory_space<hbm>>
    tpu.enqueue_indirect_dma source(%dma_start3A_39 : memref<8192x1024xf32, #tpu.memory_space<hbm>>) target(%arg8 : memref<16x1024xf32, #tpu.memory_space<vmem>>) offsets(%dma_start3A_36 : memref<16xi32, #tpu.memory_space<vmem>>) semaphore(%arg14 : memref<!tpu.dma_semaphore, #tpu.memory_space<semaphore_mem>>)
    %add3A_40 = arith.constant 16 : i32
    %add3A_41 = arith.addi %mul3A_2, %add3A_40 : i32
    %dma_start3A_42 = arith.constant 0 : i32
    %dma_start3A_43 = tpu.memref_slice %arg3[%add3A_41, %dma_start3A_42] : memref<32768x1024xf32, #tpu.memory_space<hbm>> -> memref<16x1024xf32, #tpu.memory_space<hbm>>
    %dma_start3A_44 = arith.constant 0 : i32
    %dma_start3A_45 = tpu.memref_slice %arg3[%add3A_41, %dma_start3A_44] : memref<32768x1024xf32, #tpu.memory_space<hbm>> -> memref<16x1024xf32, #tpu.memory_space<hbm>>
    tpu.enqueue_dma source(%dma_start3A_45 : memref<16x1024xf32, #tpu.memory_space<hbm>>) target(%arg10 : memref<16x1024xf32, #tpu.memory_space<vmem>>) target_semaphore(%arg16 : memref<!tpu.dma_semaphore, #tpu.memory_space<semaphore_mem>>)
    %scan3A_46 = arith.constant 0 : i32
    %scan3A_47 = arith.constant 32 : i32
    %scan3A_48 = arith.addi %scan3A_46, %scan3A_47 : i32
    %scan3A_49 = arith.constant 1 : i32
    scf.for %scan3A_62 = %scan3A_46 to %scan3A_48 step %scan3A_49  : i32 {
      %mul3A_63 = arith.constant 2 : i32
      %mul3A_64 = arith.muli %scan3A_62, %mul3A_63 : i32
      %add3A_65 = arith.constant 0 : i32
      %add3A_66 = arith.addi %mul3A_64, %add3A_65 : i32
      %mul3A_67 = arith.constant 16 : i32
      %mul3A_68 = arith.muli %add3A_66, %mul3A_67 : i32
      %add3A_69 = arith.addi %mul3A_2, %mul3A_68 : i32
      %dma_wait3A_70 = arith.constant 0 : i32
      %dma_wait3A_71 = arith.constant 0 : i32
      %dma_wait3A_72 = tpu.memref_slice %arg2[%dma_wait3A_70, %dma_wait3A_71] : memref<8192x1024xf32, #tpu.memory_space<hbm>> -> memref<16x1024xf32, #tpu.memory_space<hbm>>
      %dma_wait3A_73 = arith.constant 0 : i32
      %dma_wait3A_74 = arith.constant 0 : i32
      %dma_wait3A_75 = tpu.memref_slice %arg2[%dma_wait3A_73, %dma_wait3A_74] : memref<8192x1024xf32, #tpu.memory_space<hbm>> -> memref<16x1024xf32, #tpu.memory_space<hbm>>
      tpu.wait_dma2 semaphore(%arg13 : memref<!tpu.dma_semaphore, #tpu.memory_space<semaphore_mem>>) src(%dma_wait3A_75 : memref<16x1024xf32, #tpu.memory_space<hbm>>) dst(%arg7 : memref<16x1024xf32, #tpu.memory_space<vmem>>)
      %dma_wait3A_76 = arith.constant 0 : i32
      %dma_wait3A_77 = arith.constant 0 : i32
      %dma_wait3A_78 = tpu.memref_slice %arg3[%dma_wait3A_76, %dma_wait3A_77] : memref<32768x1024xf32, #tpu.memory_space<hbm>> -> memref<16x1024xf32, #tpu.memory_space<hbm>>
      %dma_wait3A_79 = arith.constant 0 : i32
      %dma_wait3A_80 = arith.constant 0 : i32
      %dma_wait3A_81 = tpu.memref_slice %arg3[%dma_wait3A_79, %dma_wait3A_80] : memref<32768x1024xf32, #tpu.memory_space<hbm>> -> memref<16x1024xf32, #tpu.memory_space<hbm>>
      tpu.wait_dma2 semaphore(%arg15 : memref<!tpu.dma_semaphore, #tpu.memory_space<semaphore_mem>>) src(%dma_wait3A_81 : memref<16x1024xf32, #tpu.memory_space<hbm>>) dst(%arg9 : memref<16x1024xf32, #tpu.memory_space<vmem>>)
      %gt3A = arith.constant 0 : i32
      %gt3A_82 = arith.cmpi sgt, %scan3A_62, %gt3A : i32
      %convert_element_type3A = arith.extui %gt3A_82 : i1 to i32
      %cond3A = arith.constant 0 : i32
      %cond3A_83 = arith.cmpi ne, %convert_element_type3A, %cond3A : i32
      scf.if %cond3A_83 {
        %dma_wait3A_135 = arith.constant 0 : i32
        %dma_wait3A_136 = arith.constant 0 : i32
        %dma_wait3A_137 = tpu.memref_slice %arg5[%dma_wait3A_135, %dma_wait3A_136] : memref<32768x1024xf32, #tpu.memory_space<hbm>> -> memref<16x1024xf32, #tpu.memory_space<hbm>>
        %dma_wait3A_138 = arith.constant 0 : i32
        %dma_wait3A_139 = arith.constant 0 : i32
        %dma_wait3A_140 = tpu.memref_slice %arg5[%dma_wait3A_138, %dma_wait3A_139] : memref<32768x1024xf32, #tpu.memory_space<hbm>> -> memref<16x1024xf32, #tpu.memory_space<hbm>>
        tpu.wait_dma2 semaphore(%arg17 : memref<!tpu.dma_semaphore, #tpu.memory_space<semaphore_mem>>) src(%arg11 : memref<16x1024xf32, #tpu.memory_space<vmem>>) dst(%dma_wait3A_140 : memref<16x1024xf32, #tpu.memory_space<hbm>>)
      } else {
      }
      %scan3A_84 = arith.constant 0 : i32
      %scan3A_85 = arith.constant 16 : i32
      %scan3A_86 = arith.addi %scan3A_84, %scan3A_85 : i32
      %scan3A_87 = arith.constant 1 : i32
      scf.for %scan3A_135 = %scan3A_84 to %scan3A_86 step %scan3A_87  : i32 {
        %get3A = arith.index_cast %scan3A_135 : i32 to index
        %get3A_136 = arith.constant 0 : index
        %get3A_137 = tpu.vector_load %arg9[%get3A, %get3A_136] {strides = array<i32>} : memref<16x1024xf32, #tpu.memory_space<vmem>>, vector<1x16xf32>,
        %get3A_138 = vector.shape_cast %get3A_137 : vector<1x16xf32> to vector<16xf32>
        %get3A_139 = arith.index_cast %scan3A_135 : i32 to index
        %get3A_140 = arith.constant 0 : index
        %get3A_141 = tpu.vector_load %arg7[%get3A_139, %get3A_140] {strides = array<i32>} : memref<16x1024xf32, #tpu.memory_space<vmem>>, vector<1x16xf32>,
        %get3A_142 = vector.shape_cast %get3A_141 : vector<1x16xf32> to vector<16xf32>
        %add3A_143 = arith.addf %get3A_138, %get3A_142 : vector<16xf32>
        %swap3A = arith.index_cast %scan3A_135 : i32 to index
        %swap3A_144 = arith.constant 0 : index
        %swap3A_145 = tpu.vector_load %arg11[%swap3A, %swap3A_144] {strides = array<i32>} : memref<16x1024xf32, #tpu.memory_space<vmem>>, vector<1x16xf32>,
        %swap3A_146 = vector.shape_cast %swap3A_145 : vector<1x16xf32> to vector<16xf32>
        %swap3A_147 = vector.shape_cast %add3A_143 : vector<16xf32> to vector<1x16xf32>
        tpu.vector_store %arg11[%swap3A, %swap3A_144], %swap3A_147 {strides = array<i32>} : memref<16x1024xf32, #tpu.memory_space<vmem>>, vector<1x16xf32>,
        %get3A_148 = arith.index_cast %scan3A_135 : i32 to index
        %get3A_149 = arith.constant 16 : index
        %get3A_150 = tpu.vector_load %arg9[%get3A_148, %get3A_149] {strides = array<i32>} : memref<16x1024xf32, #tpu.memory_space<vmem>>, vector<1x16xf32>,
        %get3A_151 = vector.shape_cast %get3A_150 : vector<1x16xf32> to vector<16xf32>
        %get3A_152 = arith.index_cast %scan3A_135 : i32 to index
        %get3A_153 = arith.constant 16 : index
        %get3A_154 = tpu.vector_load %arg7[%get3A_152, %get3A_153] {strides = array<i32>} : memref<16x1024xf32, #tpu.memory_space<vmem>>, vector<1x16xf32>,
        %get3A_155 = vector.shape_cast %get3A_154 : vector<1x16xf32> to vector<16xf32>
        %add3A_156 = arith.addf %get3A_151, %get3A_155 : vector<16xf32>
        %swap3A_157 = arith.index_cast %scan3A_135 : i32 to index
        %swap3A_158 = arith.constant 16 : index
        %swap3A_159 = tpu.vector_load %arg11[%swap3A_157, %swap3A_158] {strides = array<i32>} : memref<16x1024xf32, #tpu.memory_space<vmem>>, vector<1x16xf32>,
        %swap3A_160 = vector.shape_cast %swap3A_159 : vector<1x16xf32> to vector<16xf32>
        %swap3A_161 = vector.shape_cast %add3A_156 : vector<16xf32> to vector<1x16xf32>
        tpu.vector_store %arg11[%swap3A_157, %swap3A_158], %swap3A_161 {strides = array<i32>} : memref<16x1024xf32, #tpu.memory_space<vmem>>, vector<1x16xf32>,
        %get3A_162 = arith.index_cast %scan3A_135 : i32 to index
        %get3A_163 = arith.constant 32 : index
        %get3A_164 = tpu.vector_load %arg9[%get3A_162, %get3A_163] {strides = array<i32>} : memref<16x1024xf32, #tpu.memory_space<vmem>>, vector<1x16xf32>,
        %get3A_165 = vector.shape_cast %get3A_164 : vector<1x16xf32> to vector<16xf32>
        %get3A_166 = arith.index_cast %scan3A_135 : i32 to index
        %get3A_167 = arith.constant 32 : index
        %get3A_168 = tpu.vector_load %arg7[%get3A_166, %get3A_167] {strides = array<i32>} : memref<16x1024xf32, #tpu.memory_space<vmem>>, vector<1x16xf32>,
        %get3A_169 = vector.shape_cast %get3A_168 : vector<1x16xf32> to vector<16xf32>
        %add3A_170 = arith.addf %get3A_165, %get3A_169 : vector<16xf32>
        %swap3A_171 = arith.index_cast %scan3A_135 : i32 to index
        %swap3A_172 = arith.constant 32 : index
        %swap3A_173 = tpu.vector_load %arg11[%swap3A_171, %swap3A_172] {strides = array<i32>} : memref<16x1024xf32, #tpu.memory_space<vmem>>, vector<1x16xf32>,
        %swap3A_174 = vector.shape_cast %swap3A_173 : vector<1x16xf32> to vector<16xf32>
        %swap3A_175 = vector.shape_cast %add3A_170 : vector<16xf32> to vector<1x16xf32>
        tpu.vector_store %arg11[%swap3A_171, %swap3A_172], %swap3A_175 {strides = array<i32>} : memref<16x1024xf32, #tpu.memory_space<vmem>>, vector<1x16xf32>,
        %get3A_176 = arith.index_cast %scan3A_135 : i32 to index
        %get3A_177 = arith.constant 48 : index
        %get3A_178 = tpu.vector_load %arg9[%get3A_176, %get3A_177] {strides = array<i32>} : memref<16x1024xf32, #tpu.memory_space<vmem>>, vector<1x16xf32>,
        %get3A_179 = vector.shape_cast %get3A_178 : vector<1x16xf32> to vector<16xf32>
        %get3A_180 = arith.index_cast %scan3A_135 : i32 to index
        %get3A_181 = arith.constant 48 : index
        %get3A_182 = tpu.vector_load %arg7[%get3A_180, %get3A_181] {strides = array<i32>} : memref<16x1024xf32, #tpu.memory_space<vmem>>, vector<1x16xf32>,
        %get3A_183 = vector.shape_cast %get3A_182 : vector<1x16xf32> to vector<16xf32>
        %add3A_184 = arith.addf %get3A_179, %get3A_183 : vector<16xf32>
        %swap3A_185 = arith.index_cast %scan3A_135 : i32 to index
        %swap3A_186 = arith.constant 48 : index
        %swap3A_187 = tpu.vector_load %arg11[%swap3A_185, %swap3A_186] {strides = array<i32>} : memref<16x1024xf32, #tpu.memory_space<vmem>>, vector<1x16xf32>,
        %swap3A_188 = vector.shape_cast %swap3A_187 : vector<1x16xf32> to vector<16xf32>
        %swap3A_189 = vector.shape_cast %add3A_184 : vector<16xf32> to vector<1x16xf32>
        tpu.vector_store %arg11[%swap3A_185, %swap3A_186], %swap3A_189 {strides = array<i32>} : memref<16x1024xf32, #tpu.memory_space<vmem>>, vector<1x16xf32>,
        %get3A_190 = arith.index_cast %scan3A_135 : i32 to index
        %get3A_191 = arith.constant 64 : index
        %get3A_192 = tpu.vector_load %arg9[%get3A_190, %get3A_191] {strides = array<i32>} : memref<16x1024xf32, #tpu.memory_space<vmem>>, vector<1x16xf32>,
        %get3A_193 = vector.shape_cast %get3A_192 : vector<1x16xf32> to vector<16xf32>
        %get3A_194 = arith.index_cast %scan3A_135 : i32 to index
        %get3A_195 = arith.constant 64 : index
        %get3A_196 = tpu.vector_load %arg7[%get3A_194, %get3A_195] {strides = array<i32>} : memref<16x1024xf32, #tpu.memory_space<vmem>>, vector<1x16xf32>,
        %get3A_197 = vector.shape_cast %get3A_196 : vector<1x16xf32> to vector<16xf32>
        %add3A_198 = arith.addf %get3A_193, %get3A_197 : vector<16xf32>
        %swap3A_199 = arith.index_cast %scan3A_135 : i32 to index
        %swap3A_200 = arith.constant 64 : index
        %swap3A_201 = tpu.vector_load %arg11[%swap3A_199, %swap3A_200] {strides = array<i32>} : memref<16x1024xf32, #tpu.memory_space<vmem>>, vector<1x16xf32>,
        %swap3A_202 = vector.shape_cast %swap3A_201 : vector<1x16xf32> to vector<16xf32>
        %swap3A_203 = vector.shape_cast %add3A_198 : vector<16xf32> to vector<1x16xf32>
        tpu.vector_store %arg11[%swap3A_199, %swap3A_200], %swap3A_203 {strides = array<i32>} : memref<16x1024xf32, #tpu.memory_space<vmem>>, vector<1x16xf32>,
        %get3A_204 = arith.index_cast %scan3A_135 : i32 to index
        %get3A_205 = arith.constant 80 : index
        %get3A_206 = tpu.vector_load %arg9[%get3A_204, %get3A_205] {strides = array<i32>} : memref<16x1024xf32, #tpu.memory_space<vmem>>, vector<1x16xf32>,
        %get3A_207 = vector.shape_cast %get3A_206 : vector<1x16xf32> to vector<16xf32>
        %get3A_208 = arith.index_cast %scan3A_135 : i32 to index
        %get3A_209 = arith.constant 80 : index
        %get3A_210 = tpu.vector_load %arg7[%get3A_208, %get3A_209] {strides = array<i32>} : memref<16x1024xf32, #tpu.memory_space<vmem>>, vector<1x16xf32>,
        %get3A_211 = vector.shape_cast %get3A_210 : vector<1x16xf32> to vector<16xf32>
        %add3A_212 = arith.addf %get3A_207, %get3A_211 : vector<16xf32>
        %swap3A_213 = arith.index_cast %scan3A_135 : i32 to index
        %swap3A_214 = arith.constant 80 : index
        %swap3A_215 = tpu.vector_load %arg11[%swap3A_213, %swap3A_214] {strides = array<i32>} : memref<16x1024xf32, #tpu.memory_space<vmem>>, vector<1x16xf32>,
        %swap3A_216 = vector.shape_cast %swap3A_215 : vector<1x16xf32> to vector<16xf32>
        %swap3A_217 = vector.shape_cast %add3A_212 : vector<16xf32> to vector<1x16xf32>
        tpu.vector_store %arg11[%swap3A_213, %swap3A_214], %swap3A_217 {strides = array<i32>} : memref<16x1024xf32, #tpu.memory_space<vmem>>, vector<1x16xf32>,
        %get3A_218 = arith.index_cast %scan3A_135 : i32 to index
        %get3A_219 = arith.constant 96 : index
        %get3A_220 = tpu.vector_load %arg9[%get3A_218, %get3A_219] {strides = array<i32>} : memref<16x1024xf32, #tpu.memory_space<vmem>>, vector<1x16xf32>,
        %get3A_221 = vector.shape_cast %get3A_220 : vector<1x16xf32> to vector<16xf32>
        %get3A_222 = arith.index_cast %scan3A_135 : i32 to index
        %get3A_223 = arith.constant 96 : index
        %get3A_224 = tpu.vector_load %arg7[%get3A_222, %get3A_223] {strides = array<i32>} : memref<16x1024xf32, #tpu.memory_space<vmem>>, vector<1x16xf32>,
        %get3A_225 = vector.shape_cast %get3A_224 : vector<1x16xf32> to vector<16xf32>
        %add3A_226 = arith.addf %get3A_221, %get3A_225 : vector<16xf32>
        %swap3A_227 = arith.index_cast %scan3A_135 : i32 to index
        %swap3A_228 = arith.constant 96 : index
        %swap3A_229 = tpu.vector_load %arg11[%swap3A_227, %swap3A_228] {strides = array<i32>} : memref<16x1024xf32, #tpu.memory_space<vmem>>, vector<1x16xf32>,
        %swap3A_230 = vector.shape_cast %swap3A_229 : vector<1x16xf32> to vector<16xf32>
        %swap3A_231 = vector.shape_cast %add3A_226 : vector<16xf32> to vector<1x16xf32>
        tpu.vector_store %arg11[%swap3A_227, %swap3A_228], %swap3A_231 {strides = array<i32>} : memref<16x1024xf32, #tpu.memory_space<vmem>>, vector<1x16xf32>,
        %get3A_232 = arith.index_cast %scan3A_135 : i32 to index
        %get3A_233 = arith.constant 112 : index
        %get3A_234 = tpu.vector_load %arg9[%get3A_232, %get3A_233] {strides = array<i32>} : memref<16x1024xf32, #tpu.memory_space<vmem>>, vector<1x16xf32>,
        %get3A_235 = vector.shape_cast %get3A_234 : vector<1x16xf32> to vector<16xf32>
        %get3A_236 = arith.index_cast %scan3A_135 : i32 to index
        %get3A_237 = arith.constant 112 : index
        %get3A_238 = tpu.vector_load %arg7[%get3A_236, %get3A_237] {strides = array<i32>} : memref<16x1024xf32, #tpu.memory_space<vmem>>, vector<1x16xf32>,
        %get3A_239 = vector.shape_cast %get3A_238 : vector<1x16xf32> to vector<16xf32>
        %add3A_240 = arith.addf %get3A_235, %get3A_239 : vector<16xf32>
        %swap3A_241 = arith.index_cast %scan3A_135 : i32 to index
        %swap3A_242 = arith.constant 112 : index
        %swap3A_243 = tpu.vector_load %arg11[%swap3A_241, %swap3A_242] {strides = array<i32>} : memref<16x1024xf32, #tpu.memory_space<vmem>>, vector<1x16xf32>,
        %swap3A_244 = vector.shape_cast %swap3A_243 : vector<1x16xf32> to vector<16xf32>
        %swap3A_245 = vector.shape_cast %add3A_240 : vector<16xf32> to vector<1x16xf32>
        tpu.vector_store %arg11[%swap3A_241, %swap3A_242], %swap3A_245 {strides = array<i32>} : memref<16x1024xf32, #tpu.memory_space<vmem>>, vector<1x16xf32>,
        %get3A_246 = arith.index_cast %scan3A_135 : i32 to index
        %get3A_247 = arith.constant 128 : index
        %get3A_248 = tpu.vector_load %arg9[%get3A_246, %get3A_247] {strides = array<i32>} : memref<16x1024xf32, #tpu.memory_space<vmem>>, vector<1x16xf32>,
        %get3A_249 = vector.shape_cast %get3A_248 : vector<1x16xf32> to vector<16xf32>
        %get3A_250 = arith.index_cast %scan3A_135 : i32 to index
        %get3A_251 = arith.constant 128 : index
        %get3A_252 = tpu.vector_load %arg7[%get3A_250, %get3A_251] {strides = array<i32>} : memref<16x1024xf32, #tpu.memory_space<vmem>>, vector<1x16xf32>,
        %get3A_253 = vector.shape_cast %get3A_252 : vector<1x16xf32> to vector<16xf32>
        %add3A_254 = arith.addf %get3A_249, %get3A_253 : vector<16xf32>
        %swap3A_255 = arith.index_cast %scan3A_135 : i32 to index
        %swap3A_256 = arith.constant 128 : index
        %swap3A_257 = tpu.vector_load %arg11[%swap3A_255, %swap3A_256] {strides = array<i32>} : memref<16x1024xf32, #tpu.memory_space<vmem>>, vector<1x16xf32>,
        %swap3A_258 = vector.shape_cast %swap3A_257 : vector<1x16xf32> to vector<16xf32>
        %swap3A_259 = vector.shape_cast %add3A_254 : vector<16xf32> to vector<1x16xf32>
        tpu.vector_store %arg11[%swap3A_255, %swap3A_256], %swap3A_259 {strides = array<i32>} : memref<16x1024xf32, #tpu.memory_space<vmem>>, vector<1x16xf32>,
        %get3A_260 = arith.index_cast %scan3A_135 : i32 to index
        %get3A_261 = arith.constant 144 : index
        %get3A_262 = tpu.vector_load %arg9[%get3A_260, %get3A_261] {strides = array<i32>} : memref<16x1024xf32, #tpu.memory_space<vmem>>, vector<1x16xf32>,
        %get3A_263 = vector.shape_cast %get3A_262 : vector<1x16xf32> to vector<16xf32>
        %get3A_264 = arith.index_cast %scan3A_135 : i32 to index
        %get3A_265 = arith.constant 144 : index
        %get3A_266 = tpu.vector_load %arg7[%get3A_264, %get3A_265] {strides = array<i32>} : memref<16x1024xf32, #tpu.memory_space<vmem>>, vector<1x16xf32>,
        %get3A_267 = vector.shape_cast %get3A_266 : vector<1x16xf32> to vector<16xf32>
        %add3A_268 = arith.addf %get3A_263, %get3A_267 : vector<16xf32>
        %swap3A_269 = arith.index_cast %scan3A_135 : i32 to index
        %swap3A_270 = arith.constant 144 : index
        %swap3A_271 = tpu.vector_load %arg11[%swap3A_269, %swap3A_270] {strides = array<i32>} : memref<16x1024xf32, #tpu.memory_space<vmem>>, vector<1x16xf32>,
        %swap3A_272 = vector.shape_cast %swap3A_271 : vector<1x16xf32> to vector<16xf32>
        %swap3A_273 = vector.shape_cast %add3A_268 : vector<16xf32> to vector<1x16xf32>
        tpu.vector_store %arg11[%swap3A_269, %swap3A_270], %swap3A_273 {strides = array<i32>} : memref<16x1024xf32, #tpu.memory_space<vmem>>, vector<1x16xf32>,
        %get3A_274 = arith.index_cast %scan3A_135 : i32 to index
        %get3A_275 = arith.constant 160 : index
        %get3A_276 = tpu.vector_load %arg9[%get3A_274, %get3A_275] {strides = array<i32>} : memref<16x1024xf32, #tpu.memory_space<vmem>>, vector<1x16xf32>,
        %get3A_277 = vector.shape_cast %get3A_276 : vector<1x16xf32> to vector<16xf32>
        %get3A_278 = arith.index_cast %scan3A_135 : i32 to index
        %get3A_279 = arith.constant 160 : index
        %get3A_280 = tpu.vector_load %arg7[%get3A_278, %get3A_279] {strides = array<i32>} : memref<16x1024xf32, #tpu.memory_space<vmem>>, vector<1x16xf32>,
        %get3A_281 = vector.shape_cast %get3A_280 : vector<1x16xf32> to vector<16xf32>
        %add3A_282 = arith.addf %get3A_277, %get3A_281 : vector<16xf32>
        %swap3A_283 = arith.index_cast %scan3A_135 : i32 to index
        %swap3A_284 = arith.constant 160 : index
        %swap3A_285 = tpu.vector_load %arg11[%swap3A_283, %swap3A_284] {strides = array<i32>} : memref<16x1024xf32, #tpu.memory_space<vmem>>, vector<1x16xf32>,
        %swap3A_286 = vector.shape_cast %swap3A_285 : vector<1x16xf32> to vector<16xf32>
        %swap3A_287 = vector.shape_cast %add3A_282 : vector<16xf32> to vector<1x16xf32>
        tpu.vector_store %arg11[%swap3A_283, %swap3A_284], %swap3A_287 {strides = array<i32>} : memref<16x1024xf32, #tpu.memory_space<vmem>>, vector<1x16xf32>,
        %get3A_288 = arith.index_cast %scan3A_135 : i32 to index
        %get3A_289 = arith.constant 176 : index
        %get3A_290 = tpu.vector_load %arg9[%get3A_288, %get3A_289] {strides = array<i32>} : memref<16x1024xf32, #tpu.memory_space<vmem>>, vector<1x16xf32>,
        %get3A_291 = vector.shape_cast %get3A_290 : vector<1x16xf32> to vector<16xf32>
        %get3A_292 = arith.index_cast %scan3A_135 : i32 to index
        %get3A_293 = arith.constant 176 : index
        %get3A_294 = tpu.vector_load %arg7[%get3A_292, %get3A_293] {strides = array<i32>} : memref<16x1024xf32, #tpu.memory_space<vmem>>, vector<1x16xf32>,
        %get3A_295 = vector.shape_cast %get3A_294 : vector<1x16xf32> to vector<16xf32>
        %add3A_296 = arith.addf %get3A_291, %get3A_295 : vector<16xf32>
        %swap3A_297 = arith.index_cast %scan3A_135 : i32 to index
        %swap3A_298 = arith.constant 176 : index
        %swap3A_299 = tpu.vector_load %arg11[%swap3A_297, %swap3A_298] {strides = array<i32>} : memref<16x1024xf32, #tpu.memory_space<vmem>>, vector<1x16xf32>,
        %swap3A_300 = vector.shape_cast %swap3A_299 : vector<1x16xf32> to vector<16xf32>
        %swap3A_301 = vector.shape_cast %add3A_296 : vector<16xf32> to vector<1x16xf32>
        tpu.vector_store %arg11[%swap3A_297, %swap3A_298], %swap3A_301 {strides = array<i32>} : memref<16x1024xf32, #tpu.memory_space<vmem>>, vector<1x16xf32>,
        %get3A_302 = arith.index_cast %scan3A_135 : i32 to index
        %get3A_303 = arith.constant 192 : index
        %get3A_304 = tpu.vector_load %arg9[%get3A_302, %get3A_303] {strides = array<i32>} : memref<16x1024xf32, #tpu.memory_space<vmem>>, vector<1x16xf32>,
        %get3A_305 = vector.shape_cast %get3A_304 : vector<1x16xf32> to vector<16xf32>
        %get3A_306 = arith.index_cast %scan3A_135 : i32 to index
        %get3A_307 = arith.constant 192 : index
        %get3A_308 = tpu.vector_load %arg7[%get3A_306, %get3A_307] {strides = array<i32>} : memref<16x1024xf32, #tpu.memory_space<vmem>>, vector<1x16xf32>,
        %get3A_309 = vector.shape_cast %get3A_308 : vector<1x16xf32> to vector<16xf32>
        %add3A_310 = arith.addf %get3A_305, %get3A_309 : vector<16xf32>
        %swap3A_311 = arith.index_cast %scan3A_135 : i32 to index
        %swap3A_312 = arith.constant 192 : index
        %swap3A_313 = tpu.vector_load %arg11[%swap3A_311, %swap3A_312] {strides = array<i32>} : memref<16x1024xf32, #tpu.memory_space<vmem>>, vector<1x16xf32>,
        %swap3A_314 = vector.shape_cast %swap3A_313 : vector<1x16xf32> to vector<16xf32>
        %swap3A_315 = vector.shape_cast %add3A_310 : vector<16xf32> to vector<1x16xf32>
        tpu.vector_store %arg11[%swap3A_311, %swap3A_312], %swap3A_315 {strides = array<i32>} : memref<16x1024xf32, #tpu.memory_space<vmem>>, vector<1x16xf32>,
        %get3A_316 = arith.index_cast %scan3A_135 : i32 to index
        %get3A_317 = arith.constant 208 : index
        %get3A_318 = tpu.vector_load %arg9[%get3A_316, %get3A_317] {strides = array<i32>} : memref<16x1024xf32, #tpu.memory_space<vmem>>, vector<1x16xf32>,
        %get3A_319 = vector.shape_cast %get3A_318 : vector<1x16xf32> to vector<16xf32>
        %get3A_320 = arith.index_cast %scan3A_135 : i32 to index
        %get3A_321 = arith.constant 208 : index
        %get3A_322 = tpu.vector_load %arg7[%get3A_320, %get3A_321] {strides = array<i32>} : memref<16x1024xf32, #tpu.memory_space<vmem>>, vector<1x16xf32>,
        %get3A_323 = vector.shape_cast %get3A_322 : vector<1x16xf32> to vector<16xf32>
        %add3A_324 = arith.addf %get3A_319, %get3A_323 : vector<16xf32>
        %swap3A_325 = arith.index_cast %scan3A_135 : i32 to index
        %swap3A_326 = arith.constant 208 : index
        %swap3A_327 = tpu.vector_load %arg11[%swap3A_325, %swap3A_326] {strides = array<i32>} : memref<16x1024xf32, #tpu.memory_space<vmem>>, vector<1x16xf32>,
        %swap3A_328 = vector.shape_cast %swap3A_327 : vector<1x16xf32> to vector<16xf32>
        %swap3A_329 = vector.shape_cast %add3A_324 : vector<16xf32> to vector<1x16xf32>
        tpu.vector_store %arg11[%swap3A_325, %swap3A_326], %swap3A_329 {strides = array<i32>} : memref<16x1024xf32, #tpu.memory_space<vmem>>, vector<1x16xf32>,
        %get3A_330 = arith.index_cast %scan3A_135 : i32 to index
        %get3A_331 = arith.constant 224 : index
        %get3A_332 = tpu.vector_load %arg9[%get3A_330, %get3A_331] {strides = array<i32>} : memref<16x1024xf32, #tpu.memory_space<vmem>>, vector<1x16xf32>,
        %get3A_333 = vector.shape_cast %get3A_332 : vector<1x16xf32> to vector<16xf32>
        %get3A_334 = arith.index_cast %scan3A_135 : i32 to index
        %get3A_335 = arith.constant 224 : index
        %get3A_336 = tpu.vector_load %arg7[%get3A_334, %get3A_335] {strides = array<i32>} : memref<16x1024xf32, #tpu.memory_space<vmem>>, vector<1x16xf32>,
        %get3A_337 = vector.shape_cast %get3A_336 : vector<1x16xf32> to vector<16xf32>
        %add3A_338 = arith.addf %get3A_333, %get3A_337 : vector<16xf32>
        %swap3A_339 = arith.index_cast %scan3A_135 : i32 to index
        %swap3A_340 = arith.constant 224 : index
        %swap3A_341 = tpu.vector_load %arg11[%swap3A_339, %swap3A_340] {strides = array<i32>} : memref<16x1024xf32, #tpu.memory_space<vmem>>, vector<1x16xf32>,
        %swap3A_342 = vector.shape_cast %swap3A_341 : vector<1x16xf32> to vector<16xf32>
        %swap3A_343 = vector.shape_cast %add3A_338 : vector<16xf32> to vector<1x16xf32>
        tpu.vector_store %arg11[%swap3A_339, %swap3A_340], %swap3A_343 {strides = array<i32>} : memref<16x1024xf32, #tpu.memory_space<vmem>>, vector<1x16xf32>,
        %get3A_344 = arith.index_cast %scan3A_135 : i32 to index
        %get3A_345 = arith.constant 240 : index
        %get3A_346 = tpu.vector_load %arg9[%get3A_344, %get3A_345] {strides = array<i32>} : memref<16x1024xf32, #tpu.memory_space<vmem>>, vector<1x16xf32>,
        %get3A_347 = vector.shape_cast %get3A_346 : vector<1x16xf32> to vector<16xf32>
        %get3A_348 = arith.index_cast %scan3A_135 : i32 to index
        %get3A_349 = arith.constant 240 : index
        %get3A_350 = tpu.vector_load %arg7[%get3A_348, %get3A_349] {strides = array<i32>} : memref<16x1024xf32, #tpu.memory_space<vmem>>, vector<1x16xf32>,
        %get3A_351 = vector.shape_cast %get3A_350 : vector<1x16xf32> to vector<16xf32>
        %add3A_352 = arith.addf %get3A_347, %get3A_351 : vector<16xf32>
        %swap3A_353 = arith.index_cast %scan3A_135 : i32 to index
        %swap3A_354 = arith.constant 240 : index
        %swap3A_355 = tpu.vector_load %arg11[%swap3A_353, %swap3A_354] {strides = array<i32>} : memref<16x1024xf32, #tpu.memory_space<vmem>>, vector<1x16xf32>,
        %swap3A_356 = vector.shape_cast %swap3A_355 : vector<1x16xf32> to vector<16xf32>
        %swap3A_357 = vector.shape_cast %add3A_352 : vector<16xf32> to vector<1x16xf32>
        tpu.vector_store %arg11[%swap3A_353, %swap3A_354], %swap3A_357 {strides = array<i32>} : memref<16x1024xf32, #tpu.memory_space<vmem>>, vector<1x16xf32>,
        %get3A_358 = arith.index_cast %scan3A_135 : i32 to index
        %get3A_359 = arith.constant 256 : index
        %get3A_360 = tpu.vector_load %arg9[%get3A_358, %get3A_359] {strides = array<i32>} : memref<16x1024xf32, #tpu.memory_space<vmem>>, vector<1x16xf32>,
        %get3A_361 = vector.shape_cast %get3A_360 : vector<1x16xf32> to vector<16xf32>
        %get3A_362 = arith.index_cast %scan3A_135 : i32 to index
        %get3A_363 = arith.constant 256 : index
        %get3A_364 = tpu.vector_load %arg7[%get3A_362, %get3A_363] {strides = array<i32>} : memref<16x1024xf32, #tpu.memory_space<vmem>>, vector<1x16xf32>,
        %get3A_365 = vector.shape_cast %get3A_364 : vector<1x16xf32> to vector<16xf32>
        %add3A_366 = arith.addf %get3A_361, %get3A_365 : vector<16xf32>
        %swap3A_367 = arith.index_cast %scan3A_135 : i32 to index
        %swap3A_368 = arith.constant 256 : index
        %swap3A_369 = tpu.vector_load %arg11[%swap3A_367, %swap3A_368] {strides = array<i32>} : memref<16x1024xf32, #tpu.memory_space<vmem>>, vector<1x16xf32>,
        %swap3A_370 = vector.shape_cast %swap3A_369 : vector<1x16xf32> to vector<16xf32>
        %swap3A_371 = vector.shape_cast %add3A_366 : vector<16xf32> to vector<1x16xf32>
        tpu.vector_store %arg11[%swap3A_367, %swap3A_368], %swap3A_371 {strides = array<i32>} : memref<16x1024xf32, #tpu.memory_space<vmem>>, vector<1x16xf32>,
        %get3A_372 = arith.index_cast %scan3A_135 : i32 to index
        %get3A_373 = arith.constant 272 : index
        %get3A_374 = tpu.vector_load %arg9[%get3A_372, %get3A_373] {strides = array<i32>} : memref<16x1024xf32, #tpu.memory_space<vmem>>, vector<1x16xf32>,
        %get3A_375 = vector.shape_cast %get3A_374 : vector<1x16xf32> to vector<16xf32>
        %get3A_376 = arith.index_cast %scan3A_135 : i32 to index
        %get3A_377 = arith.constant 272 : index
        %get3A_378 = tpu.vector_load %arg7[%get3A_376, %get3A_377] {strides = array<i32>} : memref<16x1024xf32, #tpu.memory_space<vmem>>, vector<1x16xf32>,
        %get3A_379 = vector.shape_cast %get3A_378 : vector<1x16xf32> to vector<16xf32>
        %add3A_380 = arith.addf %get3A_375, %get3A_379 : vector<16xf32>
        %swap3A_381 = arith.index_cast %scan3A_135 : i32 to index
        %swap3A_382 = arith.constant 272 : index
        %swap3A_383 = tpu.vector_load %arg11[%swap3A_381, %swap3A_382] {strides = array<i32>} : memref<16x1024xf32, #tpu.memory_space<vmem>>, vector<1x16xf32>,
        %swap3A_384 = vector.shape_cast %swap3A_383 : vector<1x16xf32> to vector<16xf32>
        %swap3A_385 = vector.shape_cast %add3A_380 : vector<16xf32> to vector<1x16xf32>
        tpu.vector_store %arg11[%swap3A_381, %swap3A_382], %swap3A_385 {strides = array<i32>} : memref<16x1024xf32, #tpu.memory_space<vmem>>, vector<1x16xf32>,
        %get3A_386 = arith.index_cast %scan3A_135 : i32 to index
        %get3A_387 = arith.constant 288 : index
        %get3A_388 = tpu.vector_load %arg9[%get3A_386, %get3A_387] {strides = array<i32>} : memref<16x1024xf32, #tpu.memory_space<vmem>>, vector<1x16xf32>,
        %get3A_389 = vector.shape_cast %get3A_388 : vector<1x16xf32> to vector<16xf32>
        %get3A_390 = arith.index_cast %scan3A_135 : i32 to index
        %get3A_391 = arith.constant 288 : index
        %get3A_392 = tpu.vector_load %arg7[%get3A_390, %get3A_391] {strides = array<i32>} : memref<16x1024xf32, #tpu.memory_space<vmem>>, vector<1x16xf32>,
        %get3A_393 = vector.shape_cast %get3A_392 : vector<1x16xf32> to vector<16xf32>
        %add3A_394 = arith.addf %get3A_389, %get3A_393 : vector<16xf32>
        %swap3A_395 = arith.index_cast %scan3A_135 : i32 to index
        %swap3A_396 = arith.constant 288 : index
        %swap3A_397 = tpu.vector_load %arg11[%swap3A_395, %swap3A_396] {strides = array<i32>} : memref<16x1024xf32, #tpu.memory_space<vmem>>, vector<1x16xf32>,
        %swap3A_398 = vector.shape_cast %swap3A_397 : vector<1x16xf32> to vector<16xf32>
        %swap3A_399 = vector.shape_cast %add3A_394 : vector<16xf32> to vector<1x16xf32>
        tpu.vector_store %arg11[%swap3A_395, %swap3A_396], %swap3A_399 {strides = array<i32>} : memref<16x1024xf32, #tpu.memory_space<vmem>>, vector<1x16xf32>,
        %get3A_400 = arith.index_cast %scan3A_135 : i32 to index
        %get3A_401 = arith.constant 304 : index
        %get3A_402 = tpu.vector_load %arg9[%get3A_400, %get3A_401] {strides = array<i32>} : memref<16x1024xf32, #tpu.memory_space<vmem>>, vector<1x16xf32>,
        %get3A_403 = vector.shape_cast %get3A_402 : vector<1x16xf32> to vector<16xf32>
        %get3A_404 = arith.index_cast %scan3A_135 : i32 to index
        %get3A_405 = arith.constant 304 : index
        %get3A_406 = tpu.vector_load %arg7[%get3A_404, %get3A_405] {strides = array<i32>} : memref<16x1024xf32, #tpu.memory_space<vmem>>, vector<1x16xf32>,
        %get3A_407 = vector.shape_cast %get3A_406 : vector<1x16xf32> to vector<16xf32>
        %add3A_408 = arith.addf %get3A_403, %get3A_407 : vector<16xf32>
        %swap3A_409 = arith.index_cast %scan3A_135 : i32 to index
        %swap3A_410 = arith.constant 304 : index
        %swap3A_411 = tpu.vector_load %arg11[%swap3A_409, %swap3A_410] {strides = array<i32>} : memref<16x1024xf32, #tpu.memory_space<vmem>>, vector<1x16xf32>,
        %swap3A_412 = vector.shape_cast %swap3A_411 : vector<1x16xf32> to vector<16xf32>
        %swap3A_413 = vector.shape_cast %add3A_408 : vector<16xf32> to vector<1x16xf32>
        tpu.vector_store %arg11[%swap3A_409, %swap3A_410], %swap3A_413 {strides = array<i32>} : memref<16x1024xf32, #tpu.memory_space<vmem>>, vector<1x16xf32>,
        %get3A_414 = arith.index_cast %scan3A_135 : i32 to index
        %get3A_415 = arith.constant 320 : index
        %get3A_416 = tpu.vector_load %arg9[%get3A_414, %get3A_415] {strides = array<i32>} : memref<16x1024xf32, #tpu.memory_space<vmem>>, vector<1x16xf32>,
        %get3A_417 = vector.shape_cast %get3A_416 : vector<1x16xf32> to vector<16xf32>
        %get3A_418 = arith.index_cast %scan3A_135 : i32 to index
        %get3A_419 = arith.constant 320 : index
        %get3A_420 = tpu.vector_load %arg7[%get3A_418, %get3A_419] {strides = array<i32>} : memref<16x1024xf32, #tpu.memory_space<vmem>>, vector<1x16xf32>,
        %get3A_421 = vector.shape_cast %get3A_420 : vector<1x16xf32> to vector<16xf32>
        %add3A_422 = arith.addf %get3A_417, %get3A_421 : vector<16xf32>
        %swap3A_423 = arith.index_cast %scan3A_135 : i32 to index
        %swap3A_424 = arith.constant 320 : index
        %swap3A_425 = tpu.vector_load %arg11[%swap3A_423, %swap3A_424] {strides = array<i32>} : memref<16x1024xf32, #tpu.memory_space<vmem>>, vector<1x16xf32>,
        %swap3A_426 = vector.shape_cast %swap3A_425 : vector<1x16xf32> to vector<16xf32>
        %swap3A_427 = vector.shape_cast %add3A_422 : vector<16xf32> to vector<1x16xf32>
        tpu.vector_store %arg11[%swap3A_423, %swap3A_424], %swap3A_427 {strides = array<i32>} : memref<16x1024xf32, #tpu.memory_space<vmem>>, vector<1x16xf32>,
        %get3A_428 = arith.index_cast %scan3A_135 : i32 to index
        %get3A_429 = arith.constant 336 : index
        %get3A_430 = tpu.vector_load %arg9[%get3A_428, %get3A_429] {strides = array<i32>} : memref<16x1024xf32, #tpu.memory_space<vmem>>, vector<1x16xf32>,
        %get3A_431 = vector.shape_cast %get3A_430 : vector<1x16xf32> to vector<16xf32>
        %get3A_432 = arith.index_cast %scan3A_135 : i32 to index
        %get3A_433 = arith.constant 336 : index
        %get3A_434 = tpu.vector_load %arg7[%get3A_432, %get3A_433] {strides = array<i32>} : memref<16x1024xf32, #tpu.memory_space<vmem>>, vector<1x16xf32>,
        %get3A_435 = vector.shape_cast %get3A_434 : vector<1x16xf32> to vector<16xf32>
        %add3A_436 = arith.addf %get3A_431, %get3A_435 : vector<16xf32>
        %swap3A_437 = arith.index_cast %scan3A_135 : i32 to index
        %swap3A_438 = arith.constant 336 : index
        %swap3A_439 = tpu.vector_load %arg11[%swap3A_437, %swap3A_438] {strides = array<i32>} : memref<16x1024xf32, #tpu.memory_space<vmem>>, vector<1x16xf32>,
        %swap3A_440 = vector.shape_cast %swap3A_439 : vector<1x16xf32> to vector<16xf32>
        %swap3A_441 = vector.shape_cast %add3A_436 : vector<16xf32> to vector<1x16xf32>
        tpu.vector_store %arg11[%swap3A_437, %swap3A_438], %swap3A_441 {strides = array<i32>} : memref<16x1024xf32, #tpu.memory_space<vmem>>, vector<1x16xf32>,
        %get3A_442 = arith.index_cast %scan3A_135 : i32 to index
        %get3A_443 = arith.constant 352 : index
        %get3A_444 = tpu.vector_load %arg9[%get3A_442, %get3A_443] {strides = array<i32>} : memref<16x1024xf32, #tpu.memory_space<vmem>>, vector<1x16xf32>,
        %get3A_445 = vector.shape_cast %get3A_444 : vector<1x16xf32> to vector<16xf32>
        %get3A_446 = arith.index_cast %scan3A_135 : i32 to index
        %get3A_447 = arith.constant 352 : index
        %get3A_448 = tpu.vector_load %arg7[%get3A_446, %get3A_447] {strides = array<i32>} : memref<16x1024xf32, #tpu.memory_space<vmem>>, vector<1x16xf32>,
        %get3A_449 = vector.shape_cast %get3A_448 : vector<1x16xf32> to vector<16xf32>
        %add3A_450 = arith.addf %get3A_445, %get3A_449 : vector<16xf32>
        %swap3A_451 = arith.index_cast %scan3A_135 : i32 to index
        %swap3A_452 = arith.constant 352 : index
        %swap3A_453 = tpu.vector_load %arg11[%swap3A_451, %swap3A_452] {strides = array<i32>} : memref<16x1024xf32, #tpu.memory_space<vmem>>, vector<1x16xf32>,
        %swap3A_454 = vector.shape_cast %swap3A_453 : vector<1x16xf32> to vector<16xf32>
        %swap3A_455 = vector.shape_cast %add3A_450 : vector<16xf32> to vector<1x16xf32>
        tpu.vector_store %arg11[%swap3A_451, %swap3A_452], %swap3A_455 {strides = array<i32>} : memref<16x1024xf32, #tpu.memory_space<vmem>>, vector<1x16xf32>,
        %get3A_456 = arith.index_cast %scan3A_135 : i32 to index
        %get3A_457 = arith.constant 368 : index
        %get3A_458 = tpu.vector_load %arg9[%get3A_456, %get3A_457] {strides = array<i32>} : memref<16x1024xf32, #tpu.memory_space<vmem>>, vector<1x16xf32>,
        %get3A_459 = vector.shape_cast %get3A_458 : vector<1x16xf32> to vector<16xf32>
        %get3A_460 = arith.index_cast %scan3A_135 : i32 to index
        %get3A_461 = arith.constant 368 : index
        %get3A_462 = tpu.vector_load %arg7[%get3A_460, %get3A_461] {strides = array<i32>} : memref<16x1024xf32, #tpu.memory_space<vmem>>, vector<1x16xf32>,
        %get3A_463 = vector.shape_cast %get3A_462 : vector<1x16xf32> to vector<16xf32>
        %add3A_464 = arith.addf %get3A_459, %get3A_463 : vector<16xf32>
        %swap3A_465 = arith.index_cast %scan3A_135 : i32 to index
        %swap3A_466 = arith.constant 368 : index
        %swap3A_467 = tpu.vector_load %arg11[%swap3A_465, %swap3A_466] {strides = array<i32>} : memref<16x1024xf32, #tpu.memory_space<vmem>>, vector<1x16xf32>,
        %swap3A_468 = vector.shape_cast %swap3A_467 : vector<1x16xf32> to vector<16xf32>
        %swap3A_469 = vector.shape_cast %add3A_464 : vector<16xf32> to vector<1x16xf32>
        tpu.vector_store %arg11[%swap3A_465, %swap3A_466], %swap3A_469 {strides = array<i32>} : memref<16x1024xf32, #tpu.memory_space<vmem>>, vector<1x16xf32>,
        %get3A_470 = arith.index_cast %scan3A_135 : i32 to index
        %get3A_471 = arith.constant 384 : index
        %get3A_472 = tpu.vector_load %arg9[%get3A_470, %get3A_471] {strides = array<i32>} : memref<16x1024xf32, #tpu.memory_space<vmem>>, vector<1x16xf32>,
        %get3A_473 = vector.shape_cast %get3A_472 : vector<1x16xf32> to vector<16xf32>
        %get3A_474 = arith.index_cast %scan3A_135 : i32 to index
        %get3A_475 = arith.constant 384 : index
        %get3A_476 = tpu.vector_load %arg7[%get3A_474, %get3A_475] {strides = array<i32>} : memref<16x1024xf32, #tpu.memory_space<vmem>>, vector<1x16xf32>,
        %get3A_477 = vector.shape_cast %get3A_476 : vector<1x16xf32> to vector<16xf32>
        %add3A_478 = arith.addf %get3A_473, %get3A_477 : vector<16xf32>
        %swap3A_479 = arith.index_cast %scan3A_135 : i32 to index
        %swap3A_480 = arith.constant 384 : index
        %swap3A_481 = tpu.vector_load %arg11[%swap3A_479, %swap3A_480] {strides = array<i32>} : memref<16x1024xf32, #tpu.memory_space<vmem>>, vector<1x16xf32>,
        %swap3A_482 = vector.shape_cast %swap3A_481 : vector<1x16xf32> to vector<16xf32>
        %swap3A_483 = vector.shape_cast %add3A_478 : vector<16xf32> to vector<1x16xf32>
        tpu.vector_store %arg11[%swap3A_479, %swap3A_480], %swap3A_483 {strides = array<i32>} : memref<16x1024xf32, #tpu.memory_space<vmem>>, vector<1x16xf32>,
        %get3A_484 = arith.index_cast %scan3A_135 : i32 to index
        %get3A_485 = arith.constant 400 : index
        %get3A_486 = tpu.vector_load %arg9[%get3A_484, %get3A_485] {strides = array<i32>} : memref<16x1024xf32, #tpu.memory_space<vmem>>, vector<1x16xf32>,
        %get3A_487 = vector.shape_cast %get3A_486 : vector<1x16xf32> to vector<16xf32>
        %get3A_488 = arith.index_cast %scan3A_135 : i32 to index
        %get3A_489 = arith.constant 400 : index
        %get3A_490 = tpu.vector_load %arg7[%get3A_488, %get3A_489] {strides = array<i32>} : memref<16x1024xf32, #tpu.memory_space<vmem>>, vector<1x16xf32>,
        %get3A_491 = vector.shape_cast %get3A_490 : vector<1x16xf32> to vector<16xf32>
        %add3A_492 = arith.addf %get3A_487, %get3A_491 : vector<16xf32>
        %swap3A_493 = arith.index_cast %scan3A_135 : i32 to index
        %swap3A_494 = arith.constant 400 : index
        %swap3A_495 = tpu.vector_load %arg11[%swap3A_493, %swap3A_494] {strides = array<i32>} : memref<16x1024xf32, #tpu.memory_space<vmem>>, vector<1x16xf32>,
        %swap3A_496 = vector.shape_cast %swap3A_495 : vector<1x16xf32> to vector<16xf32>
        %swap3A_497 = vector.shape_cast %add3A_492 : vector<16xf32> to vector<1x16xf32>
        tpu.vector_store %arg11[%swap3A_493, %swap3A_494], %swap3A_497 {strides = array<i32>} : memref<16x1024xf32, #tpu.memory_space<vmem>>, vector<1x16xf32>,
        %get3A_498 = arith.index_cast %scan3A_135 : i32 to index
        %get3A_499 = arith.constant 416 : index
        %get3A_500 = tpu.vector_load %arg9[%get3A_498, %get3A_499] {strides = array<i32>} : memref<16x1024xf32, #tpu.memory_space<vmem>>, vector<1x16xf32>,
        %get3A_501 = vector.shape_cast %get3A_500 : vector<1x16xf32> to vector<16xf32>
        %get3A_502 = arith.index_cast %scan3A_135 : i32 to index
        %get3A_503 = arith.constant 416 : index
        %get3A_504 = tpu.vector_load %arg7[%get3A_502, %get3A_503] {strides = array<i32>} : memref<16x1024xf32, #tpu.memory_space<vmem>>, vector<1x16xf32>,
        %get3A_505 = vector.shape_cast %get3A_504 : vector<1x16xf32> to vector<16xf32>
        %add3A_506 = arith.addf %get3A_501, %get3A_505 : vector<16xf32>
        %swap3A_507 = arith.index_cast %scan3A_135 : i32 to index
        %swap3A_508 = arith.constant 416 : index
        %swap3A_509 = tpu.vector_load %arg11[%swap3A_507, %swap3A_508] {strides = array<i32>} : memref<16x1024xf32, #tpu.memory_space<vmem>>, vector<1x16xf32>,
        %swap3A_510 = vector.shape_cast %swap3A_509 : vector<1x16xf32> to vector<16xf32>
        %swap3A_511 = vector.shape_cast %add3A_506 : vector<16xf32> to vector<1x16xf32>
        tpu.vector_store %arg11[%swap3A_507, %swap3A_508], %swap3A_511 {strides = array<i32>} : memref<16x1024xf32, #tpu.memory_space<vmem>>, vector<1x16xf32>,
        %get3A_512 = arith.index_cast %scan3A_135 : i32 to index
        %get3A_513 = arith.constant 432 : index
        %get3A_514 = tpu.vector_load %arg9[%get3A_512, %get3A_513] {strides = array<i32>} : memref<16x1024xf32, #tpu.memory_space<vmem>>, vector<1x16xf32>,
        %get3A_515 = vector.shape_cast %get3A_514 : vector<1x16xf32> to vector<16xf32>
        %get3A_516 = arith.index_cast %scan3A_135 : i32 to index
        %get3A_517 = arith.constant 432 : index
        %get3A_518 = tpu.vector_load %arg7[%get3A_516, %get3A_517] {strides = array<i32>} : memref<16x1024xf32, #tpu.memory_space<vmem>>, vector<1x16xf32>,
        %get3A_519 = vector.shape_cast %get3A_518 : vector<1x16xf32> to vector<16xf32>
        %add3A_520 = arith.addf %get3A_515, %get3A_519 : vector<16xf32>
        %swap3A_521 = arith.index_cast %scan3A_135 : i32 to index
        %swap3A_522 = arith.constant 432 : index
        %swap3A_523 = tpu.vector_load %arg11[%swap3A_521, %swap3A_522] {strides = array<i32>} : memref<16x1024xf32, #tpu.memory_space<vmem>>, vector<1x16xf32>,
        %swap3A_524 = vector.shape_cast %swap3A_523 : vector<1x16xf32> to vector<16xf32>
        %swap3A_525 = vector.shape_cast %add3A_520 : vector<16xf32> to vector<1x16xf32>
        tpu.vector_store %arg11[%swap3A_521, %swap3A_522], %swap3A_525 {strides = array<i32>} : memref<16x1024xf32, #tpu.memory_space<vmem>>, vector<1x16xf32>,
        %get3A_526 = arith.index_cast %scan3A_135 : i32 to index
        %get3A_527 = arith.constant 448 : index
        %get3A_528 = tpu.vector_load %arg9[%get3A_526, %get3A_527] {strides = array<i32>} : memref<16x1024xf32, #tpu.memory_space<vmem>>, vector<1x16xf32>,
        %get3A_529 = vector.shape_cast %get3A_528 : vector<1x16xf32> to vector<16xf32>
        %get3A_530 = arith.index_cast %scan3A_135 : i32 to index
        %get3A_531 = arith.constant 448 : index
        %get3A_532 = tpu.vector_load %arg7[%get3A_530, %get3A_531] {strides = array<i32>} : memref<16x1024xf32, #tpu.memory_space<vmem>>, vector<1x16xf32>,
        %get3A_533 = vector.shape_cast %get3A_532 : vector<1x16xf32> to vector<16xf32>
        %add3A_534 = arith.addf %get3A_529, %get3A_533 : vector<16xf32>
        %swap3A_535 = arith.index_cast %scan3A_135 : i32 to index
        %swap3A_536 = arith.constant 448 : index
        %swap3A_537 = tpu.vector_load %arg11[%swap3A_535, %swap3A_536] {strides = array<i32>} : memref<16x1024xf32, #tpu.memory_space<vmem>>, vector<1x16xf32>,
        %swap3A_538 = vector.shape_cast %swap3A_537 : vector<1x16xf32> to vector<16xf32>
        %swap3A_539 = vector.shape_cast %add3A_534 : vector<16xf32> to vector<1x16xf32>
        tpu.vector_store %arg11[%swap3A_535, %swap3A_536], %swap3A_539 {strides = array<i32>} : memref<16x1024xf32, #tpu.memory_space<vmem>>, vector<1x16xf32>,
        %get3A_540 = arith.index_cast %scan3A_135 : i32 to index
        %get3A_541 = arith.constant 464 : index
        %get3A_542 = tpu.vector_load %arg9[%get3A_540, %get3A_541] {strides = array<i32>} : memref<16x1024xf32, #tpu.memory_space<vmem>>, vector<1x16xf32>,
        %get3A_543 = vector.shape_cast %get3A_542 : vector<1x16xf32> to vector<16xf32>
        %get3A_544 = arith.index_cast %scan3A_135 : i32 to index
        %get3A_545 = arith.constant 464 : index
        %get3A_546 = tpu.vector_load %arg7[%get3A_544, %get3A_545] {strides = array<i32>} : memref<16x1024xf32, #tpu.memory_space<vmem>>, vector<1x16xf32>,
        %get3A_547 = vector.shape_cast %get3A_546 : vector<1x16xf32> to vector<16xf32>
        %add3A_548 = arith.addf %get3A_543, %get3A_547 : vector<16xf32>
        %swap3A_549 = arith.index_cast %scan3A_135 : i32 to index
        %swap3A_550 = arith.constant 464 : index
        %swap3A_551 = tpu.vector_load %arg11[%swap3A_549, %swap3A_550] {strides = array<i32>} : memref<16x1024xf32, #tpu.memory_space<vmem>>, vector<1x16xf32>,
        %swap3A_552 = vector.shape_cast %swap3A_551 : vector<1x16xf32> to vector<16xf32>
        %swap3A_553 = vector.shape_cast %add3A_548 : vector<16xf32> to vector<1x16xf32>
        tpu.vector_store %arg11[%swap3A_549, %swap3A_550], %swap3A_553 {strides = array<i32>} : memref<16x1024xf32, #tpu.memory_space<vmem>>, vector<1x16xf32>,
        %get3A_554 = arith.index_cast %scan3A_135 : i32 to index
        %get3A_555 = arith.constant 480 : index
        %get3A_556 = tpu.vector_load %arg9[%get3A_554, %get3A_555] {strides = array<i32>} : memref<16x1024xf32, #tpu.memory_space<vmem>>, vector<1x16xf32>,
        %get3A_557 = vector.shape_cast %get3A_556 : vector<1x16xf32> to vector<16xf32>
        %get3A_558 = arith.index_cast %scan3A_135 : i32 to index
        %get3A_559 = arith.constant 480 : index
        %get3A_560 = tpu.vector_load %arg7[%get3A_558, %get3A_559] {strides = array<i32>} : memref<16x1024xf32, #tpu.memory_space<vmem>>, vector<1x16xf32>,
        %get3A_561 = vector.shape_cast %get3A_560 : vector<1x16xf32> to vector<16xf32>
        %add3A_562 = arith.addf %get3A_557, %get3A_561 : vector<16xf32>
        %swap3A_563 = arith.index_cast %scan3A_135 : i32 to index
        %swap3A_564 = arith.constant 480 : index
        %swap3A_565 = tpu.vector_load %arg11[%swap3A_563, %swap3A_564] {strides = array<i32>} : memref<16x1024xf32, #tpu.memory_space<vmem>>, vector<1x16xf32>,
        %swap3A_566 = vector.shape_cast %swap3A_565 : vector<1x16xf32> to vector<16xf32>
        %swap3A_567 = vector.shape_cast %add3A_562 : vector<16xf32> to vector<1x16xf32>
        tpu.vector_store %arg11[%swap3A_563, %swap3A_564], %swap3A_567 {strides = array<i32>} : memref<16x1024xf32, #tpu.memory_space<vmem>>, vector<1x16xf32>,
        %get3A_568 = arith.index_cast %scan3A_135 : i32 to index
        %get3A_569 = arith.constant 496 : index
        %get3A_570 = tpu.vector_load %arg9[%get3A_568, %get3A_569] {strides = array<i32>} : memref<16x1024xf32, #tpu.memory_space<vmem>>, vector<1x16xf32>,
        %get3A_571 = vector.shape_cast %get3A_570 : vector<1x16xf32> to vector<16xf32>
        %get3A_572 = arith.index_cast %scan3A_135 : i32 to index
        %get3A_573 = arith.constant 496 : index
        %get3A_574 = tpu.vector_load %arg7[%get3A_572, %get3A_573] {strides = array<i32>} : memref<16x1024xf32, #tpu.memory_space<vmem>>, vector<1x16xf32>,
        %get3A_575 = vector.shape_cast %get3A_574 : vector<1x16xf32> to vector<16xf32>
        %add3A_576 = arith.addf %get3A_571, %get3A_575 : vector<16xf32>
        %swap3A_577 = arith.index_cast %scan3A_135 : i32 to index
        %swap3A_578 = arith.constant 496 : index
        %swap3A_579 = tpu.vector_load %arg11[%swap3A_577, %swap3A_578] {strides = array<i32>} : memref<16x1024xf32, #tpu.memory_space<vmem>>, vector<1x16xf32>,
        %swap3A_580 = vector.shape_cast %swap3A_579 : vector<1x16xf32> to vector<16xf32>
        %swap3A_581 = vector.shape_cast %add3A_576 : vector<16xf32> to vector<1x16xf32>
        tpu.vector_store %arg11[%swap3A_577, %swap3A_578], %swap3A_581 {strides = array<i32>} : memref<16x1024xf32, #tpu.memory_space<vmem>>, vector<1x16xf32>,
        %get3A_582 = arith.index_cast %scan3A_135 : i32 to index
        %get3A_583 = arith.constant 512 : index
        %get3A_584 = tpu.vector_load %arg9[%get3A_582, %get3A_583] {strides = array<i32>} : memref<16x1024xf32, #tpu.memory_space<vmem>>, vector<1x16xf32>,
        %get3A_585 = vector.shape_cast %get3A_584 : vector<1x16xf32> to vector<16xf32>
        %get3A_586 = arith.index_cast %scan3A_135 : i32 to index
        %get3A_587 = arith.constant 512 : index
        %get3A_588 = tpu.vector_load %arg7[%get3A_586, %get3A_587] {strides = array<i32>} : memref<16x1024xf32, #tpu.memory_space<vmem>>, vector<1x16xf32>,
        %get3A_589 = vector.shape_cast %get3A_588 : vector<1x16xf32> to vector<16xf32>
        %add3A_590 = arith.addf %get3A_585, %get3A_589 : vector<16xf32>
        %swap3A_591 = arith.index_cast %scan3A_135 : i32 to index
        %swap3A_592 = arith.constant 512 : index
        %swap3A_593 = tpu.vector_load %arg11[%swap3A_591, %swap3A_592] {strides = array<i32>} : memref<16x1024xf32, #tpu.memory_space<vmem>>, vector<1x16xf32>,
        %swap3A_594 = vector.shape_cast %swap3A_593 : vector<1x16xf32> to vector<16xf32>
        %swap3A_595 = vector.shape_cast %add3A_590 : vector<16xf32> to vector<1x16xf32>
        tpu.vector_store %arg11[%swap3A_591, %swap3A_592], %swap3A_595 {strides = array<i32>} : memref<16x1024xf32, #tpu.memory_space<vmem>>, vector<1x16xf32>,
        %get3A_596 = arith.index_cast %scan3A_135 : i32 to index
        %get3A_597 = arith.constant 528 : index
        %get3A_598 = tpu.vector_load %arg9[%get3A_596, %get3A_597] {strides = array<i32>} : memref<16x1024xf32, #tpu.memory_space<vmem>>, vector<1x16xf32>,
        %get3A_599 = vector.shape_cast %get3A_598 : vector<1x16xf32> to vector<16xf32>
        %get3A_600 = arith.index_cast %scan3A_135 : i32 to index
        %get3A_601 = arith.constant 528 : index
        %get3A_602 = tpu.vector_load %arg7[%get3A_600, %get3A_601] {strides = array<i32>} : memref<16x1024xf32, #tpu.memory_space<vmem>>, vector<1x16xf32>,
        %get3A_603 = vector.shape_cast %get3A_602 : vector<1x16xf32> to vector<16xf32>
        %add3A_604 = arith.addf %get3A_599, %get3A_603 : vector<16xf32>
        %swap3A_605 = arith.index_cast %scan3A_135 : i32 to index
        %swap3A_606 = arith.constant 528 : index
        %swap3A_607 = tpu.vector_load %arg11[%swap3A_605, %swap3A_606] {strides = array<i32>} : memref<16x1024xf32, #tpu.memory_space<vmem>>, vector<1x16xf32>,
        %swap3A_608 = vector.shape_cast %swap3A_607 : vector<1x16xf32> to vector<16xf32>
        %swap3A_609 = vector.shape_cast %add3A_604 : vector<16xf32> to vector<1x16xf32>
        tpu.vector_store %arg11[%swap3A_605, %swap3A_606], %swap3A_609 {strides = array<i32>} : memref<16x1024xf32, #tpu.memory_space<vmem>>, vector<1x16xf32>,
        %get3A_610 = arith.index_cast %scan3A_135 : i32 to index
        %get3A_611 = arith.constant 544 : index
        %get3A_612 = tpu.vector_load %arg9[%get3A_610, %get3A_611] {strides = array<i32>} : memref<16x1024xf32, #tpu.memory_space<vmem>>, vector<1x16xf32>,
        %get3A_613 = vector.shape_cast %get3A_612 : vector<1x16xf32> to vector<16xf32>
        %get3A_614 = arith.index_cast %scan3A_135 : i32 to index
        %get3A_615 = arith.constant 544 : index
        %get3A_616 = tpu.vector_load %arg7[%get3A_614, %get3A_615] {strides = array<i32>} : memref<16x1024xf32, #tpu.memory_space<vmem>>, vector<1x16xf32>,
        %get3A_617 = vector.shape_cast %get3A_616 : vector<1x16xf32> to vector<16xf32>
        %add3A_618 = arith.addf %get3A_613, %get3A_617 : vector<16xf32>
        %swap3A_619 = arith.index_cast %scan3A_135 : i32 to index
        %swap3A_620 = arith.constant 544 : index
        %swap3A_621 = tpu.vector_load %arg11[%swap3A_619, %swap3A_620] {strides = array<i32>} : memref<16x1024xf32, #tpu.memory_space<vmem>>, vector<1x16xf32>,
        %swap3A_622 = vector.shape_cast %swap3A_621 : vector<1x16xf32> to vector<16xf32>
        %swap3A_623 = vector.shape_cast %add3A_618 : vector<16xf32> to vector<1x16xf32>
        tpu.vector_store %arg11[%swap3A_619, %swap3A_620], %swap3A_623 {strides = array<i32>} : memref<16x1024xf32, #tpu.memory_space<vmem>>, vector<1x16xf32>,
        %get3A_624 = arith.index_cast %scan3A_135 : i32 to index
        %get3A_625 = arith.constant 560 : index
        %get3A_626 = tpu.vector_load %arg9[%get3A_624, %get3A_625] {strides = array<i32>} : memref<16x1024xf32, #tpu.memory_space<vmem>>, vector<1x16xf32>,
        %get3A_627 = vector.shape_cast %get3A_626 : vector<1x16xf32> to vector<16xf32>
        %get3A_628 = arith.index_cast %scan3A_135 : i32 to index
        %get3A_629 = arith.constant 560 : index
        %get3A_630 = tpu.vector_load %arg7[%get3A_628, %get3A_629] {strides = array<i32>} : memref<16x1024xf32, #tpu.memory_space<vmem>>, vector<1x16xf32>,
        %get3A_631 = vector.shape_cast %get3A_630 : vector<1x16xf32> to vector<16xf32>
        %add3A_632 = arith.addf %get3A_627, %get3A_631 : vector<16xf32>
        %swap3A_633 = arith.index_cast %scan3A_135 : i32 to index
        %swap3A_634 = arith.constant 560 : index
        %swap3A_635 = tpu.vector_load %arg11[%swap3A_633, %swap3A_634] {strides = array<i32>} : memref<16x1024xf32, #tpu.memory_space<vmem>>, vector<1x16xf32>,
        %swap3A_636 = vector.shape_cast %swap3A_635 : vector<1x16xf32> to vector<16xf32>
        %swap3A_637 = vector.shape_cast %add3A_632 : vector<16xf32> to vector<1x16xf32>
        tpu.vector_store %arg11[%swap3A_633, %swap3A_634], %swap3A_637 {strides = array<i32>} : memref<16x1024xf32, #tpu.memory_space<vmem>>, vector<1x16xf32>,
        %get3A_638 = arith.index_cast %scan3A_135 : i32 to index
        %get3A_639 = arith.constant 576 : index
        %get3A_640 = tpu.vector_load %arg9[%get3A_638, %get3A_639] {strides = array<i32>} : memref<16x1024xf32, #tpu.memory_space<vmem>>, vector<1x16xf32>,
        %get3A_641 = vector.shape_cast %get3A_640 : vector<1x16xf32> to vector<16xf32>
        %get3A_642 = arith.index_cast %scan3A_135 : i32 to index
        %get3A_643 = arith.constant 576 : index
        %get3A_644 = tpu.vector_load %arg7[%get3A_642, %get3A_643] {strides = array<i32>} : memref<16x1024xf32, #tpu.memory_space<vmem>>, vector<1x16xf32>,
        %get3A_645 = vector.shape_cast %get3A_644 : vector<1x16xf32> to vector<16xf32>
        %add3A_646 = arith.addf %get3A_641, %get3A_645 : vector<16xf32>
        %swap3A_647 = arith.index_cast %scan3A_135 : i32 to index
        %swap3A_648 = arith.constant 576 : index
        %swap3A_649 = tpu.vector_load %arg11[%swap3A_647, %swap3A_648] {strides = array<i32>} : memref<16x1024xf32, #tpu.memory_space<vmem>>, vector<1x16xf32>,
        %swap3A_650 = vector.shape_cast %swap3A_649 : vector<1x16xf32> to vector<16xf32>
        %swap3A_651 = vector.shape_cast %add3A_646 : vector<16xf32> to vector<1x16xf32>
        tpu.vector_store %arg11[%swap3A_647, %swap3A_648], %swap3A_651 {strides = array<i32>} : memref<16x1024xf32, #tpu.memory_space<vmem>>, vector<1x16xf32>,
        %get3A_652 = arith.index_cast %scan3A_135 : i32 to index
        %get3A_653 = arith.constant 592 : index
        %get3A_654 = tpu.vector_load %arg9[%get3A_652, %get3A_653] {strides = array<i32>} : memref<16x1024xf32, #tpu.memory_space<vmem>>, vector<1x16xf32>,
        %get3A_655 = vector.shape_cast %get3A_654 : vector<1x16xf32> to vector<16xf32>
        %get3A_656 = arith.index_cast %scan3A_135 : i32 to index
        %get3A_657 = arith.constant 592 : index
        %get3A_658 = tpu.vector_load %arg7[%get3A_656, %get3A_657] {strides = array<i32>} : memref<16x1024xf32, #tpu.memory_space<vmem>>, vector<1x16xf32>,
        %get3A_659 = vector.shape_cast %get3A_658 : vector<1x16xf32> to vector<16xf32>
        %add3A_660 = arith.addf %get3A_655, %get3A_659 : vector<16xf32>
        %swap3A_661 = arith.index_cast %scan3A_135 : i32 to index
        %swap3A_662 = arith.constant 592 : index
        %swap3A_663 = tpu.vector_load %arg11[%swap3A_661, %swap3A_662] {strides = array<i32>} : memref<16x1024xf32, #tpu.memory_space<vmem>>, vector<1x16xf32>,
        %swap3A_664 = vector.shape_cast %swap3A_663 : vector<1x16xf32> to vector<16xf32>
        %swap3A_665 = vector.shape_cast %add3A_660 : vector<16xf32> to vector<1x16xf32>
        tpu.vector_store %arg11[%swap3A_661, %swap3A_662], %swap3A_665 {strides = array<i32>} : memref<16x1024xf32, #tpu.memory_space<vmem>>, vector<1x16xf32>,
        %get3A_666 = arith.index_cast %scan3A_135 : i32 to index
        %get3A_667 = arith.constant 608 : index
        %get3A_668 = tpu.vector_load %arg9[%get3A_666, %get3A_667] {strides = array<i32>} : memref<16x1024xf32, #tpu.memory_space<vmem>>, vector<1x16xf32>,
        %get3A_669 = vector.shape_cast %get3A_668 : vector<1x16xf32> to vector<16xf32>
        %get3A_670 = arith.index_cast %scan3A_135 : i32 to index
        %get3A_671 = arith.constant 608 : index
        %get3A_672 = tpu.vector_load %arg7[%get3A_670, %get3A_671] {strides = array<i32>} : memref<16x1024xf32, #tpu.memory_space<vmem>>, vector<1x16xf32>,
        %get3A_673 = vector.shape_cast %get3A_672 : vector<1x16xf32> to vector<16xf32>
        %add3A_674 = arith.addf %get3A_669, %get3A_673 : vector<16xf32>
        %swap3A_675 = arith.index_cast %scan3A_135 : i32 to index
        %swap3A_676 = arith.constant 608 : index
        %swap3A_677 = tpu.vector_load %arg11[%swap3A_675, %swap3A_676] {strides = array<i32>} : memref<16x1024xf32, #tpu.memory_space<vmem>>, vector<1x16xf32>,
        %swap3A_678 = vector.shape_cast %swap3A_677 : vector<1x16xf32> to vector<16xf32>
        %swap3A_679 = vector.shape_cast %add3A_674 : vector<16xf32> to vector<1x16xf32>
        tpu.vector_store %arg11[%swap3A_675, %swap3A_676], %swap3A_679 {strides = array<i32>} : memref<16x1024xf32, #tpu.memory_space<vmem>>, vector<1x16xf32>,
        %get3A_680 = arith.index_cast %scan3A_135 : i32 to index
        %get3A_681 = arith.constant 624 : index
        %get3A_682 = tpu.vector_load %arg9[%get3A_680, %get3A_681] {strides = array<i32>} : memref<16x1024xf32, #tpu.memory_space<vmem>>, vector<1x16xf32>,
        %get3A_683 = vector.shape_cast %get3A_682 : vector<1x16xf32> to vector<16xf32>
        %get3A_684 = arith.index_cast %scan3A_135 : i32 to index
        %get3A_685 = arith.constant 624 : index
        %get3A_686 = tpu.vector_load %arg7[%get3A_684, %get3A_685] {strides = array<i32>} : memref<16x1024xf32, #tpu.memory_space<vmem>>, vector<1x16xf32>,
        %get3A_687 = vector.shape_cast %get3A_686 : vector<1x16xf32> to vector<16xf32>
        %add3A_688 = arith.addf %get3A_683, %get3A_687 : vector<16xf32>
        %swap3A_689 = arith.index_cast %scan3A_135 : i32 to index
        %swap3A_690 = arith.constant 624 : index
        %swap3A_691 = tpu.vector_load %arg11[%swap3A_689, %swap3A_690] {strides = array<i32>} : memref<16x1024xf32, #tpu.memory_space<vmem>>, vector<1x16xf32>,
        %swap3A_692 = vector.shape_cast %swap3A_691 : vector<1x16xf32> to vector<16xf32>
        %swap3A_693 = vector.shape_cast %add3A_688 : vector<16xf32> to vector<1x16xf32>
        tpu.vector_store %arg11[%swap3A_689, %swap3A_690], %swap3A_693 {strides = array<i32>} : memref<16x1024xf32, #tpu.memory_space<vmem>>, vector<1x16xf32>,
        %get3A_694 = arith.index_cast %scan3A_135 : i32 to index
        %get3A_695 = arith.constant 640 : index
        %get3A_696 = tpu.vector_load %arg9[%get3A_694, %get3A_695] {strides = array<i32>} : memref<16x1024xf32, #tpu.memory_space<vmem>>, vector<1x16xf32>,
        %get3A_697 = vector.shape_cast %get3A_696 : vector<1x16xf32> to vector<16xf32>
        %get3A_698 = arith.index_cast %scan3A_135 : i32 to index
        %get3A_699 = arith.constant 640 : index
        %get3A_700 = tpu.vector_load %arg7[%get3A_698, %get3A_699] {strides = array<i32>} : memref<16x1024xf32, #tpu.memory_space<vmem>>, vector<1x16xf32>,
        %get3A_701 = vector.shape_cast %get3A_700 : vector<1x16xf32> to vector<16xf32>
        %add3A_702 = arith.addf %get3A_697, %get3A_701 : vector<16xf32>
        %swap3A_703 = arith.index_cast %scan3A_135 : i32 to index
        %swap3A_704 = arith.constant 640 : index
        %swap3A_705 = tpu.vector_load %arg11[%swap3A_703, %swap3A_704] {strides = array<i32>} : memref<16x1024xf32, #tpu.memory_space<vmem>>, vector<1x16xf32>,
        %swap3A_706 = vector.shape_cast %swap3A_705 : vector<1x16xf32> to vector<16xf32>
        %swap3A_707 = vector.shape_cast %add3A_702 : vector<16xf32> to vector<1x16xf32>
        tpu.vector_store %arg11[%swap3A_703, %swap3A_704], %swap3A_707 {strides = array<i32>} : memref<16x1024xf32, #tpu.memory_space<vmem>>, vector<1x16xf32>,
        %get3A_708 = arith.index_cast %scan3A_135 : i32 to index
        %get3A_709 = arith.constant 656 : index
        %get3A_710 = tpu.vector_load %arg9[%get3A_708, %get3A_709] {strides = array<i32>} : memref<16x1024xf32, #tpu.memory_space<vmem>>, vector<1x16xf32>,
        %get3A_711 = vector.shape_cast %get3A_710 : vector<1x16xf32> to vector<16xf32>
        %get3A_712 = arith.index_cast %scan3A_135 : i32 to index
        %get3A_713 = arith.constant 656 : index
        %get3A_714 = tpu.vector_load %arg7[%get3A_712, %get3A_713] {strides = array<i32>} : memref<16x1024xf32, #tpu.memory_space<vmem>>, vector<1x16xf32>,
        %get3A_715 = vector.shape_cast %get3A_714 : vector<1x16xf32> to vector<16xf32>
        %add3A_716 = arith.addf %get3A_711, %get3A_715 : vector<16xf32>
        %swap3A_717 = arith.index_cast %scan3A_135 : i32 to index
        %swap3A_718 = arith.constant 656 : index
        %swap3A_719 = tpu.vector_load %arg11[%swap3A_717, %swap3A_718] {strides = array<i32>} : memref<16x1024xf32, #tpu.memory_space<vmem>>, vector<1x16xf32>,
        %swap3A_720 = vector.shape_cast %swap3A_719 : vector<1x16xf32> to vector<16xf32>
        %swap3A_721 = vector.shape_cast %add3A_716 : vector<16xf32> to vector<1x16xf32>
        tpu.vector_store %arg11[%swap3A_717, %swap3A_718], %swap3A_721 {strides = array<i32>} : memref<16x1024xf32, #tpu.memory_space<vmem>>, vector<1x16xf32>,
        %get3A_722 = arith.index_cast %scan3A_135 : i32 to index
        %get3A_723 = arith.constant 672 : index
        %get3A_724 = tpu.vector_load %arg9[%get3A_722, %get3A_723] {strides = array<i32>} : memref<16x1024xf32, #tpu.memory_space<vmem>>, vector<1x16xf32>,
        %get3A_725 = vector.shape_cast %get3A_724 : vector<1x16xf32> to vector<16xf32>
        %get3A_726 = arith.index_cast %scan3A_135 : i32 to index
        %get3A_727 = arith.constant 672 : index
        %get3A_728 = tpu.vector_load %arg7[%get3A_726, %get3A_727] {strides = array<i32>} : memref<16x1024xf32, #tpu.memory_space<vmem>>, vector<1x16xf32>,
        %get3A_729 = vector.shape_cast %get3A_728 : vector<1x16xf32> to vector<16xf32>
        %add3A_730 = arith.addf %get3A_725, %get3A_729 : vector<16xf32>
        %swap3A_731 = arith.index_cast %scan3A_135 : i32 to index
        %swap3A_732 = arith.constant 672 : index
        %swap3A_733 = tpu.vector_load %arg11[%swap3A_731, %swap3A_732] {strides = array<i32>} : memref<16x1024xf32, #tpu.memory_space<vmem>>, vector<1x16xf32>,
        %swap3A_734 = vector.shape_cast %swap3A_733 : vector<1x16xf32> to vector<16xf32>
        %swap3A_735 = vector.shape_cast %add3A_730 : vector<16xf32> to vector<1x16xf32>
        tpu.vector_store %arg11[%swap3A_731, %swap3A_732], %swap3A_735 {strides = array<i32>} : memref<16x1024xf32, #tpu.memory_space<vmem>>, vector<1x16xf32>,
        %get3A_736 = arith.index_cast %scan3A_135 : i32 to index
        %get3A_737 = arith.constant 688 : index
        %get3A_738 = tpu.vector_load %arg9[%get3A_736, %get3A_737] {strides = array<i32>} : memref<16x1024xf32, #tpu.memory_space<vmem>>, vector<1x16xf32>,
        %get3A_739 = vector.shape_cast %get3A_738 : vector<1x16xf32> to vector<16xf32>
        %get3A_740 = arith.index_cast %scan3A_135 : i32 to index
        %get3A_741 = arith.constant 688 : index
        %get3A_742 = tpu.vector_load %arg7[%get3A_740, %get3A_741] {strides = array<i32>} : memref<16x1024xf32, #tpu.memory_space<vmem>>, vector<1x16xf32>,
        %get3A_743 = vector.shape_cast %get3A_742 : vector<1x16xf32> to vector<16xf32>
        %add3A_744 = arith.addf %get3A_739, %get3A_743 : vector<16xf32>
        %swap3A_745 = arith.index_cast %scan3A_135 : i32 to index
        %swap3A_746 = arith.constant 688 : index
        %swap3A_747 = tpu.vector_load %arg11[%swap3A_745, %swap3A_746] {strides = array<i32>} : memref<16x1024xf32, #tpu.memory_space<vmem>>, vector<1x16xf32>,
        %swap3A_748 = vector.shape_cast %swap3A_747 : vector<1x16xf32> to vector<16xf32>
        %swap3A_749 = vector.shape_cast %add3A_744 : vector<16xf32> to vector<1x16xf32>
        tpu.vector_store %arg11[%swap3A_745, %swap3A_746], %swap3A_749 {strides = array<i32>} : memref<16x1024xf32, #tpu.memory_space<vmem>>, vector<1x16xf32>,
        %get3A_750 = arith.index_cast %scan3A_135 : i32 to index
        %get3A_751 = arith.constant 704 : index
        %get3A_752 = tpu.vector_load %arg9[%get3A_750, %get3A_751] {strides = array<i32>} : memref<16x1024xf32, #tpu.memory_space<vmem>>, vector<1x16xf32>,
        %get3A_753 = vector.shape_cast %get3A_752 : vector<1x16xf32> to vector<16xf32>
        %get3A_754 = arith.index_cast %scan3A_135 : i32 to index
        %get3A_755 = arith.constant 704 : index
        %get3A_756 = tpu.vector_load %arg7[%get3A_754, %get3A_755] {strides = array<i32>} : memref<16x1024xf32, #tpu.memory_space<vmem>>, vector<1x16xf32>,
        %get3A_757 = vector.shape_cast %get3A_756 : vector<1x16xf32> to vector<16xf32>
        %add3A_758 = arith.addf %get3A_753, %get3A_757 : vector<16xf32>
        %swap3A_759 = arith.index_cast %scan3A_135 : i32 to index
        %swap3A_760 = arith.constant 704 : index
        %swap3A_761 = tpu.vector_load %arg11[%swap3A_759, %swap3A_760] {strides = array<i32>} : memref<16x1024xf32, #tpu.memory_space<vmem>>, vector<1x16xf32>,
        %swap3A_762 = vector.shape_cast %swap3A_761 : vector<1x16xf32> to vector<16xf32>
        %swap3A_763 = vector.shape_cast %add3A_758 : vector<16xf32> to vector<1x16xf32>
        tpu.vector_store %arg11[%swap3A_759, %swap3A_760], %swap3A_763 {strides = array<i32>} : memref<16x1024xf32, #tpu.memory_space<vmem>>, vector<1x16xf32>,
        %get3A_764 = arith.index_cast %scan3A_135 : i32 to index
        %get3A_765 = arith.constant 720 : index
        %get3A_766 = tpu.vector_load %arg9[%get3A_764, %get3A_765] {strides = array<i32>} : memref<16x1024xf32, #tpu.memory_space<vmem>>, vector<1x16xf32>,
        %get3A_767 = vector.shape_cast %get3A_766 : vector<1x16xf32> to vector<16xf32>
        %get3A_768 = arith.index_cast %scan3A_135 : i32 to index
        %get3A_769 = arith.constant 720 : index
        %get3A_770 = tpu.vector_load %arg7[%get3A_768, %get3A_769] {strides = array<i32>} : memref<16x1024xf32, #tpu.memory_space<vmem>>, vector<1x16xf32>,
        %get3A_771 = vector.shape_cast %get3A_770 : vector<1x16xf32> to vector<16xf32>
        %add3A_772 = arith.addf %get3A_767, %get3A_771 : vector<16xf32>
        %swap3A_773 = arith.index_cast %scan3A_135 : i32 to index
        %swap3A_774 = arith.constant 720 : index
        %swap3A_775 = tpu.vector_load %arg11[%swap3A_773, %swap3A_774] {strides = array<i32>} : memref<16x1024xf32, #tpu.memory_space<vmem>>, vector<1x16xf32>,
        %swap3A_776 = vector.shape_cast %swap3A_775 : vector<1x16xf32> to vector<16xf32>
        %swap3A_777 = vector.shape_cast %add3A_772 : vector<16xf32> to vector<1x16xf32>
        tpu.vector_store %arg11[%swap3A_773, %swap3A_774], %swap3A_777 {strides = array<i32>} : memref<16x1024xf32, #tpu.memory_space<vmem>>, vector<1x16xf32>,
        %get3A_778 = arith.index_cast %scan3A_135 : i32 to index
        %get3A_779 = arith.constant 736 : index
        %get3A_780 = tpu.vector_load %arg9[%get3A_778, %get3A_779] {strides = array<i32>} : memref<16x1024xf32, #tpu.memory_space<vmem>>, vector<1x16xf32>,
        %get3A_781 = vector.shape_cast %get3A_780 : vector<1x16xf32> to vector<16xf32>
        %get3A_782 = arith.index_cast %scan3A_135 : i32 to index
        %get3A_783 = arith.constant 736 : index
        %get3A_784 = tpu.vector_load %arg7[%get3A_782, %get3A_783] {strides = array<i32>} : memref<16x1024xf32, #tpu.memory_space<vmem>>, vector<1x16xf32>,
        %get3A_785 = vector.shape_cast %get3A_784 : vector<1x16xf32> to vector<16xf32>
        %add3A_786 = arith.addf %get3A_781, %get3A_785 : vector<16xf32>
        %swap3A_787 = arith.index_cast %scan3A_135 : i32 to index
        %swap3A_788 = arith.constant 736 : index
        %swap3A_789 = tpu.vector_load %arg11[%swap3A_787, %swap3A_788] {strides = array<i32>} : memref<16x1024xf32, #tpu.memory_space<vmem>>, vector<1x16xf32>,
        %swap3A_790 = vector.shape_cast %swap3A_789 : vector<1x16xf32> to vector<16xf32>
        %swap3A_791 = vector.shape_cast %add3A_786 : vector<16xf32> to vector<1x16xf32>
        tpu.vector_store %arg11[%swap3A_787, %swap3A_788], %swap3A_791 {strides = array<i32>} : memref<16x1024xf32, #tpu.memory_space<vmem>>, vector<1x16xf32>,
        %get3A_792 = arith.index_cast %scan3A_135 : i32 to index
        %get3A_793 = arith.constant 752 : index
        %get3A_794 = tpu.vector_load %arg9[%get3A_792, %get3A_793] {strides = array<i32>} : memref<16x1024xf32, #tpu.memory_space<vmem>>, vector<1x16xf32>,
        %get3A_795 = vector.shape_cast %get3A_794 : vector<1x16xf32> to vector<16xf32>
        %get3A_796 = arith.index_cast %scan3A_135 : i32 to index
        %get3A_797 = arith.constant 752 : index
        %get3A_798 = tpu.vector_load %arg7[%get3A_796, %get3A_797] {strides = array<i32>} : memref<16x1024xf32, #tpu.memory_space<vmem>>, vector<1x16xf32>,
        %get3A_799 = vector.shape_cast %get3A_798 : vector<1x16xf32> to vector<16xf32>
        %add3A_800 = arith.addf %get3A_795, %get3A_799 : vector<16xf32>
        %swap3A_801 = arith.index_cast %scan3A_135 : i32 to index
        %swap3A_802 = arith.constant 752 : index
        %swap3A_803 = tpu.vector_load %arg11[%swap3A_801, %swap3A_802] {strides = array<i32>} : memref<16x1024xf32, #tpu.memory_space<vmem>>, vector<1x16xf32>,
        %swap3A_804 = vector.shape_cast %swap3A_803 : vector<1x16xf32> to vector<16xf32>
        %swap3A_805 = vector.shape_cast %add3A_800 : vector<16xf32> to vector<1x16xf32>
        tpu.vector_store %arg11[%swap3A_801, %swap3A_802], %swap3A_805 {strides = array<i32>} : memref<16x1024xf32, #tpu.memory_space<vmem>>, vector<1x16xf32>,
        %get3A_806 = arith.index_cast %scan3A_135 : i32 to index
        %get3A_807 = arith.constant 768 : index
        %get3A_808 = tpu.vector_load %arg9[%get3A_806, %get3A_807] {strides = array<i32>} : memref<16x1024xf32, #tpu.memory_space<vmem>>, vector<1x16xf32>,
        %get3A_809 = vector.shape_cast %get3A_808 : vector<1x16xf32> to vector<16xf32>
        %get3A_810 = arith.index_cast %scan3A_135 : i32 to index
        %get3A_811 = arith.constant 768 : index
        %get3A_812 = tpu.vector_load %arg7[%get3A_810, %get3A_811] {strides = array<i32>} : memref<16x1024xf32, #tpu.memory_space<vmem>>, vector<1x16xf32>,
        %get3A_813 = vector.shape_cast %get3A_812 : vector<1x16xf32> to vector<16xf32>
        %add3A_814 = arith.addf %get3A_809, %get3A_813 : vector<16xf32>
        %swap3A_815 = arith.index_cast %scan3A_135 : i32 to index
        %swap3A_816 = arith.constant 768 : index
        %swap3A_817 = tpu.vector_load %arg11[%swap3A_815, %swap3A_816] {strides = array<i32>} : memref<16x1024xf32, #tpu.memory_space<vmem>>, vector<1x16xf32>,
        %swap3A_818 = vector.shape_cast %swap3A_817 : vector<1x16xf32> to vector<16xf32>
        %swap3A_819 = vector.shape_cast %add3A_814 : vector<16xf32> to vector<1x16xf32>
        tpu.vector_store %arg11[%swap3A_815, %swap3A_816], %swap3A_819 {strides = array<i32>} : memref<16x1024xf32, #tpu.memory_space<vmem>>, vector<1x16xf32>,
        %get3A_820 = arith.index_cast %scan3A_135 : i32 to index
        %get3A_821 = arith.constant 784 : index
        %get3A_822 = tpu.vector_load %arg9[%get3A_820, %get3A_821] {strides = array<i32>} : memref<16x1024xf32, #tpu.memory_space<vmem>>, vector<1x16xf32>,
        %get3A_823 = vector.shape_cast %get3A_822 : vector<1x16xf32> to vector<16xf32>
        %get3A_824 = arith.index_cast %scan3A_135 : i32 to index
        %get3A_825 = arith.constant 784 : index
        %get3A_826 = tpu.vector_load %arg7[%get3A_824, %get3A_825] {strides = array<i32>} : memref<16x1024xf32, #tpu.memory_space<vmem>>, vector<1x16xf32>,
        %get3A_827 = vector.shape_cast %get3A_826 : vector<1x16xf32> to vector<16xf32>
        %add3A_828 = arith.addf %get3A_823, %get3A_827 : vector<16xf32>
        %swap3A_829 = arith.index_cast %scan3A_135 : i32 to index
        %swap3A_830 = arith.constant 784 : index
        %swap3A_831 = tpu.vector_load %arg11[%swap3A_829, %swap3A_830] {strides = array<i32>} : memref<16x1024xf32, #tpu.memory_space<vmem>>, vector<1x16xf32>,
        %swap3A_832 = vector.shape_cast %swap3A_831 : vector<1x16xf32> to vector<16xf32>
        %swap3A_833 = vector.shape_cast %add3A_828 : vector<16xf32> to vector<1x16xf32>
        tpu.vector_store %arg11[%swap3A_829, %swap3A_830], %swap3A_833 {strides = array<i32>} : memref<16x1024xf32, #tpu.memory_space<vmem>>, vector<1x16xf32>,
        %get3A_834 = arith.index_cast %scan3A_135 : i32 to index
        %get3A_835 = arith.constant 800 : index
        %get3A_836 = tpu.vector_load %arg9[%get3A_834, %get3A_835] {strides = array<i32>} : memref<16x1024xf32, #tpu.memory_space<vmem>>, vector<1x16xf32>,
        %get3A_837 = vector.shape_cast %get3A_836 : vector<1x16xf32> to vector<16xf32>
        %get3A_838 = arith.index_cast %scan3A_135 : i32 to index
        %get3A_839 = arith.constant 800 : index
        %get3A_840 = tpu.vector_load %arg7[%get3A_838, %get3A_839] {strides = array<i32>} : memref<16x1024xf32, #tpu.memory_space<vmem>>, vector<1x16xf32>,
        %get3A_841 = vector.shape_cast %get3A_840 : vector<1x16xf32> to vector<16xf32>
        %add3A_842 = arith.addf %get3A_837, %get3A_841 : vector<16xf32>
        %swap3A_843 = arith.index_cast %scan3A_135 : i32 to index
        %swap3A_844 = arith.constant 800 : index
        %swap3A_845 = tpu.vector_load %arg11[%swap3A_843, %swap3A_844] {strides = array<i32>} : memref<16x1024xf32, #tpu.memory_space<vmem>>, vector<1x16xf32>,
        %swap3A_846 = vector.shape_cast %swap3A_845 : vector<1x16xf32> to vector<16xf32>
        %swap3A_847 = vector.shape_cast %add3A_842 : vector<16xf32> to vector<1x16xf32>
        tpu.vector_store %arg11[%swap3A_843, %swap3A_844], %swap3A_847 {strides = array<i32>} : memref<16x1024xf32, #tpu.memory_space<vmem>>, vector<1x16xf32>,
        %get3A_848 = arith.index_cast %scan3A_135 : i32 to index
        %get3A_849 = arith.constant 816 : index
        %get3A_850 = tpu.vector_load %arg9[%get3A_848, %get3A_849] {strides = array<i32>} : memref<16x1024xf32, #tpu.memory_space<vmem>>, vector<1x16xf32>,
        %get3A_851 = vector.shape_cast %get3A_850 : vector<1x16xf32> to vector<16xf32>
        %get3A_852 = arith.index_cast %scan3A_135 : i32 to index
        %get3A_853 = arith.constant 816 : index
        %get3A_854 = tpu.vector_load %arg7[%get3A_852, %get3A_853] {strides = array<i32>} : memref<16x1024xf32, #tpu.memory_space<vmem>>, vector<1x16xf32>,
        %get3A_855 = vector.shape_cast %get3A_854 : vector<1x16xf32> to vector<16xf32>
        %add3A_856 = arith.addf %get3A_851, %get3A_855 : vector<16xf32>
        %swap3A_857 = arith.index_cast %scan3A_135 : i32 to index
        %swap3A_858 = arith.constant 816 : index
        %swap3A_859 = tpu.vector_load %arg11[%swap3A_857, %swap3A_858] {strides = array<i32>} : memref<16x1024xf32, #tpu.memory_space<vmem>>, vector<1x16xf32>,
        %swap3A_860 = vector.shape_cast %swap3A_859 : vector<1x16xf32> to vector<16xf32>
        %swap3A_861 = vector.shape_cast %add3A_856 : vector<16xf32> to vector<1x16xf32>
        tpu.vector_store %arg11[%swap3A_857, %swap3A_858], %swap3A_861 {strides = array<i32>} : memref<16x1024xf32, #tpu.memory_space<vmem>>, vector<1x16xf32>,
        %get3A_862 = arith.index_cast %scan3A_135 : i32 to index
        %get3A_863 = arith.constant 832 : index
        %get3A_864 = tpu.vector_load %arg9[%get3A_862, %get3A_863] {strides = array<i32>} : memref<16x1024xf32, #tpu.memory_space<vmem>>, vector<1x16xf32>,
        %get3A_865 = vector.shape_cast %get3A_864 : vector<1x16xf32> to vector<16xf32>
        %get3A_866 = arith.index_cast %scan3A_135 : i32 to index
        %get3A_867 = arith.constant 832 : index
        %get3A_868 = tpu.vector_load %arg7[%get3A_866, %get3A_867] {strides = array<i32>} : memref<16x1024xf32, #tpu.memory_space<vmem>>, vector<1x16xf32>,
        %get3A_869 = vector.shape_cast %get3A_868 : vector<1x16xf32> to vector<16xf32>
        %add3A_870 = arith.addf %get3A_865, %get3A_869 : vector<16xf32>
        %swap3A_871 = arith.index_cast %scan3A_135 : i32 to index
        %swap3A_872 = arith.constant 832 : index
        %swap3A_873 = tpu.vector_load %arg11[%swap3A_871, %swap3A_872] {strides = array<i32>} : memref<16x1024xf32, #tpu.memory_space<vmem>>, vector<1x16xf32>,
        %swap3A_874 = vector.shape_cast %swap3A_873 : vector<1x16xf32> to vector<16xf32>
        %swap3A_875 = vector.shape_cast %add3A_870 : vector<16xf32> to vector<1x16xf32>
        tpu.vector_store %arg11[%swap3A_871, %swap3A_872], %swap3A_875 {strides = array<i32>} : memref<16x1024xf32, #tpu.memory_space<vmem>>, vector<1x16xf32>,
        %get3A_876 = arith.index_cast %scan3A_135 : i32 to index
        %get3A_877 = arith.constant 848 : index
        %get3A_878 = tpu.vector_load %arg9[%get3A_876, %get3A_877] {strides = array<i32>} : memref<16x1024xf32, #tpu.memory_space<vmem>>, vector<1x16xf32>,
        %get3A_879 = vector.shape_cast %get3A_878 : vector<1x16xf32> to vector<16xf32>
        %get3A_880 = arith.index_cast %scan3A_135 : i32 to index
        %get3A_881 = arith.constant 848 : index
        %get3A_882 = tpu.vector_load %arg7[%get3A_880, %get3A_881] {strides = array<i32>} : memref<16x1024xf32, #tpu.memory_space<vmem>>, vector<1x16xf32>,
        %get3A_883 = vector.shape_cast %get3A_882 : vector<1x16xf32> to vector<16xf32>
        %add3A_884 = arith.addf %get3A_879, %get3A_883 : vector<16xf32>
        %swap3A_885 = arith.index_cast %scan3A_135 : i32 to index
        %swap3A_886 = arith.constant 848 : index
        %swap3A_887 = tpu.vector_load %arg11[%swap3A_885, %swap3A_886] {strides = array<i32>} : memref<16x1024xf32, #tpu.memory_space<vmem>>, vector<1x16xf32>,
        %swap3A_888 = vector.shape_cast %swap3A_887 : vector<1x16xf32> to vector<16xf32>
        %swap3A_889 = vector.shape_cast %add3A_884 : vector<16xf32> to vector<1x16xf32>
        tpu.vector_store %arg11[%swap3A_885, %swap3A_886], %swap3A_889 {strides = array<i32>} : memref<16x1024xf32, #tpu.memory_space<vmem>>, vector<1x16xf32>,
        %get3A_890 = arith.index_cast %scan3A_135 : i32 to index
        %get3A_891 = arith.constant 864 : index
        %get3A_892 = tpu.vector_load %arg9[%get3A_890, %get3A_891] {strides = array<i32>} : memref<16x1024xf32, #tpu.memory_space<vmem>>, vector<1x16xf32>,
        %get3A_893 = vector.shape_cast %get3A_892 : vector<1x16xf32> to vector<16xf32>
        %get3A_894 = arith.index_cast %scan3A_135 : i32 to index
        %get3A_895 = arith.constant 864 : index
        %get3A_896 = tpu.vector_load %arg7[%get3A_894, %get3A_895] {strides = array<i32>} : memref<16x1024xf32, #tpu.memory_space<vmem>>, vector<1x16xf32>,
        %get3A_897 = vector.shape_cast %get3A_896 : vector<1x16xf32> to vector<16xf32>
        %add3A_898 = arith.addf %get3A_893, %get3A_897 : vector<16xf32>
        %swap3A_899 = arith.index_cast %scan3A_135 : i32 to index
        %swap3A_900 = arith.constant 864 : index
        %swap3A_901 = tpu.vector_load %arg11[%swap3A_899, %swap3A_900] {strides = array<i32>} : memref<16x1024xf32, #tpu.memory_space<vmem>>, vector<1x16xf32>,
        %swap3A_902 = vector.shape_cast %swap3A_901 : vector<1x16xf32> to vector<16xf32>
        %swap3A_903 = vector.shape_cast %add3A_898 : vector<16xf32> to vector<1x16xf32>
        tpu.vector_store %arg11[%swap3A_899, %swap3A_900], %swap3A_903 {strides = array<i32>} : memref<16x1024xf32, #tpu.memory_space<vmem>>, vector<1x16xf32>,
        %get3A_904 = arith.index_cast %scan3A_135 : i32 to index
        %get3A_905 = arith.constant 880 : index
        %get3A_906 = tpu.vector_load %arg9[%get3A_904, %get3A_905] {strides = array<i32>} : memref<16x1024xf32, #tpu.memory_space<vmem>>, vector<1x16xf32>,
        %get3A_907 = vector.shape_cast %get3A_906 : vector<1x16xf32> to vector<16xf32>
        %get3A_908 = arith.index_cast %scan3A_135 : i32 to index
        %get3A_909 = arith.constant 880 : index
        %get3A_910 = tpu.vector_load %arg7[%get3A_908, %get3A_909] {strides = array<i32>} : memref<16x1024xf32, #tpu.memory_space<vmem>>, vector<1x16xf32>,
        %get3A_911 = vector.shape_cast %get3A_910 : vector<1x16xf32> to vector<16xf32>
        %add3A_912 = arith.addf %get3A_907, %get3A_911 : vector<16xf32>
        %swap3A_913 = arith.index_cast %scan3A_135 : i32 to index
        %swap3A_914 = arith.constant 880 : index
        %swap3A_915 = tpu.vector_load %arg11[%swap3A_913, %swap3A_914] {strides = array<i32>} : memref<16x1024xf32, #tpu.memory_space<vmem>>, vector<1x16xf32>,
        %swap3A_916 = vector.shape_cast %swap3A_915 : vector<1x16xf32> to vector<16xf32>
        %swap3A_917 = vector.shape_cast %add3A_912 : vector<16xf32> to vector<1x16xf32>
        tpu.vector_store %arg11[%swap3A_913, %swap3A_914], %swap3A_917 {strides = array<i32>} : memref<16x1024xf32, #tpu.memory_space<vmem>>, vector<1x16xf32>,
        %get3A_918 = arith.index_cast %scan3A_135 : i32 to index
        %get3A_919 = arith.constant 896 : index
        %get3A_920 = tpu.vector_load %arg9[%get3A_918, %get3A_919] {strides = array<i32>} : memref<16x1024xf32, #tpu.memory_space<vmem>>, vector<1x16xf32>,
        %get3A_921 = vector.shape_cast %get3A_920 : vector<1x16xf32> to vector<16xf32>
        %get3A_922 = arith.index_cast %scan3A_135 : i32 to index
        %get3A_923 = arith.constant 896 : index
        %get3A_924 = tpu.vector_load %arg7[%get3A_922, %get3A_923] {strides = array<i32>} : memref<16x1024xf32, #tpu.memory_space<vmem>>, vector<1x16xf32>,
        %get3A_925 = vector.shape_cast %get3A_924 : vector<1x16xf32> to vector<16xf32>
        %add3A_926 = arith.addf %get3A_921, %get3A_925 : vector<16xf32>
        %swap3A_927 = arith.index_cast %scan3A_135 : i32 to index
        %swap3A_928 = arith.constant 896 : index
        %swap3A_929 = tpu.vector_load %arg11[%swap3A_927, %swap3A_928] {strides = array<i32>} : memref<16x1024xf32, #tpu.memory_space<vmem>>, vector<1x16xf32>,
        %swap3A_930 = vector.shape_cast %swap3A_929 : vector<1x16xf32> to vector<16xf32>
        %swap3A_931 = vector.shape_cast %add3A_926 : vector<16xf32> to vector<1x16xf32>
        tpu.vector_store %arg11[%swap3A_927, %swap3A_928], %swap3A_931 {strides = array<i32>} : memref<16x1024xf32, #tpu.memory_space<vmem>>, vector<1x16xf32>,
        %get3A_932 = arith.index_cast %scan3A_135 : i32 to index
        %get3A_933 = arith.constant 912 : index
        %get3A_934 = tpu.vector_load %arg9[%get3A_932, %get3A_933] {strides = array<i32>} : memref<16x1024xf32, #tpu.memory_space<vmem>>, vector<1x16xf32>,
        %get3A_935 = vector.shape_cast %get3A_934 : vector<1x16xf32> to vector<16xf32>
        %get3A_936 = arith.index_cast %scan3A_135 : i32 to index
        %get3A_937 = arith.constant 912 : index
        %get3A_938 = tpu.vector_load %arg7[%get3A_936, %get3A_937] {strides = array<i32>} : memref<16x1024xf32, #tpu.memory_space<vmem>>, vector<1x16xf32>,
        %get3A_939 = vector.shape_cast %get3A_938 : vector<1x16xf32> to vector<16xf32>
        %add3A_940 = arith.addf %get3A_935, %get3A_939 : vector<16xf32>
        %swap3A_941 = arith.index_cast %scan3A_135 : i32 to index
        %swap3A_942 = arith.constant 912 : index
        %swap3A_943 = tpu.vector_load %arg11[%swap3A_941, %swap3A_942] {strides = array<i32>} : memref<16x1024xf32, #tpu.memory_space<vmem>>, vector<1x16xf32>,
        %swap3A_944 = vector.shape_cast %swap3A_943 : vector<1x16xf32> to vector<16xf32>
        %swap3A_945 = vector.shape_cast %add3A_940 : vector<16xf32> to vector<1x16xf32>
        tpu.vector_store %arg11[%swap3A_941, %swap3A_942], %swap3A_945 {strides = array<i32>} : memref<16x1024xf32, #tpu.memory_space<vmem>>, vector<1x16xf32>,
        %get3A_946 = arith.index_cast %scan3A_135 : i32 to index
        %get3A_947 = arith.constant 928 : index
        %get3A_948 = tpu.vector_load %arg9[%get3A_946, %get3A_947] {strides = array<i32>} : memref<16x1024xf32, #tpu.memory_space<vmem>>, vector<1x16xf32>,
        %get3A_949 = vector.shape_cast %get3A_948 : vector<1x16xf32> to vector<16xf32>
        %get3A_950 = arith.index_cast %scan3A_135 : i32 to index
        %get3A_951 = arith.constant 928 : index
        %get3A_952 = tpu.vector_load %arg7[%get3A_950, %get3A_951] {strides = array<i32>} : memref<16x1024xf32, #tpu.memory_space<vmem>>, vector<1x16xf32>,
        %get3A_953 = vector.shape_cast %get3A_952 : vector<1x16xf32> to vector<16xf32>
        %add3A_954 = arith.addf %get3A_949, %get3A_953 : vector<16xf32>
        %swap3A_955 = arith.index_cast %scan3A_135 : i32 to index
        %swap3A_956 = arith.constant 928 : index
        %swap3A_957 = tpu.vector_load %arg11[%swap3A_955, %swap3A_956] {strides = array<i32>} : memref<16x1024xf32, #tpu.memory_space<vmem>>, vector<1x16xf32>,
        %swap3A_958 = vector.shape_cast %swap3A_957 : vector<1x16xf32> to vector<16xf32>
        %swap3A_959 = vector.shape_cast %add3A_954 : vector<16xf32> to vector<1x16xf32>
        tpu.vector_store %arg11[%swap3A_955, %swap3A_956], %swap3A_959 {strides = array<i32>} : memref<16x1024xf32, #tpu.memory_space<vmem>>, vector<1x16xf32>,
        %get3A_960 = arith.index_cast %scan3A_135 : i32 to index
        %get3A_961 = arith.constant 944 : index
        %get3A_962 = tpu.vector_load %arg9[%get3A_960, %get3A_961] {strides = array<i32>} : memref<16x1024xf32, #tpu.memory_space<vmem>>, vector<1x16xf32>,
        %get3A_963 = vector.shape_cast %get3A_962 : vector<1x16xf32> to vector<16xf32>
        %get3A_964 = arith.index_cast %scan3A_135 : i32 to index
        %get3A_965 = arith.constant 944 : index
        %get3A_966 = tpu.vector_load %arg7[%get3A_964, %get3A_965] {strides = array<i32>} : memref<16x1024xf32, #tpu.memory_space<vmem>>, vector<1x16xf32>,
        %get3A_967 = vector.shape_cast %get3A_966 : vector<1x16xf32> to vector<16xf32>
        %add3A_968 = arith.addf %get3A_963, %get3A_967 : vector<16xf32>
        %swap3A_969 = arith.index_cast %scan3A_135 : i32 to index
        %swap3A_970 = arith.constant 944 : index
        %swap3A_971 = tpu.vector_load %arg11[%swap3A_969, %swap3A_970] {strides = array<i32>} : memref<16x1024xf32, #tpu.memory_space<vmem>>, vector<1x16xf32>,
        %swap3A_972 = vector.shape_cast %swap3A_971 : vector<1x16xf32> to vector<16xf32>
        %swap3A_973 = vector.shape_cast %add3A_968 : vector<16xf32> to vector<1x16xf32>
        tpu.vector_store %arg11[%swap3A_969, %swap3A_970], %swap3A_973 {strides = array<i32>} : memref<16x1024xf32, #tpu.memory_space<vmem>>, vector<1x16xf32>,
        %get3A_974 = arith.index_cast %scan3A_135 : i32 to index
        %get3A_975 = arith.constant 960 : index
        %get3A_976 = tpu.vector_load %arg9[%get3A_974, %get3A_975] {strides = array<i32>} : memref<16x1024xf32, #tpu.memory_space<vmem>>, vector<1x16xf32>,
        %get3A_977 = vector.shape_cast %get3A_976 : vector<1x16xf32> to vector<16xf32>
        %get3A_978 = arith.index_cast %scan3A_135 : i32 to index
        %get3A_979 = arith.constant 960 : index
        %get3A_980 = tpu.vector_load %arg7[%get3A_978, %get3A_979] {strides = array<i32>} : memref<16x1024xf32, #tpu.memory_space<vmem>>, vector<1x16xf32>,
        %get3A_981 = vector.shape_cast %get3A_980 : vector<1x16xf32> to vector<16xf32>
        %add3A_982 = arith.addf %get3A_977, %get3A_981 : vector<16xf32>
        %swap3A_983 = arith.index_cast %scan3A_135 : i32 to index
        %swap3A_984 = arith.constant 960 : index
        %swap3A_985 = tpu.vector_load %arg11[%swap3A_983, %swap3A_984] {strides = array<i32>} : memref<16x1024xf32, #tpu.memory_space<vmem>>, vector<1x16xf32>,
        %swap3A_986 = vector.shape_cast %swap3A_985 : vector<1x16xf32> to vector<16xf32>
        %swap3A_987 = vector.shape_cast %add3A_982 : vector<16xf32> to vector<1x16xf32>
        tpu.vector_store %arg11[%swap3A_983, %swap3A_984], %swap3A_987 {strides = array<i32>} : memref<16x1024xf32, #tpu.memory_space<vmem>>, vector<1x16xf32>,
        %get3A_988 = arith.index_cast %scan3A_135 : i32 to index
        %get3A_989 = arith.constant 976 : index
        %get3A_990 = tpu.vector_load %arg9[%get3A_988, %get3A_989] {strides = array<i32>} : memref<16x1024xf32, #tpu.memory_space<vmem>>, vector<1x16xf32>,
        %get3A_991 = vector.shape_cast %get3A_990 : vector<1x16xf32> to vector<16xf32>
        %get3A_992 = arith.index_cast %scan3A_135 : i32 to index
        %get3A_993 = arith.constant 976 : index
        %get3A_994 = tpu.vector_load %arg7[%get3A_992, %get3A_993] {strides = array<i32>} : memref<16x1024xf32, #tpu.memory_space<vmem>>, vector<1x16xf32>,
        %get3A_995 = vector.shape_cast %get3A_994 : vector<1x16xf32> to vector<16xf32>
        %add3A_996 = arith.addf %get3A_991, %get3A_995 : vector<16xf32>
        %swap3A_997 = arith.index_cast %scan3A_135 : i32 to index
        %swap3A_998 = arith.constant 976 : index
        %swap3A_999 = tpu.vector_load %arg11[%swap3A_997, %swap3A_998] {strides = array<i32>} : memref<16x1024xf32, #tpu.memory_space<vmem>>, vector<1x16xf32>,
        %swap3A_1000 = vector.shape_cast %swap3A_999 : vector<1x16xf32> to vector<16xf32>
        %swap3A_1001 = vector.shape_cast %add3A_996 : vector<16xf32> to vector<1x16xf32>
        tpu.vector_store %arg11[%swap3A_997, %swap3A_998], %swap3A_1001 {strides = array<i32>} : memref<16x1024xf32, #tpu.memory_space<vmem>>, vector<1x16xf32>,
        %get3A_1002 = arith.index_cast %scan3A_135 : i32 to index
        %get3A_1003 = arith.constant 992 : index
        %get3A_1004 = tpu.vector_load %arg9[%get3A_1002, %get3A_1003] {strides = array<i32>} : memref<16x1024xf32, #tpu.memory_space<vmem>>, vector<1x16xf32>,
        %get3A_1005 = vector.shape_cast %get3A_1004 : vector<1x16xf32> to vector<16xf32>
        %get3A_1006 = arith.index_cast %scan3A_135 : i32 to index
        %get3A_1007 = arith.constant 992 : index
        %get3A_1008 = tpu.vector_load %arg7[%get3A_1006, %get3A_1007] {strides = array<i32>} : memref<16x1024xf32, #tpu.memory_space<vmem>>, vector<1x16xf32>,
        %get3A_1009 = vector.shape_cast %get3A_1008 : vector<1x16xf32> to vector<16xf32>
        %add3A_1010 = arith.addf %get3A_1005, %get3A_1009 : vector<16xf32>
        %swap3A_1011 = arith.index_cast %scan3A_135 : i32 to index
        %swap3A_1012 = arith.constant 992 : index
        %swap3A_1013 = tpu.vector_load %arg11[%swap3A_1011, %swap3A_1012] {strides = array<i32>} : memref<16x1024xf32, #tpu.memory_space<vmem>>, vector<1x16xf32>,
        %swap3A_1014 = vector.shape_cast %swap3A_1013 : vector<1x16xf32> to vector<16xf32>
        %swap3A_1015 = vector.shape_cast %add3A_1010 : vector<16xf32> to vector<1x16xf32>
        tpu.vector_store %arg11[%swap3A_1011, %swap3A_1012], %swap3A_1015 {strides = array<i32>} : memref<16x1024xf32, #tpu.memory_space<vmem>>, vector<1x16xf32>,
        %get3A_1016 = arith.index_cast %scan3A_135 : i32 to index
        %get3A_1017 = arith.constant 1008 : index
        %get3A_1018 = tpu.vector_load %arg9[%get3A_1016, %get3A_1017] {strides = array<i32>} : memref<16x1024xf32, #tpu.memory_space<vmem>>, vector<1x16xf32>,
        %get3A_1019 = vector.shape_cast %get3A_1018 : vector<1x16xf32> to vector<16xf32>
        %get3A_1020 = arith.index_cast %scan3A_135 : i32 to index
        %get3A_1021 = arith.constant 1008 : index
        %get3A_1022 = tpu.vector_load %arg7[%get3A_1020, %get3A_1021] {strides = array<i32>} : memref<16x1024xf32, #tpu.memory_space<vmem>>, vector<1x16xf32>,
        %get3A_1023 = vector.shape_cast %get3A_1022 : vector<1x16xf32> to vector<16xf32>
        %add3A_1024 = arith.addf %get3A_1019, %get3A_1023 : vector<16xf32>
        %swap3A_1025 = arith.index_cast %scan3A_135 : i32 to index
        %swap3A_1026 = arith.constant 1008 : index
        %swap3A_1027 = tpu.vector_load %arg11[%swap3A_1025, %swap3A_1026] {strides = array<i32>} : memref<16x1024xf32, #tpu.memory_space<vmem>>, vector<1x16xf32>,
        %swap3A_1028 = vector.shape_cast %swap3A_1027 : vector<1x16xf32> to vector<16xf32>
        %swap3A_1029 = vector.shape_cast %add3A_1024 : vector<16xf32> to vector<1x16xf32>
        tpu.vector_store %arg11[%swap3A_1025, %swap3A_1026], %swap3A_1029 {strides = array<i32>} : memref<16x1024xf32, #tpu.memory_space<vmem>>, vector<1x16xf32>,
      }
      %scan3A_88 = arith.constant 16 : i32
      %dma_start3A_89 = arith.constant 0 : i32
      %dma_start3A_90 = tpu.memref_slice %arg5[%add3A_69, %dma_start3A_89] : memref<32768x1024xf32, #tpu.memory_space<hbm>> -> memref<16x1024xf32, #tpu.memory_space<hbm>>
      %dma_start3A_91 = arith.constant 0 : i32
      %dma_start3A_92 = tpu.memref_slice %arg5[%add3A_69, %dma_start3A_91] : memref<32768x1024xf32, #tpu.memory_space<hbm>> -> memref<16x1024xf32, #tpu.memory_space<hbm>>
      tpu.enqueue_dma source(%arg11 : memref<16x1024xf32, #tpu.memory_space<vmem>>) target(%dma_start3A_92 : memref<16x1024xf32, #tpu.memory_space<hbm>>) target_semaphore(%arg17 : memref<!tpu.dma_semaphore, #tpu.memory_space<semaphore_mem>>)
      %lt3A = arith.constant 31 : i32
      %lt3A_93 = arith.cmpi slt, %scan3A_62, %lt3A : i32
      %convert_element_type3A_94 = arith.extui %lt3A_93 : i1 to i32
      %cond3A_95 = arith.constant 0 : i32
      %cond3A_96 = arith.cmpi ne, %convert_element_type3A_94, %cond3A_95 : i32
      scf.if %cond3A_96 {
        %add3A_135 = arith.constant 2 : i32
        %add3A_136 = arith.addi %add3A_66, %add3A_135 : i32
        %mul3A_137 = arith.constant 16 : i32
        %mul3A_138 = arith.muli %add3A_136, %mul3A_137 : i32
        %dma_start3A_139 = tpu.memref_slice %arg6[%mul3A_138] : memref<1024xi32, #tpu.memory_space<vmem>> -> memref<16xi32, #tpu.memory_space<vmem>>
        %dma_start3A_140 = arith.constant 0 : i32
        %dma_start3A_141 = arith.constant 0 : i32
        %dma_start3A_142 = tpu.memref_slice %arg2[%dma_start3A_140, %dma_start3A_141] : memref<8192x1024xf32, #tpu.memory_space<hbm>> -> memref<8192x1024xf32, #tpu.memory_space<hbm>>
        tpu.enqueue_indirect_dma source(%dma_start3A_142 : memref<8192x1024xf32, #tpu.memory_space<hbm>>) target(%arg7 : memref<16x1024xf32, #tpu.memory_space<vmem>>) offsets(%dma_start3A_139 : memref<16xi32, #tpu.memory_space<vmem>>) semaphore(%arg13 : memref<!tpu.dma_semaphore, #tpu.memory_space<semaphore_mem>>)
        %mul3A_143 = arith.constant 16 : i32
        %mul3A_144 = arith.muli %add3A_136, %mul3A_143 : i32
        %add3A_145 = arith.addi %mul3A_2, %mul3A_144 : i32
        %dma_start3A_146 = arith.constant 0 : i32
        %dma_start3A_147 = tpu.memref_slice %arg3[%add3A_145, %dma_start3A_146] : memref<32768x1024xf32, #tpu.memory_space<hbm>> -> memref<16x1024xf32, #tpu.memory_space<hbm>>
        %dma_start3A_148 = arith.constant 0 : i32
        %dma_start3A_149 = tpu.memref_slice %arg3[%add3A_145, %dma_start3A_148] : memref<32768x1024xf32, #tpu.memory_space<hbm>> -> memref<16x1024xf32, #tpu.memory_space<hbm>>
        tpu.enqueue_dma source(%dma_start3A_149 : memref<16x1024xf32, #tpu.memory_space<hbm>>) target(%arg9 : memref<16x1024xf32, #tpu.memory_space<vmem>>) target_semaphore(%arg15 : memref<!tpu.dma_semaphore, #tpu.memory_space<semaphore_mem>>)
      } else {
      }
      %mul3A_97 = arith.constant 2 : i32
      %mul3A_98 = arith.muli %scan3A_62, %mul3A_97 : i32
      %add3A_99 = arith.constant 1 : i32
      %add3A_100 = arith.addi %mul3A_98, %add3A_99 : i32
      %mul3A_101 = arith.constant 16 : i32
      %mul3A_102 = arith.muli %add3A_100, %mul3A_101 : i32
      %add3A_103 = arith.addi %mul3A_2, %mul3A_102 : i32
      %dma_wait3A_104 = arith.constant 0 : i32
      %dma_wait3A_105 = arith.constant 0 : i32
      %dma_wait3A_106 = tpu.memref_slice %arg2[%dma_wait3A_104, %dma_wait3A_105] : memref<8192x1024xf32, #tpu.memory_space<hbm>> -> memref<16x1024xf32, #tpu.memory_space<hbm>>
      %dma_wait3A_107 = arith.constant 0 : i32
      %dma_wait3A_108 = arith.constant 0 : i32
      %dma_wait3A_109 = tpu.memref_slice %arg2[%dma_wait3A_107, %dma_wait3A_108] : memref<8192x1024xf32, #tpu.memory_space<hbm>> -> memref<16x1024xf32, #tpu.memory_space<hbm>>
      tpu.wait_dma2 semaphore(%arg14 : memref<!tpu.dma_semaphore, #tpu.memory_space<semaphore_mem>>) src(%dma_wait3A_109 : memref<16x1024xf32, #tpu.memory_space<hbm>>) dst(%arg8 : memref<16x1024xf32, #tpu.memory_space<vmem>>)
      %dma_wait3A_110 = arith.constant 0 : i32
      %dma_wait3A_111 = arith.constant 0 : i32
      %dma_wait3A_112 = tpu.memref_slice %arg3[%dma_wait3A_110, %dma_wait3A_111] : memref<32768x1024xf32, #tpu.memory_space<hbm>> -> memref<16x1024xf32, #tpu.memory_space<hbm>>
      %dma_wait3A_113 = arith.constant 0 : i32
      %dma_wait3A_114 = arith.constant 0 : i32
      %dma_wait3A_115 = tpu.memref_slice %arg3[%dma_wait3A_113, %dma_wait3A_114] : memref<32768x1024xf32, #tpu.memory_space<hbm>> -> memref<16x1024xf32, #tpu.memory_space<hbm>>
      tpu.wait_dma2 semaphore(%arg16 : memref<!tpu.dma_semaphore, #tpu.memory_space<semaphore_mem>>) src(%dma_wait3A_115 : memref<16x1024xf32, #tpu.memory_space<hbm>>) dst(%arg10 : memref<16x1024xf32, #tpu.memory_space<vmem>>)
      %gt3A_116 = arith.constant 0 : i32
      %gt3A_117 = arith.cmpi sgt, %scan3A_62, %gt3A_116 : i32
      %convert_element_type3A_118 = arith.extui %gt3A_117 : i1 to i32
      %cond3A_119 = arith.constant 0 : i32
      %cond3A_120 = arith.cmpi ne, %convert_element_type3A_118, %cond3A_119 : i32
      scf.if %cond3A_120 {
        %dma_wait3A_135 = arith.constant 0 : i32
        %dma_wait3A_136 = arith.constant 0 : i32
        %dma_wait3A_137 = tpu.memref_slice %arg5[%dma_wait3A_135, %dma_wait3A_136] : memref<32768x1024xf32, #tpu.memory_space<hbm>> -> memref<16x1024xf32, #tpu.memory_space<hbm>>
        %dma_wait3A_138 = arith.constant 0 : i32
        %dma_wait3A_139 = arith.constant 0 : i32
        %dma_wait3A_140 = tpu.memref_slice %arg5[%dma_wait3A_138, %dma_wait3A_139] : memref<32768x1024xf32, #tpu.memory_space<hbm>> -> memref<16x1024xf32, #tpu.memory_space<hbm>>
        tpu.wait_dma2 semaphore(%arg18 : memref<!tpu.dma_semaphore, #tpu.memory_space<semaphore_mem>>) src(%arg12 : memref<16x1024xf32, #tpu.memory_space<vmem>>) dst(%dma_wait3A_140 : memref<16x1024xf32, #tpu.memory_space<hbm>>)
      } else {
      }
      %scan3A_121 = arith.constant 0 : i32
      %scan3A_122 = arith.constant 16 : i32
      %scan3A_123 = arith.addi %scan3A_121, %scan3A_122 : i32
      %scan3A_124 = arith.constant 1 : i32
      scf.for %scan3A_135 = %scan3A_121 to %scan3A_123 step %scan3A_124  : i32 {
        %get3A = arith.index_cast %scan3A_135 : i32 to index
        %get3A_136 = arith.constant 0 : index
        %get3A_137 = tpu.vector_load %arg10[%get3A, %get3A_136] {strides = array<i32>} : memref<16x1024xf32, #tpu.memory_space<vmem>>, vector<1x16xf32>,
        %get3A_138 = vector.shape_cast %get3A_137 : vector<1x16xf32> to vector<16xf32>
        %get3A_139 = arith.index_cast %scan3A_135 : i32 to index
        %get3A_140 = arith.constant 0 : index
        %get3A_141 = tpu.vector_load %arg8[%get3A_139, %get3A_140] {strides = array<i32>} : memref<16x1024xf32, #tpu.memory_space<vmem>>, vector<1x16xf32>,
        %get3A_142 = vector.shape_cast %get3A_141 : vector<1x16xf32> to vector<16xf32>
        %add3A_143 = arith.addf %get3A_138, %get3A_142 : vector<16xf32>
        %swap3A = arith.index_cast %scan3A_135 : i32 to index
        %swap3A_144 = arith.constant 0 : index
        %swap3A_145 = tpu.vector_load %arg12[%swap3A, %swap3A_144] {strides = array<i32>} : memref<16x1024xf32, #tpu.memory_space<vmem>>, vector<1x16xf32>,
        %swap3A_146 = vector.shape_cast %swap3A_145 : vector<1x16xf32> to vector<16xf32>
        %swap3A_147 = vector.shape_cast %add3A_143 : vector<16xf32> to vector<1x16xf32>
        tpu.vector_store %arg12[%swap3A, %swap3A_144], %swap3A_147 {strides = array<i32>} : memref<16x1024xf32, #tpu.memory_space<vmem>>, vector<1x16xf32>,
        %get3A_148 = arith.index_cast %scan3A_135 : i32 to index
        %get3A_149 = arith.constant 16 : index
        %get3A_150 = tpu.vector_load %arg10[%get3A_148, %get3A_149] {strides = array<i32>} : memref<16x1024xf32, #tpu.memory_space<vmem>>, vector<1x16xf32>,
        %get3A_151 = vector.shape_cast %get3A_150 : vector<1x16xf32> to vector<16xf32>
        %get3A_152 = arith.index_cast %scan3A_135 : i32 to index
        %get3A_153 = arith.constant 16 : index
        %get3A_154 = tpu.vector_load %arg8[%get3A_152, %get3A_153] {strides = array<i32>} : memref<16x1024xf32, #tpu.memory_space<vmem>>, vector<1x16xf32>,
        %get3A_155 = vector.shape_cast %get3A_154 : vector<1x16xf32> to vector<16xf32>
        %add3A_156 = arith.addf %get3A_151, %get3A_155 : vector<16xf32>
        %swap3A_157 = arith.index_cast %scan3A_135 : i32 to index
        %swap3A_158 = arith.constant 16 : index
        %swap3A_159 = tpu.vector_load %arg12[%swap3A_157, %swap3A_158] {strides = array<i32>} : memref<16x1024xf32, #tpu.memory_space<vmem>>, vector<1x16xf32>,
        %swap3A_160 = vector.shape_cast %swap3A_159 : vector<1x16xf32> to vector<16xf32>
        %swap3A_161 = vector.shape_cast %add3A_156 : vector<16xf32> to vector<1x16xf32>
        tpu.vector_store %arg12[%swap3A_157, %swap3A_158], %swap3A_161 {strides = array<i32>} : memref<16x1024xf32, #tpu.memory_space<vmem>>, vector<1x16xf32>,
        %get3A_162 = arith.index_cast %scan3A_135 : i32 to index
        %get3A_163 = arith.constant 32 : index
        %get3A_164 = tpu.vector_load %arg10[%get3A_162, %get3A_163] {strides = array<i32>} : memref<16x1024xf32, #tpu.memory_space<vmem>>, vector<1x16xf32>,
        %get3A_165 = vector.shape_cast %get3A_164 : vector<1x16xf32> to vector<16xf32>
        %get3A_166 = arith.index_cast %scan3A_135 : i32 to index
        %get3A_167 = arith.constant 32 : index
        %get3A_168 = tpu.vector_load %arg8[%get3A_166, %get3A_167] {strides = array<i32>} : memref<16x1024xf32, #tpu.memory_space<vmem>>, vector<1x16xf32>,
        %get3A_169 = vector.shape_cast %get3A_168 : vector<1x16xf32> to vector<16xf32>
        %add3A_170 = arith.addf %get3A_165, %get3A_169 : vector<16xf32>
        %swap3A_171 = arith.index_cast %scan3A_135 : i32 to index
        %swap3A_172 = arith.constant 32 : index
        %swap3A_173 = tpu.vector_load %arg12[%swap3A_171, %swap3A_172] {strides = array<i32>} : memref<16x1024xf32, #tpu.memory_space<vmem>>, vector<1x16xf32>,
        %swap3A_174 = vector.shape_cast %swap3A_173 : vector<1x16xf32> to vector<16xf32>
        %swap3A_175 = vector.shape_cast %add3A_170 : vector<16xf32> to vector<1x16xf32>
        tpu.vector_store %arg12[%swap3A_171, %swap3A_172], %swap3A_175 {strides = array<i32>} : memref<16x1024xf32, #tpu.memory_space<vmem>>, vector<1x16xf32>,
        %get3A_176 = arith.index_cast %scan3A_135 : i32 to index
        %get3A_177 = arith.constant 48 : index
        %get3A_178 = tpu.vector_load %arg10[%get3A_176, %get3A_177] {strides = array<i32>} : memref<16x1024xf32, #tpu.memory_space<vmem>>, vector<1x16xf32>,
        %get3A_179 = vector.shape_cast %get3A_178 : vector<1x16xf32> to vector<16xf32>
        %get3A_180 = arith.index_cast %scan3A_135 : i32 to index
        %get3A_181 = arith.constant 48 : index
        %get3A_182 = tpu.vector_load %arg8[%get3A_180, %get3A_181] {strides = array<i32>} : memref<16x1024xf32, #tpu.memory_space<vmem>>, vector<1x16xf32>,
        %get3A_183 = vector.shape_cast %get3A_182 : vector<1x16xf32> to vector<16xf32>
        %add3A_184 = arith.addf %get3A_179, %get3A_183 : vector<16xf32>
        %swap3A_185 = arith.index_cast %scan3A_135 : i32 to index
        %swap3A_186 = arith.constant 48 : index
        %swap3A_187 = tpu.vector_load %arg12[%swap3A_185, %swap3A_186] {strides = array<i32>} : memref<16x1024xf32, #tpu.memory_space<vmem>>, vector<1x16xf32>,
        %swap3A_188 = vector.shape_cast %swap3A_187 : vector<1x16xf32> to vector<16xf32>
        %swap3A_189 = vector.shape_cast %add3A_184 : vector<16xf32> to vector<1x16xf32>
        tpu.vector_store %arg12[%swap3A_185, %swap3A_186], %swap3A_189 {strides = array<i32>} : memref<16x1024xf32, #tpu.memory_space<vmem>>, vector<1x16xf32>,
        %get3A_190 = arith.index_cast %scan3A_135 : i32 to index
        %get3A_191 = arith.constant 64 : index
        %get3A_192 = tpu.vector_load %arg10[%get3A_190, %get3A_191] {strides = array<i32>} : memref<16x1024xf32, #tpu.memory_space<vmem>>, vector<1x16xf32>,
        %get3A_193 = vector.shape_cast %get3A_192 : vector<1x16xf32> to vector<16xf32>
        %get3A_194 = arith.index_cast %scan3A_135 : i32 to index
        %get3A_195 = arith.constant 64 : index
        %get3A_196 = tpu.vector_load %arg8[%get3A_194, %get3A_195] {strides = array<i32>} : memref<16x1024xf32, #tpu.memory_space<vmem>>, vector<1x16xf32>,
        %get3A_197 = vector.shape_cast %get3A_196 : vector<1x16xf32> to vector<16xf32>
        %add3A_198 = arith.addf %get3A_193, %get3A_197 : vector<16xf32>
        %swap3A_199 = arith.index_cast %scan3A_135 : i32 to index
        %swap3A_200 = arith.constant 64 : index
        %swap3A_201 = tpu.vector_load %arg12[%swap3A_199, %swap3A_200] {strides = array<i32>} : memref<16x1024xf32, #tpu.memory_space<vmem>>, vector<1x16xf32>,
        %swap3A_202 = vector.shape_cast %swap3A_201 : vector<1x16xf32> to vector<16xf32>
        %swap3A_203 = vector.shape_cast %add3A_198 : vector<16xf32> to vector<1x16xf32>
        tpu.vector_store %arg12[%swap3A_199, %swap3A_200], %swap3A_203 {strides = array<i32>} : memref<16x1024xf32, #tpu.memory_space<vmem>>, vector<1x16xf32>,
        %get3A_204 = arith.index_cast %scan3A_135 : i32 to index
        %get3A_205 = arith.constant 80 : index
        %get3A_206 = tpu.vector_load %arg10[%get3A_204, %get3A_205] {strides = array<i32>} : memref<16x1024xf32, #tpu.memory_space<vmem>>, vector<1x16xf32>,
        %get3A_207 = vector.shape_cast %get3A_206 : vector<1x16xf32> to vector<16xf32>
        %get3A_208 = arith.index_cast %scan3A_135 : i32 to index
        %get3A_209 = arith.constant 80 : index
        %get3A_210 = tpu.vector_load %arg8[%get3A_208, %get3A_209] {strides = array<i32>} : memref<16x1024xf32, #tpu.memory_space<vmem>>, vector<1x16xf32>,
        %get3A_211 = vector.shape_cast %get3A_210 : vector<1x16xf32> to vector<16xf32>
        %add3A_212 = arith.addf %get3A_207, %get3A_211 : vector<16xf32>
        %swap3A_213 = arith.index_cast %scan3A_135 : i32 to index
        %swap3A_214 = arith.constant 80 : index
        %swap3A_215 = tpu.vector_load %arg12[%swap3A_213, %swap3A_214] {strides = array<i32>} : memref<16x1024xf32, #tpu.memory_space<vmem>>, vector<1x16xf32>,
        %swap3A_216 = vector.shape_cast %swap3A_215 : vector<1x16xf32> to vector<16xf32>
        %swap3A_217 = vector.shape_cast %add3A_212 : vector<16xf32> to vector<1x16xf32>
        tpu.vector_store %arg12[%swap3A_213, %swap3A_214], %swap3A_217 {strides = array<i32>} : memref<16x1024xf32, #tpu.memory_space<vmem>>, vector<1x16xf32>,
        %get3A_218 = arith.index_cast %scan3A_135 : i32 to index
        %get3A_219 = arith.constant 96 : index
        %get3A_220 = tpu.vector_load %arg10[%get3A_218, %get3A_219] {strides = array<i32>} : memref<16x1024xf32, #tpu.memory_space<vmem>>, vector<1x16xf32>,
        %get3A_221 = vector.shape_cast %get3A_220 : vector<1x16xf32> to vector<16xf32>
        %get3A_222 = arith.index_cast %scan3A_135 : i32 to index
        %get3A_223 = arith.constant 96 : index
        %get3A_224 = tpu.vector_load %arg8[%get3A_222, %get3A_223] {strides = array<i32>} : memref<16x1024xf32, #tpu.memory_space<vmem>>, vector<1x16xf32>,
        %get3A_225 = vector.shape_cast %get3A_224 : vector<1x16xf32> to vector<16xf32>
        %add3A_226 = arith.addf %get3A_221, %get3A_225 : vector<16xf32>
        %swap3A_227 = arith.index_cast %scan3A_135 : i32 to index
        %swap3A_228 = arith.constant 96 : index
        %swap3A_229 = tpu.vector_load %arg12[%swap3A_227, %swap3A_228] {strides = array<i32>} : memref<16x1024xf32, #tpu.memory_space<vmem>>, vector<1x16xf32>,
        %swap3A_230 = vector.shape_cast %swap3A_229 : vector<1x16xf32> to vector<16xf32>
        %swap3A_231 = vector.shape_cast %add3A_226 : vector<16xf32> to vector<1x16xf32>
        tpu.vector_store %arg12[%swap3A_227, %swap3A_228], %swap3A_231 {strides = array<i32>} : memref<16x1024xf32, #tpu.memory_space<vmem>>, vector<1x16xf32>,
        %get3A_232 = arith.index_cast %scan3A_135 : i32 to index
        %get3A_233 = arith.constant 112 : index
        %get3A_234 = tpu.vector_load %arg10[%get3A_232, %get3A_233] {strides = array<i32>} : memref<16x1024xf32, #tpu.memory_space<vmem>>, vector<1x16xf32>,
        %get3A_235 = vector.shape_cast %get3A_234 : vector<1x16xf32> to vector<16xf32>
        %get3A_236 = arith.index_cast %scan3A_135 : i32 to index
        %get3A_237 = arith.constant 112 : index
        %get3A_238 = tpu.vector_load %arg8[%get3A_236, %get3A_237] {strides = array<i32>} : memref<16x1024xf32, #tpu.memory_space<vmem>>, vector<1x16xf32>,
        %get3A_239 = vector.shape_cast %get3A_238 : vector<1x16xf32> to vector<16xf32>
        %add3A_240 = arith.addf %get3A_235, %get3A_239 : vector<16xf32>
        %swap3A_241 = arith.index_cast %scan3A_135 : i32 to index
        %swap3A_242 = arith.constant 112 : index
        %swap3A_243 = tpu.vector_load %arg12[%swap3A_241, %swap3A_242] {strides = array<i32>} : memref<16x1024xf32, #tpu.memory_space<vmem>>, vector<1x16xf32>,
        %swap3A_244 = vector.shape_cast %swap3A_243 : vector<1x16xf32> to vector<16xf32>
        %swap3A_245 = vector.shape_cast %add3A_240 : vector<16xf32> to vector<1x16xf32>
        tpu.vector_store %arg12[%swap3A_241, %swap3A_242], %swap3A_245 {strides = array<i32>} : memref<16x1024xf32, #tpu.memory_space<vmem>>, vector<1x16xf32>,
        %get3A_246 = arith.index_cast %scan3A_135 : i32 to index
        %get3A_247 = arith.constant 128 : index
        %get3A_248 = tpu.vector_load %arg10[%get3A_246, %get3A_247] {strides = array<i32>} : memref<16x1024xf32, #tpu.memory_space<vmem>>, vector<1x16xf32>,
        %get3A_249 = vector.shape_cast %get3A_248 : vector<1x16xf32> to vector<16xf32>
        %get3A_250 = arith.index_cast %scan3A_135 : i32 to index
        %get3A_251 = arith.constant 128 : index
        %get3A_252 = tpu.vector_load %arg8[%get3A_250, %get3A_251] {strides = array<i32>} : memref<16x1024xf32, #tpu.memory_space<vmem>>, vector<1x16xf32>,
        %get3A_253 = vector.shape_cast %get3A_252 : vector<1x16xf32> to vector<16xf32>
        %add3A_254 = arith.addf %get3A_249, %get3A_253 : vector<16xf32>
        %swap3A_255 = arith.index_cast %scan3A_135 : i32 to index
        %swap3A_256 = arith.constant 128 : index
        %swap3A_257 = tpu.vector_load %arg12[%swap3A_255, %swap3A_256] {strides = array<i32>} : memref<16x1024xf32, #tpu.memory_space<vmem>>, vector<1x16xf32>,
        %swap3A_258 = vector.shape_cast %swap3A_257 : vector<1x16xf32> to vector<16xf32>
        %swap3A_259 = vector.shape_cast %add3A_254 : vector<16xf32> to vector<1x16xf32>
        tpu.vector_store %arg12[%swap3A_255, %swap3A_256], %swap3A_259 {strides = array<i32>} : memref<16x1024xf32, #tpu.memory_space<vmem>>, vector<1x16xf32>,
        %get3A_260 = arith.index_cast %scan3A_135 : i32 to index
        %get3A_261 = arith.constant 144 : index
        %get3A_262 = tpu.vector_load %arg10[%get3A_260, %get3A_261] {strides = array<i32>} : memref<16x1024xf32, #tpu.memory_space<vmem>>, vector<1x16xf32>,
        %get3A_263 = vector.shape_cast %get3A_262 : vector<1x16xf32> to vector<16xf32>
        %get3A_264 = arith.index_cast %scan3A_135 : i32 to index
        %get3A_265 = arith.constant 144 : index
        %get3A_266 = tpu.vector_load %arg8[%get3A_264, %get3A_265] {strides = array<i32>} : memref<16x1024xf32, #tpu.memory_space<vmem>>, vector<1x16xf32>,
        %get3A_267 = vector.shape_cast %get3A_266 : vector<1x16xf32> to vector<16xf32>
        %add3A_268 = arith.addf %get3A_263, %get3A_267 : vector<16xf32>
        %swap3A_269 = arith.index_cast %scan3A_135 : i32 to index
        %swap3A_270 = arith.constant 144 : index
        %swap3A_271 = tpu.vector_load %arg12[%swap3A_269, %swap3A_270] {strides = array<i32>} : memref<16x1024xf32, #tpu.memory_space<vmem>>, vector<1x16xf32>,
        %swap3A_272 = vector.shape_cast %swap3A_271 : vector<1x16xf32> to vector<16xf32>
        %swap3A_273 = vector.shape_cast %add3A_268 : vector<16xf32> to vector<1x16xf32>
        tpu.vector_store %arg12[%swap3A_269, %swap3A_270], %swap3A_273 {strides = array<i32>} : memref<16x1024xf32, #tpu.memory_space<vmem>>, vector<1x16xf32>,
        %get3A_274 = arith.index_cast %scan3A_135 : i32 to index
        %get3A_275 = arith.constant 160 : index
        %get3A_276 = tpu.vector_load %arg10[%get3A_274, %get3A_275] {strides = array<i32>} : memref<16x1024xf32, #tpu.memory_space<vmem>>, vector<1x16xf32>,
        %get3A_277 = vector.shape_cast %get3A_276 : vector<1x16xf32> to vector<16xf32>
        %get3A_278 = arith.index_cast %scan3A_135 : i32 to index
        %get3A_279 = arith.constant 160 : index
        %get3A_280 = tpu.vector_load %arg8[%get3A_278, %get3A_279] {strides = array<i32>} : memref<16x1024xf32, #tpu.memory_space<vmem>>, vector<1x16xf32>,
        %get3A_281 = vector.shape_cast %get3A_280 : vector<1x16xf32> to vector<16xf32>
        %add3A_282 = arith.addf %get3A_277, %get3A_281 : vector<16xf32>
        %swap3A_283 = arith.index_cast %scan3A_135 : i32 to index
        %swap3A_284 = arith.constant 160 : index
        %swap3A_285 = tpu.vector_load %arg12[%swap3A_283, %swap3A_284] {strides = array<i32>} : memref<16x1024xf32, #tpu.memory_space<vmem>>, vector<1x16xf32>,
        %swap3A_286 = vector.shape_cast %swap3A_285 : vector<1x16xf32> to vector<16xf32>
        %swap3A_287 = vector.shape_cast %add3A_282 : vector<16xf32> to vector<1x16xf32>
        tpu.vector_store %arg12[%swap3A_283, %swap3A_284], %swap3A_287 {strides = array<i32>} : memref<16x1024xf32, #tpu.memory_space<vmem>>, vector<1x16xf32>,
        %get3A_288 = arith.index_cast %scan3A_135 : i32 to index
        %get3A_289 = arith.constant 176 : index
        %get3A_290 = tpu.vector_load %arg10[%get3A_288, %get3A_289] {strides = array<i32>} : memref<16x1024xf32, #tpu.memory_space<vmem>>, vector<1x16xf32>,
        %get3A_291 = vector.shape_cast %get3A_290 : vector<1x16xf32> to vector<16xf32>
        %get3A_292 = arith.index_cast %scan3A_135 : i32 to index
        %get3A_293 = arith.constant 176 : index
        %get3A_294 = tpu.vector_load %arg8[%get3A_292, %get3A_293] {strides = array<i32>} : memref<16x1024xf32, #tpu.memory_space<vmem>>, vector<1x16xf32>,
        %get3A_295 = vector.shape_cast %get3A_294 : vector<1x16xf32> to vector<16xf32>
        %add3A_296 = arith.addf %get3A_291, %get3A_295 : vector<16xf32>
        %swap3A_297 = arith.index_cast %scan3A_135 : i32 to index
        %swap3A_298 = arith.constant 176 : index
        %swap3A_299 = tpu.vector_load %arg12[%swap3A_297, %swap3A_298] {strides = array<i32>} : memref<16x1024xf32, #tpu.memory_space<vmem>>, vector<1x16xf32>,
        %swap3A_300 = vector.shape_cast %swap3A_299 : vector<1x16xf32> to vector<16xf32>
        %swap3A_301 = vector.shape_cast %add3A_296 : vector<16xf32> to vector<1x16xf32>
        tpu.vector_store %arg12[%swap3A_297, %swap3A_298], %swap3A_301 {strides = array<i32>} : memref<16x1024xf32, #tpu.memory_space<vmem>>, vector<1x16xf32>,
        %get3A_302 = arith.index_cast %scan3A_135 : i32 to index
        %get3A_303 = arith.constant 192 : index
        %get3A_304 = tpu.vector_load %arg10[%get3A_302, %get3A_303] {strides = array<i32>} : memref<16x1024xf32, #tpu.memory_space<vmem>>, vector<1x16xf32>,
        %get3A_305 = vector.shape_cast %get3A_304 : vector<1x16xf32> to vector<16xf32>
        %get3A_306 = arith.index_cast %scan3A_135 : i32 to index
        %get3A_307 = arith.constant 192 : index
        %get3A_308 = tpu.vector_load %arg8[%get3A_306, %get3A_307] {strides = array<i32>} : memref<16x1024xf32, #tpu.memory_space<vmem>>, vector<1x16xf32>,
        %get3A_309 = vector.shape_cast %get3A_308 : vector<1x16xf32> to vector<16xf32>
        %add3A_310 = arith.addf %get3A_305, %get3A_309 : vector<16xf32>
        %swap3A_311 = arith.index_cast %scan3A_135 : i32 to index
        %swap3A_312 = arith.constant 192 : index
        %swap3A_313 = tpu.vector_load %arg12[%swap3A_311, %swap3A_312] {strides = array<i32>} : memref<16x1024xf32, #tpu.memory_space<vmem>>, vector<1x16xf32>,
        %swap3A_314 = vector.shape_cast %swap3A_313 : vector<1x16xf32> to vector<16xf32>
        %swap3A_315 = vector.shape_cast %add3A_310 : vector<16xf32> to vector<1x16xf32>
        tpu.vector_store %arg12[%swap3A_311, %swap3A_312], %swap3A_315 {strides = array<i32>} : memref<16x1024xf32, #tpu.memory_space<vmem>>, vector<1x16xf32>,
        %get3A_316 = arith.index_cast %scan3A_135 : i32 to index
        %get3A_317 = arith.constant 208 : index
        %get3A_318 = tpu.vector_load %arg10[%get3A_316, %get3A_317] {strides = array<i32>} : memref<16x1024xf32, #tpu.memory_space<vmem>>, vector<1x16xf32>,
        %get3A_319 = vector.shape_cast %get3A_318 : vector<1x16xf32> to vector<16xf32>
        %get3A_320 = arith.index_cast %scan3A_135 : i32 to index
        %get3A_321 = arith.constant 208 : index
        %get3A_322 = tpu.vector_load %arg8[%get3A_320, %get3A_321] {strides = array<i32>} : memref<16x1024xf32, #tpu.memory_space<vmem>>, vector<1x16xf32>,
        %get3A_323 = vector.shape_cast %get3A_322 : vector<1x16xf32> to vector<16xf32>
        %add3A_324 = arith.addf %get3A_319, %get3A_323 : vector<16xf32>
        %swap3A_325 = arith.index_cast %scan3A_135 : i32 to index
        %swap3A_326 = arith.constant 208 : index
        %swap3A_327 = tpu.vector_load %arg12[%swap3A_325, %swap3A_326] {strides = array<i32>} : memref<16x1024xf32, #tpu.memory_space<vmem>>, vector<1x16xf32>,
        %swap3A_328 = vector.shape_cast %swap3A_327 : vector<1x16xf32> to vector<16xf32>
        %swap3A_329 = vector.shape_cast %add3A_324 : vector<16xf32> to vector<1x16xf32>
        tpu.vector_store %arg12[%swap3A_325, %swap3A_326], %swap3A_329 {strides = array<i32>} : memref<16x1024xf32, #tpu.memory_space<vmem>>, vector<1x16xf32>,
        %get3A_330 = arith.index_cast %scan3A_135 : i32 to index
        %get3A_331 = arith.constant 224 : index
        %get3A_332 = tpu.vector_load %arg10[%get3A_330, %get3A_331] {strides = array<i32>} : memref<16x1024xf32, #tpu.memory_space<vmem>>, vector<1x16xf32>,
        %get3A_333 = vector.shape_cast %get3A_332 : vector<1x16xf32> to vector<16xf32>
        %get3A_334 = arith.index_cast %scan3A_135 : i32 to index
        %get3A_335 = arith.constant 224 : index
        %get3A_336 = tpu.vector_load %arg8[%get3A_334, %get3A_335] {strides = array<i32>} : memref<16x1024xf32, #tpu.memory_space<vmem>>, vector<1x16xf32>,
        %get3A_337 = vector.shape_cast %get3A_336 : vector<1x16xf32> to vector<16xf32>
        %add3A_338 = arith.addf %get3A_333, %get3A_337 : vector<16xf32>
        %swap3A_339 = arith.index_cast %scan3A_135 : i32 to index
        %swap3A_340 = arith.constant 224 : index
        %swap3A_341 = tpu.vector_load %arg12[%swap3A_339, %swap3A_340] {strides = array<i32>} : memref<16x1024xf32, #tpu.memory_space<vmem>>, vector<1x16xf32>,
        %swap3A_342 = vector.shape_cast %swap3A_341 : vector<1x16xf32> to vector<16xf32>
        %swap3A_343 = vector.shape_cast %add3A_338 : vector<16xf32> to vector<1x16xf32>
        tpu.vector_store %arg12[%swap3A_339, %swap3A_340], %swap3A_343 {strides = array<i32>} : memref<16x1024xf32, #tpu.memory_space<vmem>>, vector<1x16xf32>,
        %get3A_344 = arith.index_cast %scan3A_135 : i32 to index
        %get3A_345 = arith.constant 240 : index
        %get3A_346 = tpu.vector_load %arg10[%get3A_344, %get3A_345] {strides = array<i32>} : memref<16x1024xf32, #tpu.memory_space<vmem>>, vector<1x16xf32>,
        %get3A_347 = vector.shape_cast %get3A_346 : vector<1x16xf32> to vector<16xf32>
        %get3A_348 = arith.index_cast %scan3A_135 : i32 to index
        %get3A_349 = arith.constant 240 : index
        %get3A_350 = tpu.vector_load %arg8[%get3A_348, %get3A_349] {strides = array<i32>} : memref<16x1024xf32, #tpu.memory_space<vmem>>, vector<1x16xf32>,
        %get3A_351 = vector.shape_cast %get3A_350 : vector<1x16xf32> to vector<16xf32>
        %add3A_352 = arith.addf %get3A_347, %get3A_351 : vector<16xf32>
        %swap3A_353 = arith.index_cast %scan3A_135 : i32 to index
        %swap3A_354 = arith.constant 240 : index
        %swap3A_355 = tpu.vector_load %arg12[%swap3A_353, %swap3A_354] {strides = array<i32>} : memref<16x1024xf32, #tpu.memory_space<vmem>>, vector<1x16xf32>,
        %swap3A_356 = vector.shape_cast %swap3A_355 : vector<1x16xf32> to vector<16xf32>
        %swap3A_357 = vector.shape_cast %add3A_352 : vector<16xf32> to vector<1x16xf32>
        tpu.vector_store %arg12[%swap3A_353, %swap3A_354], %swap3A_357 {strides = array<i32>} : memref<16x1024xf32, #tpu.memory_space<vmem>>, vector<1x16xf32>,
        %get3A_358 = arith.index_cast %scan3A_135 : i32 to index
        %get3A_359 = arith.constant 256 : index
        %get3A_360 = tpu.vector_load %arg10[%get3A_358, %get3A_359] {strides = array<i32>} : memref<16x1024xf32, #tpu.memory_space<vmem>>, vector<1x16xf32>,
        %get3A_361 = vector.shape_cast %get3A_360 : vector<1x16xf32> to vector<16xf32>
        %get3A_362 = arith.index_cast %scan3A_135 : i32 to index
        %get3A_363 = arith.constant 256 : index
        %get3A_364 = tpu.vector_load %arg8[%get3A_362, %get3A_363] {strides = array<i32>} : memref<16x1024xf32, #tpu.memory_space<vmem>>, vector<1x16xf32>,
        %get3A_365 = vector.shape_cast %get3A_364 : vector<1x16xf32> to vector<16xf32>
        %add3A_366 = arith.addf %get3A_361, %get3A_365 : vector<16xf32>
        %swap3A_367 = arith.index_cast %scan3A_135 : i32 to index
        %swap3A_368 = arith.constant 256 : index
        %swap3A_369 = tpu.vector_load %arg12[%swap3A_367, %swap3A_368] {strides = array<i32>} : memref<16x1024xf32, #tpu.memory_space<vmem>>, vector<1x16xf32>,
        %swap3A_370 = vector.shape_cast %swap3A_369 : vector<1x16xf32> to vector<16xf32>
        %swap3A_371 = vector.shape_cast %add3A_366 : vector<16xf32> to vector<1x16xf32>
        tpu.vector_store %arg12[%swap3A_367, %swap3A_368], %swap3A_371 {strides = array<i32>} : memref<16x1024xf32, #tpu.memory_space<vmem>>, vector<1x16xf32>,
        %get3A_372 = arith.index_cast %scan3A_135 : i32 to index
        %get3A_373 = arith.constant 272 : index
        %get3A_374 = tpu.vector_load %arg10[%get3A_372, %get3A_373] {strides = array<i32>} : memref<16x1024xf32, #tpu.memory_space<vmem>>, vector<1x16xf32>,
        %get3A_375 = vector.shape_cast %get3A_374 : vector<1x16xf32> to vector<16xf32>
        %get3A_376 = arith.index_cast %scan3A_135 : i32 to index
        %get3A_377 = arith.constant 272 : index
        %get3A_378 = tpu.vector_load %arg8[%get3A_376, %get3A_377] {strides = array<i32>} : memref<16x1024xf32, #tpu.memory_space<vmem>>, vector<1x16xf32>,
        %get3A_379 = vector.shape_cast %get3A_378 : vector<1x16xf32> to vector<16xf32>
        %add3A_380 = arith.addf %get3A_375, %get3A_379 : vector<16xf32>
        %swap3A_381 = arith.index_cast %scan3A_135 : i32 to index
        %swap3A_382 = arith.constant 272 : index
        %swap3A_383 = tpu.vector_load %arg12[%swap3A_381, %swap3A_382] {strides = array<i32>} : memref<16x1024xf32, #tpu.memory_space<vmem>>, vector<1x16xf32>,
        %swap3A_384 = vector.shape_cast %swap3A_383 : vector<1x16xf32> to vector<16xf32>
        %swap3A_385 = vector.shape_cast %add3A_380 : vector<16xf32> to vector<1x16xf32>
        tpu.vector_store %arg12[%swap3A_381, %swap3A_382], %swap3A_385 {strides = array<i32>} : memref<16x1024xf32, #tpu.memory_space<vmem>>, vector<1x16xf32>,
        %get3A_386 = arith.index_cast %scan3A_135 : i32 to index
        %get3A_387 = arith.constant 288 : index
        %get3A_388 = tpu.vector_load %arg10[%get3A_386, %get3A_387] {strides = array<i32>} : memref<16x1024xf32, #tpu.memory_space<vmem>>, vector<1x16xf32>,
        %get3A_389 = vector.shape_cast %get3A_388 : vector<1x16xf32> to vector<16xf32>
        %get3A_390 = arith.index_cast %scan3A_135 : i32 to index
        %get3A_391 = arith.constant 288 : index
        %get3A_392 = tpu.vector_load %arg8[%get3A_390, %get3A_391] {strides = array<i32>} : memref<16x1024xf32, #tpu.memory_space<vmem>>, vector<1x16xf32>,
        %get3A_393 = vector.shape_cast %get3A_392 : vector<1x16xf32> to vector<16xf32>
        %add3A_394 = arith.addf %get3A_389, %get3A_393 : vector<16xf32>
        %swap3A_395 = arith.index_cast %scan3A_135 : i32 to index
        %swap3A_396 = arith.constant 288 : index
        %swap3A_397 = tpu.vector_load %arg12[%swap3A_395, %swap3A_396] {strides = array<i32>} : memref<16x1024xf32, #tpu.memory_space<vmem>>, vector<1x16xf32>,
        %swap3A_398 = vector.shape_cast %swap3A_397 : vector<1x16xf32> to vector<16xf32>
        %swap3A_399 = vector.shape_cast %add3A_394 : vector<16xf32> to vector<1x16xf32>
        tpu.vector_store %arg12[%swap3A_395, %swap3A_396], %swap3A_399 {strides = array<i32>} : memref<16x1024xf32, #tpu.memory_space<vmem>>, vector<1x16xf32>,
        %get3A_400 = arith.index_cast %scan3A_135 : i32 to index
        %get3A_401 = arith.constant 304 : index
        %get3A_402 = tpu.vector_load %arg10[%get3A_400, %get3A_401] {strides = array<i32>} : memref<16x1024xf32, #tpu.memory_space<vmem>>, vector<1x16xf32>,
        %get3A_403 = vector.shape_cast %get3A_402 : vector<1x16xf32> to vector<16xf32>
        %get3A_404 = arith.index_cast %scan3A_135 : i32 to index
        %get3A_405 = arith.constant 304 : index
        %get3A_406 = tpu.vector_load %arg8[%get3A_404, %get3A_405] {strides = array<i32>} : memref<16x1024xf32, #tpu.memory_space<vmem>>, vector<1x16xf32>,
        %get3A_407 = vector.shape_cast %get3A_406 : vector<1x16xf32> to vector<16xf32>
        %add3A_408 = arith.addf %get3A_403, %get3A_407 : vector<16xf32>
        %swap3A_409 = arith.index_cast %scan3A_135 : i32 to index
        %swap3A_410 = arith.constant 304 : index
        %swap3A_411 = tpu.vector_load %arg12[%swap3A_409, %swap3A_410] {strides = array<i32>} : memref<16x1024xf32, #tpu.memory_space<vmem>>, vector<1x16xf32>,
        %swap3A_412 = vector.shape_cast %swap3A_411 : vector<1x16xf32> to vector<16xf32>
        %swap3A_413 = vector.shape_cast %add3A_408 : vector<16xf32> to vector<1x16xf32>
        tpu.vector_store %arg12[%swap3A_409, %swap3A_410], %swap3A_413 {strides = array<i32>} : memref<16x1024xf32, #tpu.memory_space<vmem>>, vector<1x16xf32>,
        %get3A_414 = arith.index_cast %scan3A_135 : i32 to index
        %get3A_415 = arith.constant 320 : index
        %get3A_416 = tpu.vector_load %arg10[%get3A_414, %get3A_415] {strides = array<i32>} : memref<16x1024xf32, #tpu.memory_space<vmem>>, vector<1x16xf32>,
        %get3A_417 = vector.shape_cast %get3A_416 : vector<1x16xf32> to vector<16xf32>
        %get3A_418 = arith.index_cast %scan3A_135 : i32 to index
        %get3A_419 = arith.constant 320 : index
        %get3A_420 = tpu.vector_load %arg8[%get3A_418, %get3A_419] {strides = array<i32>} : memref<16x1024xf32, #tpu.memory_space<vmem>>, vector<1x16xf32>,
        %get3A_421 = vector.shape_cast %get3A_420 : vector<1x16xf32> to vector<16xf32>
        %add3A_422 = arith.addf %get3A_417, %get3A_421 : vector<16xf32>
        %swap3A_423 = arith.index_cast %scan3A_135 : i32 to index
        %swap3A_424 = arith.constant 320 : index
        %swap3A_425 = tpu.vector_load %arg12[%swap3A_423, %swap3A_424] {strides = array<i32>} : memref<16x1024xf32, #tpu.memory_space<vmem>>, vector<1x16xf32>,
        %swap3A_426 = vector.shape_cast %swap3A_425 : vector<1x16xf32> to vector<16xf32>
        %swap3A_427 = vector.shape_cast %add3A_422 : vector<16xf32> to vector<1x16xf32>
        tpu.vector_store %arg12[%swap3A_423, %swap3A_424], %swap3A_427 {strides = array<i32>} : memref<16x1024xf32, #tpu.memory_space<vmem>>, vector<1x16xf32>,
        %get3A_428 = arith.index_cast %scan3A_135 : i32 to index
        %get3A_429 = arith.constant 336 : index
        %get3A_430 = tpu.vector_load %arg10[%get3A_428, %get3A_429] {strides = array<i32>} : memref<16x1024xf32, #tpu.memory_space<vmem>>, vector<1x16xf32>,
        %get3A_431 = vector.shape_cast %get3A_430 : vector<1x16xf32> to vector<16xf32>
        %get3A_432 = arith.index_cast %scan3A_135 : i32 to index
        %get3A_433 = arith.constant 336 : index
        %get3A_434 = tpu.vector_load %arg8[%get3A_432, %get3A_433] {strides = array<i32>} : memref<16x1024xf32, #tpu.memory_space<vmem>>, vector<1x16xf32>,
        %get3A_435 = vector.shape_cast %get3A_434 : vector<1x16xf32> to vector<16xf32>
        %add3A_436 = arith.addf %get3A_431, %get3A_435 : vector<16xf32>
        %swap3A_437 = arith.index_cast %scan3A_135 : i32 to index
        %swap3A_438 = arith.constant 336 : index
        %swap3A_439 = tpu.vector_load %arg12[%swap3A_437, %swap3A_438] {strides = array<i32>} : memref<16x1024xf32, #tpu.memory_space<vmem>>, vector<1x16xf32>,
        %swap3A_440 = vector.shape_cast %swap3A_439 : vector<1x16xf32> to vector<16xf32>
        %swap3A_441 = vector.shape_cast %add3A_436 : vector<16xf32> to vector<1x16xf32>
        tpu.vector_store %arg12[%swap3A_437, %swap3A_438], %swap3A_441 {strides = array<i32>} : memref<16x1024xf32, #tpu.memory_space<vmem>>, vector<1x16xf32>,
        %get3A_442 = arith.index_cast %scan3A_135 : i32 to index
        %get3A_443 = arith.constant 352 : index
        %get3A_444 = tpu.vector_load %arg10[%get3A_442, %get3A_443] {strides = array<i32>} : memref<16x1024xf32, #tpu.memory_space<vmem>>, vector<1x16xf32>,
        %get3A_445 = vector.shape_cast %get3A_444 : vector<1x16xf32> to vector<16xf32>
        %get3A_446 = arith.index_cast %scan3A_135 : i32 to index
        %get3A_447 = arith.constant 352 : index
        %get3A_448 = tpu.vector_load %arg8[%get3A_446, %get3A_447] {strides = array<i32>} : memref<16x1024xf32, #tpu.memory_space<vmem>>, vector<1x16xf32>,
        %get3A_449 = vector.shape_cast %get3A_448 : vector<1x16xf32> to vector<16xf32>
        %add3A_450 = arith.addf %get3A_445, %get3A_449 : vector<16xf32>
        %swap3A_451 = arith.index_cast %scan3A_135 : i32 to index
        %swap3A_452 = arith.constant 352 : index
        %swap3A_453 = tpu.vector_load %arg12[%swap3A_451, %swap3A_452] {strides = array<i32>} : memref<16x1024xf32, #tpu.memory_space<vmem>>, vector<1x16xf32>,
        %swap3A_454 = vector.shape_cast %swap3A_453 : vector<1x16xf32> to vector<16xf32>
        %swap3A_455 = vector.shape_cast %add3A_450 : vector<16xf32> to vector<1x16xf32>
        tpu.vector_store %arg12[%swap3A_451, %swap3A_452], %swap3A_455 {strides = array<i32>} : memref<16x1024xf32, #tpu.memory_space<vmem>>, vector<1x16xf32>,
        %get3A_456 = arith.index_cast %scan3A_135 : i32 to index
        %get3A_457 = arith.constant 368 : index
        %get3A_458 = tpu.vector_load %arg10[%get3A_456, %get3A_457] {strides = array<i32>} : memref<16x1024xf32, #tpu.memory_space<vmem>>, vector<1x16xf32>,
        %get3A_459 = vector.shape_cast %get3A_458 : vector<1x16xf32> to vector<16xf32>
        %get3A_460 = arith.index_cast %scan3A_135 : i32 to index
        %get3A_461 = arith.constant 368 : index
        %get3A_462 = tpu.vector_load %arg8[%get3A_460, %get3A_461] {strides = array<i32>} : memref<16x1024xf32, #tpu.memory_space<vmem>>, vector<1x16xf32>,
        %get3A_463 = vector.shape_cast %get3A_462 : vector<1x16xf32> to vector<16xf32>
        %add3A_464 = arith.addf %get3A_459, %get3A_463 : vector<16xf32>
        %swap3A_465 = arith.index_cast %scan3A_135 : i32 to index
        %swap3A_466 = arith.constant 368 : index
        %swap3A_467 = tpu.vector_load %arg12[%swap3A_465, %swap3A_466] {strides = array<i32>} : memref<16x1024xf32, #tpu.memory_space<vmem>>, vector<1x16xf32>,
        %swap3A_468 = vector.shape_cast %swap3A_467 : vector<1x16xf32> to vector<16xf32>
        %swap3A_469 = vector.shape_cast %add3A_464 : vector<16xf32> to vector<1x16xf32>
        tpu.vector_store %arg12[%swap3A_465, %swap3A_466], %swap3A_469 {strides = array<i32>} : memref<16x1024xf32, #tpu.memory_space<vmem>>, vector<1x16xf32>,
        %get3A_470 = arith.index_cast %scan3A_135 : i32 to index
        %get3A_471 = arith.constant 384 : index
        %get3A_472 = tpu.vector_load %arg10[%get3A_470, %get3A_471] {strides = array<i32>} : memref<16x1024xf32, #tpu.memory_space<vmem>>, vector<1x16xf32>,
        %get3A_473 = vector.shape_cast %get3A_472 : vector<1x16xf32> to vector<16xf32>
        %get3A_474 = arith.index_cast %scan3A_135 : i32 to index
        %get3A_475 = arith.constant 384 : index
        %get3A_476 = tpu.vector_load %arg8[%get3A_474, %get3A_475] {strides = array<i32>} : memref<16x1024xf32, #tpu.memory_space<vmem>>, vector<1x16xf32>,
        %get3A_477 = vector.shape_cast %get3A_476 : vector<1x16xf32> to vector<16xf32>
        %add3A_478 = arith.addf %get3A_473, %get3A_477 : vector<16xf32>
        %swap3A_479 = arith.index_cast %scan3A_135 : i32 to index
        %swap3A_480 = arith.constant 384 : index
        %swap3A_481 = tpu.vector_load %arg12[%swap3A_479, %swap3A_480] {strides = array<i32>} : memref<16x1024xf32, #tpu.memory_space<vmem>>, vector<1x16xf32>,
        %swap3A_482 = vector.shape_cast %swap3A_481 : vector<1x16xf32> to vector<16xf32>
        %swap3A_483 = vector.shape_cast %add3A_478 : vector<16xf32> to vector<1x16xf32>
        tpu.vector_store %arg12[%swap3A_479, %swap3A_480], %swap3A_483 {strides = array<i32>} : memref<16x1024xf32, #tpu.memory_space<vmem>>, vector<1x16xf32>,
        %get3A_484 = arith.index_cast %scan3A_135 : i32 to index
        %get3A_485 = arith.constant 400 : index
        %get3A_486 = tpu.vector_load %arg10[%get3A_484, %get3A_485] {strides = array<i32>} : memref<16x1024xf32, #tpu.memory_space<vmem>>, vector<1x16xf32>,
        %get3A_487 = vector.shape_cast %get3A_486 : vector<1x16xf32> to vector<16xf32>
        %get3A_488 = arith.index_cast %scan3A_135 : i32 to index
        %get3A_489 = arith.constant 400 : index
        %get3A_490 = tpu.vector_load %arg8[%get3A_488, %get3A_489] {strides = array<i32>} : memref<16x1024xf32, #tpu.memory_space<vmem>>, vector<1x16xf32>,
        %get3A_491 = vector.shape_cast %get3A_490 : vector<1x16xf32> to vector<16xf32>
        %add3A_492 = arith.addf %get3A_487, %get3A_491 : vector<16xf32>
        %swap3A_493 = arith.index_cast %scan3A_135 : i32 to index
        %swap3A_494 = arith.constant 400 : index
        %swap3A_495 = tpu.vector_load %arg12[%swap3A_493, %swap3A_494] {strides = array<i32>} : memref<16x1024xf32, #tpu.memory_space<vmem>>, vector<1x16xf32>,
        %swap3A_496 = vector.shape_cast %swap3A_495 : vector<1x16xf32> to vector<16xf32>
        %swap3A_497 = vector.shape_cast %add3A_492 : vector<16xf32> to vector<1x16xf32>
        tpu.vector_store %arg12[%swap3A_493, %swap3A_494], %swap3A_497 {strides = array<i32>} : memref<16x1024xf32, #tpu.memory_space<vmem>>, vector<1x16xf32>,
        %get3A_498 = arith.index_cast %scan3A_135 : i32 to index
        %get3A_499 = arith.constant 416 : index
        %get3A_500 = tpu.vector_load %arg10[%get3A_498, %get3A_499] {strides = array<i32>} : memref<16x1024xf32, #tpu.memory_space<vmem>>, vector<1x16xf32>,
        %get3A_501 = vector.shape_cast %get3A_500 : vector<1x16xf32> to vector<16xf32>
        %get3A_502 = arith.index_cast %scan3A_135 : i32 to index
        %get3A_503 = arith.constant 416 : index
        %get3A_504 = tpu.vector_load %arg8[%get3A_502, %get3A_503] {strides = array<i32>} : memref<16x1024xf32, #tpu.memory_space<vmem>>, vector<1x16xf32>,
        %get3A_505 = vector.shape_cast %get3A_504 : vector<1x16xf32> to vector<16xf32>
        %add3A_506 = arith.addf %get3A_501, %get3A_505 : vector<16xf32>
        %swap3A_507 = arith.index_cast %scan3A_135 : i32 to index
        %swap3A_508 = arith.constant 416 : index
        %swap3A_509 = tpu.vector_load %arg12[%swap3A_507, %swap3A_508] {strides = array<i32>} : memref<16x1024xf32, #tpu.memory_space<vmem>>, vector<1x16xf32>,
        %swap3A_510 = vector.shape_cast %swap3A_509 : vector<1x16xf32> to vector<16xf32>
        %swap3A_511 = vector.shape_cast %add3A_506 : vector<16xf32> to vector<1x16xf32>
        tpu.vector_store %arg12[%swap3A_507, %swap3A_508], %swap3A_511 {strides = array<i32>} : memref<16x1024xf32, #tpu.memory_space<vmem>>, vector<1x16xf32>,
        %get3A_512 = arith.index_cast %scan3A_135 : i32 to index
        %get3A_513 = arith.constant 432 : index
        %get3A_514 = tpu.vector_load %arg10[%get3A_512, %get3A_513] {strides = array<i32>} : memref<16x1024xf32, #tpu.memory_space<vmem>>, vector<1x16xf32>,
        %get3A_515 = vector.shape_cast %get3A_514 : vector<1x16xf32> to vector<16xf32>
        %get3A_516 = arith.index_cast %scan3A_135 : i32 to index
        %get3A_517 = arith.constant 432 : index
        %get3A_518 = tpu.vector_load %arg8[%get3A_516, %get3A_517] {strides = array<i32>} : memref<16x1024xf32, #tpu.memory_space<vmem>>, vector<1x16xf32>,
        %get3A_519 = vector.shape_cast %get3A_518 : vector<1x16xf32> to vector<16xf32>
        %add3A_520 = arith.addf %get3A_515, %get3A_519 : vector<16xf32>
        %swap3A_521 = arith.index_cast %scan3A_135 : i32 to index
        %swap3A_522 = arith.constant 432 : index
        %swap3A_523 = tpu.vector_load %arg12[%swap3A_521, %swap3A_522] {strides = array<i32>} : memref<16x1024xf32, #tpu.memory_space<vmem>>, vector<1x16xf32>,
        %swap3A_524 = vector.shape_cast %swap3A_523 : vector<1x16xf32> to vector<16xf32>
        %swap3A_525 = vector.shape_cast %add3A_520 : vector<16xf32> to vector<1x16xf32>
        tpu.vector_store %arg12[%swap3A_521, %swap3A_522], %swap3A_525 {strides = array<i32>} : memref<16x1024xf32, #tpu.memory_space<vmem>>, vector<1x16xf32>,
        %get3A_526 = arith.index_cast %scan3A_135 : i32 to index
        %get3A_527 = arith.constant 448 : index
        %get3A_528 = tpu.vector_load %arg10[%get3A_526, %get3A_527] {strides = array<i32>} : memref<16x1024xf32, #tpu.memory_space<vmem>>, vector<1x16xf32>,
        %get3A_529 = vector.shape_cast %get3A_528 : vector<1x16xf32> to vector<16xf32>
        %get3A_530 = arith.index_cast %scan3A_135 : i32 to index
        %get3A_531 = arith.constant 448 : index
        %get3A_532 = tpu.vector_load %arg8[%get3A_530, %get3A_531] {strides = array<i32>} : memref<16x1024xf32, #tpu.memory_space<vmem>>, vector<1x16xf32>,
        %get3A_533 = vector.shape_cast %get3A_532 : vector<1x16xf32> to vector<16xf32>
        %add3A_534 = arith.addf %get3A_529, %get3A_533 : vector<16xf32>
        %swap3A_535 = arith.index_cast %scan3A_135 : i32 to index
        %swap3A_536 = arith.constant 448 : index
        %swap3A_537 = tpu.vector_load %arg12[%swap3A_535, %swap3A_536] {strides = array<i32>} : memref<16x1024xf32, #tpu.memory_space<vmem>>, vector<1x16xf32>,
        %swap3A_538 = vector.shape_cast %swap3A_537 : vector<1x16xf32> to vector<16xf32>
        %swap3A_539 = vector.shape_cast %add3A_534 : vector<16xf32> to vector<1x16xf32>
        tpu.vector_store %arg12[%swap3A_535, %swap3A_536], %swap3A_539 {strides = array<i32>} : memref<16x1024xf32, #tpu.memory_space<vmem>>, vector<1x16xf32>,
        %get3A_540 = arith.index_cast %scan3A_135 : i32 to index
        %get3A_541 = arith.constant 464 : index
        %get3A_542 = tpu.vector_load %arg10[%get3A_540, %get3A_541] {strides = array<i32>} : memref<16x1024xf32, #tpu.memory_space<vmem>>, vector<1x16xf32>,
        %get3A_543 = vector.shape_cast %get3A_542 : vector<1x16xf32> to vector<16xf32>
        %get3A_544 = arith.index_cast %scan3A_135 : i32 to index
        %get3A_545 = arith.constant 464 : index
        %get3A_546 = tpu.vector_load %arg8[%get3A_544, %get3A_545] {strides = array<i32>} : memref<16x1024xf32, #tpu.memory_space<vmem>>, vector<1x16xf32>,
        %get3A_547 = vector.shape_cast %get3A_546 : vector<1x16xf32> to vector<16xf32>
        %add3A_548 = arith.addf %get3A_543, %get3A_547 : vector<16xf32>
        %swap3A_549 = arith.index_cast %scan3A_135 : i32 to index
        %swap3A_550 = arith.constant 464 : index
        %swap3A_551 = tpu.vector_load %arg12[%swap3A_549, %swap3A_550] {strides = array<i32>} : memref<16x1024xf32, #tpu.memory_space<vmem>>, vector<1x16xf32>,
        %swap3A_552 = vector.shape_cast %swap3A_551 : vector<1x16xf32> to vector<16xf32>
        %swap3A_553 = vector.shape_cast %add3A_548 : vector<16xf32> to vector<1x16xf32>
        tpu.vector_store %arg12[%swap3A_549, %swap3A_550], %swap3A_553 {strides = array<i32>} : memref<16x1024xf32, #tpu.memory_space<vmem>>, vector<1x16xf32>,
        %get3A_554 = arith.index_cast %scan3A_135 : i32 to index
        %get3A_555 = arith.constant 480 : index
        %get3A_556 = tpu.vector_load %arg10[%get3A_554, %get3A_555] {strides = array<i32>} : memref<16x1024xf32, #tpu.memory_space<vmem>>, vector<1x16xf32>,
        %get3A_557 = vector.shape_cast %get3A_556 : vector<1x16xf32> to vector<16xf32>
        %get3A_558 = arith.index_cast %scan3A_135 : i32 to index
        %get3A_559 = arith.constant 480 : index
        %get3A_560 = tpu.vector_load %arg8[%get3A_558, %get3A_559] {strides = array<i32>} : memref<16x1024xf32, #tpu.memory_space<vmem>>, vector<1x16xf32>,
        %get3A_561 = vector.shape_cast %get3A_560 : vector<1x16xf32> to vector<16xf32>
        %add3A_562 = arith.addf %get3A_557, %get3A_561 : vector<16xf32>
        %swap3A_563 = arith.index_cast %scan3A_135 : i32 to index
        %swap3A_564 = arith.constant 480 : index
        %swap3A_565 = tpu.vector_load %arg12[%swap3A_563, %swap3A_564] {strides = array<i32>} : memref<16x1024xf32, #tpu.memory_space<vmem>>, vector<1x16xf32>,
        %swap3A_566 = vector.shape_cast %swap3A_565 : vector<1x16xf32> to vector<16xf32>
        %swap3A_567 = vector.shape_cast %add3A_562 : vector<16xf32> to vector<1x16xf32>
        tpu.vector_store %arg12[%swap3A_563, %swap3A_564], %swap3A_567 {strides = array<i32>} : memref<16x1024xf32, #tpu.memory_space<vmem>>, vector<1x16xf32>,
        %get3A_568 = arith.index_cast %scan3A_135 : i32 to index
        %get3A_569 = arith.constant 496 : index
        %get3A_570 = tpu.vector_load %arg10[%get3A_568, %get3A_569] {strides = array<i32>} : memref<16x1024xf32, #tpu.memory_space<vmem>>, vector<1x16xf32>,
        %get3A_571 = vector.shape_cast %get3A_570 : vector<1x16xf32> to vector<16xf32>
        %get3A_572 = arith.index_cast %scan3A_135 : i32 to index
        %get3A_573 = arith.constant 496 : index
        %get3A_574 = tpu.vector_load %arg8[%get3A_572, %get3A_573] {strides = array<i32>} : memref<16x1024xf32, #tpu.memory_space<vmem>>, vector<1x16xf32>,
        %get3A_575 = vector.shape_cast %get3A_574 : vector<1x16xf32> to vector<16xf32>
        %add3A_576 = arith.addf %get3A_571, %get3A_575 : vector<16xf32>
        %swap3A_577 = arith.index_cast %scan3A_135 : i32 to index
        %swap3A_578 = arith.constant 496 : index
        %swap3A_579 = tpu.vector_load %arg12[%swap3A_577, %swap3A_578] {strides = array<i32>} : memref<16x1024xf32, #tpu.memory_space<vmem>>, vector<1x16xf32>,
        %swap3A_580 = vector.shape_cast %swap3A_579 : vector<1x16xf32> to vector<16xf32>
        %swap3A_581 = vector.shape_cast %add3A_576 : vector<16xf32> to vector<1x16xf32>
        tpu.vector_store %arg12[%swap3A_577, %swap3A_578], %swap3A_581 {strides = array<i32>} : memref<16x1024xf32, #tpu.memory_space<vmem>>, vector<1x16xf32>,
        %get3A_582 = arith.index_cast %scan3A_135 : i32 to index
        %get3A_583 = arith.constant 512 : index
        %get3A_584 = tpu.vector_load %arg10[%get3A_582, %get3A_583] {strides = array<i32>} : memref<16x1024xf32, #tpu.memory_space<vmem>>, vector<1x16xf32>,
        %get3A_585 = vector.shape_cast %get3A_584 : vector<1x16xf32> to vector<16xf32>
        %get3A_586 = arith.index_cast %scan3A_135 : i32 to index
        %get3A_587 = arith.constant 512 : index
        %get3A_588 = tpu.vector_load %arg8[%get3A_586, %get3A_587] {strides = array<i32>} : memref<16x1024xf32, #tpu.memory_space<vmem>>, vector<1x16xf32>,
        %get3A_589 = vector.shape_cast %get3A_588 : vector<1x16xf32> to vector<16xf32>
        %add3A_590 = arith.addf %get3A_585, %get3A_589 : vector<16xf32>
        %swap3A_591 = arith.index_cast %scan3A_135 : i32 to index
        %swap3A_592 = arith.constant 512 : index
        %swap3A_593 = tpu.vector_load %arg12[%swap3A_591, %swap3A_592] {strides = array<i32>} : memref<16x1024xf32, #tpu.memory_space<vmem>>, vector<1x16xf32>,
        %swap3A_594 = vector.shape_cast %swap3A_593 : vector<1x16xf32> to vector<16xf32>
        %swap3A_595 = vector.shape_cast %add3A_590 : vector<16xf32> to vector<1x16xf32>
        tpu.vector_store %arg12[%swap3A_591, %swap3A_592], %swap3A_595 {strides = array<i32>} : memref<16x1024xf32, #tpu.memory_space<vmem>>, vector<1x16xf32>,
        %get3A_596 = arith.index_cast %scan3A_135 : i32 to index
        %get3A_597 = arith.constant 528 : index
        %get3A_598 = tpu.vector_load %arg10[%get3A_596, %get3A_597] {strides = array<i32>} : memref<16x1024xf32, #tpu.memory_space<vmem>>, vector<1x16xf32>,
        %get3A_599 = vector.shape_cast %get3A_598 : vector<1x16xf32> to vector<16xf32>
        %get3A_600 = arith.index_cast %scan3A_135 : i32 to index
        %get3A_601 = arith.constant 528 : index
        %get3A_602 = tpu.vector_load %arg8[%get3A_600, %get3A_601] {strides = array<i32>} : memref<16x1024xf32, #tpu.memory_space<vmem>>, vector<1x16xf32>,
        %get3A_603 = vector.shape_cast %get3A_602 : vector<1x16xf32> to vector<16xf32>
        %add3A_604 = arith.addf %get3A_599, %get3A_603 : vector<16xf32>
        %swap3A_605 = arith.index_cast %scan3A_135 : i32 to index
        %swap3A_606 = arith.constant 528 : index
        %swap3A_607 = tpu.vector_load %arg12[%swap3A_605, %swap3A_606] {strides = array<i32>} : memref<16x1024xf32, #tpu.memory_space<vmem>>, vector<1x16xf32>,
        %swap3A_608 = vector.shape_cast %swap3A_607 : vector<1x16xf32> to vector<16xf32>
        %swap3A_609 = vector.shape_cast %add3A_604 : vector<16xf32> to vector<1x16xf32>
        tpu.vector_store %arg12[%swap3A_605, %swap3A_606], %swap3A_609 {strides = array<i32>} : memref<16x1024xf32, #tpu.memory_space<vmem>>, vector<1x16xf32>,
        %get3A_610 = arith.index_cast %scan3A_135 : i32 to index
        %get3A_611 = arith.constant 544 : index
        %get3A_612 = tpu.vector_load %arg10[%get3A_610, %get3A_611] {strides = array<i32>} : memref<16x1024xf32, #tpu.memory_space<vmem>>, vector<1x16xf32>,
        %get3A_613 = vector.shape_cast %get3A_612 : vector<1x16xf32> to vector<16xf32>
        %get3A_614 = arith.index_cast %scan3A_135 : i32 to index
        %get3A_615 = arith.constant 544 : index
        %get3A_616 = tpu.vector_load %arg8[%get3A_614, %get3A_615] {strides = array<i32>} : memref<16x1024xf32, #tpu.memory_space<vmem>>, vector<1x16xf32>,
        %get3A_617 = vector.shape_cast %get3A_616 : vector<1x16xf32> to vector<16xf32>
        %add3A_618 = arith.addf %get3A_613, %get3A_617 : vector<16xf32>
        %swap3A_619 = arith.index_cast %scan3A_135 : i32 to index
        %swap3A_620 = arith.constant 544 : index
        %swap3A_621 = tpu.vector_load %arg12[%swap3A_619, %swap3A_620] {strides = array<i32>} : memref<16x1024xf32, #tpu.memory_space<vmem>>, vector<1x16xf32>,
        %swap3A_622 = vector.shape_cast %swap3A_621 : vector<1x16xf32> to vector<16xf32>
        %swap3A_623 = vector.shape_cast %add3A_618 : vector<16xf32> to vector<1x16xf32>
        tpu.vector_store %arg12[%swap3A_619, %swap3A_620], %swap3A_623 {strides = array<i32>} : memref<16x1024xf32, #tpu.memory_space<vmem>>, vector<1x16xf32>,
        %get3A_624 = arith.index_cast %scan3A_135 : i32 to index
        %get3A_625 = arith.constant 560 : index
        %get3A_626 = tpu.vector_load %arg10[%get3A_624, %get3A_625] {strides = array<i32>} : memref<16x1024xf32, #tpu.memory_space<vmem>>, vector<1x16xf32>,
        %get3A_627 = vector.shape_cast %get3A_626 : vector<1x16xf32> to vector<16xf32>
        %get3A_628 = arith.index_cast %scan3A_135 : i32 to index
        %get3A_629 = arith.constant 560 : index
        %get3A_630 = tpu.vector_load %arg8[%get3A_628, %get3A_629] {strides = array<i32>} : memref<16x1024xf32, #tpu.memory_space<vmem>>, vector<1x16xf32>,
        %get3A_631 = vector.shape_cast %get3A_630 : vector<1x16xf32> to vector<16xf32>
        %add3A_632 = arith.addf %get3A_627, %get3A_631 : vector<16xf32>
        %swap3A_633 = arith.index_cast %scan3A_135 : i32 to index
        %swap3A_634 = arith.constant 560 : index
        %swap3A_635 = tpu.vector_load %arg12[%swap3A_633, %swap3A_634] {strides = array<i32>} : memref<16x1024xf32, #tpu.memory_space<vmem>>, vector<1x16xf32>,
        %swap3A_636 = vector.shape_cast %swap3A_635 : vector<1x16xf32> to vector<16xf32>
        %swap3A_637 = vector.shape_cast %add3A_632 : vector<16xf32> to vector<1x16xf32>
        tpu.vector_store %arg12[%swap3A_633, %swap3A_634], %swap3A_637 {strides = array<i32>} : memref<16x1024xf32, #tpu.memory_space<vmem>>, vector<1x16xf32>,
        %get3A_638 = arith.index_cast %scan3A_135 : i32 to index
        %get3A_639 = arith.constant 576 : index
        %get3A_640 = tpu.vector_load %arg10[%get3A_638, %get3A_639] {strides = array<i32>} : memref<16x1024xf32, #tpu.memory_space<vmem>>, vector<1x16xf32>,
        %get3A_641 = vector.shape_cast %get3A_640 : vector<1x16xf32> to vector<16xf32>
        %get3A_642 = arith.index_cast %scan3A_135 : i32 to index
        %get3A_643 = arith.constant 576 : index
        %get3A_644 = tpu.vector_load %arg8[%get3A_642, %get3A_643] {strides = array<i32>} : memref<16x1024xf32, #tpu.memory_space<vmem>>, vector<1x16xf32>,
        %get3A_645 = vector.shape_cast %get3A_644 : vector<1x16xf32> to vector<16xf32>
        %add3A_646 = arith.addf %get3A_641, %get3A_645 : vector<16xf32>
        %swap3A_647 = arith.index_cast %scan3A_135 : i32 to index
        %swap3A_648 = arith.constant 576 : index
        %swap3A_649 = tpu.vector_load %arg12[%swap3A_647, %swap3A_648] {strides = array<i32>} : memref<16x1024xf32, #tpu.memory_space<vmem>>, vector<1x16xf32>,
        %swap3A_650 = vector.shape_cast %swap3A_649 : vector<1x16xf32> to vector<16xf32>
        %swap3A_651 = vector.shape_cast %add3A_646 : vector<16xf32> to vector<1x16xf32>
        tpu.vector_store %arg12[%swap3A_647, %swap3A_648], %swap3A_651 {strides = array<i32>} : memref<16x1024xf32, #tpu.memory_space<vmem>>, vector<1x16xf32>,
        %get3A_652 = arith.index_cast %scan3A_135 : i32 to index
        %get3A_653 = arith.constant 592 : index
        %get3A_654 = tpu.vector_load %arg10[%get3A_652, %get3A_653] {strides = array<i32>} : memref<16x1024xf32, #tpu.memory_space<vmem>>, vector<1x16xf32>,
        %get3A_655 = vector.shape_cast %get3A_654 : vector<1x16xf32> to vector<16xf32>
        %get3A_656 = arith.index_cast %scan3A_135 : i32 to index
        %get3A_657 = arith.constant 592 : index
        %get3A_658 = tpu.vector_load %arg8[%get3A_656, %get3A_657] {strides = array<i32>} : memref<16x1024xf32, #tpu.memory_space<vmem>>, vector<1x16xf32>,
        %get3A_659 = vector.shape_cast %get3A_658 : vector<1x16xf32> to vector<16xf32>
        %add3A_660 = arith.addf %get3A_655, %get3A_659 : vector<16xf32>
        %swap3A_661 = arith.index_cast %scan3A_135 : i32 to index
        %swap3A_662 = arith.constant 592 : index
        %swap3A_663 = tpu.vector_load %arg12[%swap3A_661, %swap3A_662] {strides = array<i32>} : memref<16x1024xf32, #tpu.memory_space<vmem>>, vector<1x16xf32>,
        %swap3A_664 = vector.shape_cast %swap3A_663 : vector<1x16xf32> to vector<16xf32>
        %swap3A_665 = vector.shape_cast %add3A_660 : vector<16xf32> to vector<1x16xf32>
        tpu.vector_store %arg12[%swap3A_661, %swap3A_662], %swap3A_665 {strides = array<i32>} : memref<16x1024xf32, #tpu.memory_space<vmem>>, vector<1x16xf32>,
        %get3A_666 = arith.index_cast %scan3A_135 : i32 to index
        %get3A_667 = arith.constant 608 : index
        %get3A_668 = tpu.vector_load %arg10[%get3A_666, %get3A_667] {strides = array<i32>} : memref<16x1024xf32, #tpu.memory_space<vmem>>, vector<1x16xf32>,
        %get3A_669 = vector.shape_cast %get3A_668 : vector<1x16xf32> to vector<16xf32>
        %get3A_670 = arith.index_cast %scan3A_135 : i32 to index
        %get3A_671 = arith.constant 608 : index
        %get3A_672 = tpu.vector_load %arg8[%get3A_670, %get3A_671] {strides = array<i32>} : memref<16x1024xf32, #tpu.memory_space<vmem>>, vector<1x16xf32>,
        %get3A_673 = vector.shape_cast %get3A_672 : vector<1x16xf32> to vector<16xf32>
        %add3A_674 = arith.addf %get3A_669, %get3A_673 : vector<16xf32>
        %swap3A_675 = arith.index_cast %scan3A_135 : i32 to index
        %swap3A_676 = arith.constant 608 : index
        %swap3A_677 = tpu.vector_load %arg12[%swap3A_675, %swap3A_676] {strides = array<i32>} : memref<16x1024xf32, #tpu.memory_space<vmem>>, vector<1x16xf32>,
        %swap3A_678 = vector.shape_cast %swap3A_677 : vector<1x16xf32> to vector<16xf32>
        %swap3A_679 = vector.shape_cast %add3A_674 : vector<16xf32> to vector<1x16xf32>
        tpu.vector_store %arg12[%swap3A_675, %swap3A_676], %swap3A_679 {strides = array<i32>} : memref<16x1024xf32, #tpu.memory_space<vmem>>, vector<1x16xf32>,
        %get3A_680 = arith.index_cast %scan3A_135 : i32 to index
        %get3A_681 = arith.constant 624 : index
        %get3A_682 = tpu.vector_load %arg10[%get3A_680, %get3A_681] {strides = array<i32>} : memref<16x1024xf32, #tpu.memory_space<vmem>>, vector<1x16xf32>,
        %get3A_683 = vector.shape_cast %get3A_682 : vector<1x16xf32> to vector<16xf32>
        %get3A_684 = arith.index_cast %scan3A_135 : i32 to index
        %get3A_685 = arith.constant 624 : index
        %get3A_686 = tpu.vector_load %arg8[%get3A_684, %get3A_685] {strides = array<i32>} : memref<16x1024xf32, #tpu.memory_space<vmem>>, vector<1x16xf32>,
        %get3A_687 = vector.shape_cast %get3A_686 : vector<1x16xf32> to vector<16xf32>
        %add3A_688 = arith.addf %get3A_683, %get3A_687 : vector<16xf32>
        %swap3A_689 = arith.index_cast %scan3A_135 : i32 to index
        %swap3A_690 = arith.constant 624 : index
        %swap3A_691 = tpu.vector_load %arg12[%swap3A_689, %swap3A_690] {strides = array<i32>} : memref<16x1024xf32, #tpu.memory_space<vmem>>, vector<1x16xf32>,
        %swap3A_692 = vector.shape_cast %swap3A_691 : vector<1x16xf32> to vector<16xf32>
        %swap3A_693 = vector.shape_cast %add3A_688 : vector<16xf32> to vector<1x16xf32>
        tpu.vector_store %arg12[%swap3A_689, %swap3A_690], %swap3A_693 {strides = array<i32>} : memref<16x1024xf32, #tpu.memory_space<vmem>>, vector<1x16xf32>,
        %get3A_694 = arith.index_cast %scan3A_135 : i32 to index
        %get3A_695 = arith.constant 640 : index
        %get3A_696 = tpu.vector_load %arg10[%get3A_694, %get3A_695] {strides = array<i32>} : memref<16x1024xf32, #tpu.memory_space<vmem>>, vector<1x16xf32>,
        %get3A_697 = vector.shape_cast %get3A_696 : vector<1x16xf32> to vector<16xf32>
        %get3A_698 = arith.index_cast %scan3A_135 : i32 to index
        %get3A_699 = arith.constant 640 : index
        %get3A_700 = tpu.vector_load %arg8[%get3A_698, %get3A_699] {strides = array<i32>} : memref<16x1024xf32, #tpu.memory_space<vmem>>, vector<1x16xf32>,
        %get3A_701 = vector.shape_cast %get3A_700 : vector<1x16xf32> to vector<16xf32>
        %add3A_702 = arith.addf %get3A_697, %get3A_701 : vector<16xf32>
        %swap3A_703 = arith.index_cast %scan3A_135 : i32 to index
        %swap3A_704 = arith.constant 640 : index
        %swap3A_705 = tpu.vector_load %arg12[%swap3A_703, %swap3A_704] {strides = array<i32>} : memref<16x1024xf32, #tpu.memory_space<vmem>>, vector<1x16xf32>,
        %swap3A_706 = vector.shape_cast %swap3A_705 : vector<1x16xf32> to vector<16xf32>
        %swap3A_707 = vector.shape_cast %add3A_702 : vector<16xf32> to vector<1x16xf32>
        tpu.vector_store %arg12[%swap3A_703, %swap3A_704], %swap3A_707 {strides = array<i32>} : memref<16x1024xf32, #tpu.memory_space<vmem>>, vector<1x16xf32>,
        %get3A_708 = arith.index_cast %scan3A_135 : i32 to index
        %get3A_709 = arith.constant 656 : index
        %get3A_710 = tpu.vector_load %arg10[%get3A_708, %get3A_709] {strides = array<i32>} : memref<16x1024xf32, #tpu.memory_space<vmem>>, vector<1x16xf32>,
        %get3A_711 = vector.shape_cast %get3A_710 : vector<1x16xf32> to vector<16xf32>
        %get3A_712 = arith.index_cast %scan3A_135 : i32 to index
        %get3A_713 = arith.constant 656 : index
        %get3A_714 = tpu.vector_load %arg8[%get3A_712, %get3A_713] {strides = array<i32>} : memref<16x1024xf32, #tpu.memory_space<vmem>>, vector<1x16xf32>,
        %get3A_715 = vector.shape_cast %get3A_714 : vector<1x16xf32> to vector<16xf32>
        %add3A_716 = arith.addf %get3A_711, %get3A_715 : vector<16xf32>
        %swap3A_717 = arith.index_cast %scan3A_135 : i32 to index
        %swap3A_718 = arith.constant 656 : index
        %swap3A_719 = tpu.vector_load %arg12[%swap3A_717, %swap3A_718] {strides = array<i32>} : memref<16x1024xf32, #tpu.memory_space<vmem>>, vector<1x16xf32>,
        %swap3A_720 = vector.shape_cast %swap3A_719 : vector<1x16xf32> to vector<16xf32>
        %swap3A_721 = vector.shape_cast %add3A_716 : vector<16xf32> to vector<1x16xf32>
        tpu.vector_store %arg12[%swap3A_717, %swap3A_718], %swap3A_721 {strides = array<i32>} : memref<16x1024xf32, #tpu.memory_space<vmem>>, vector<1x16xf32>,
        %get3A_722 = arith.index_cast %scan3A_135 : i32 to index
        %get3A_723 = arith.constant 672 : index
        %get3A_724 = tpu.vector_load %arg10[%get3A_722, %get3A_723] {strides = array<i32>} : memref<16x1024xf32, #tpu.memory_space<vmem>>, vector<1x16xf32>,
        %get3A_725 = vector.shape_cast %get3A_724 : vector<1x16xf32> to vector<16xf32>
        %get3A_726 = arith.index_cast %scan3A_135 : i32 to index
        %get3A_727 = arith.constant 672 : index
        %get3A_728 = tpu.vector_load %arg8[%get3A_726, %get3A_727] {strides = array<i32>} : memref<16x1024xf32, #tpu.memory_space<vmem>>, vector<1x16xf32>,
        %get3A_729 = vector.shape_cast %get3A_728 : vector<1x16xf32> to vector<16xf32>
        %add3A_730 = arith.addf %get3A_725, %get3A_729 : vector<16xf32>
        %swap3A_731 = arith.index_cast %scan3A_135 : i32 to index
        %swap3A_732 = arith.constant 672 : index
        %swap3A_733 = tpu.vector_load %arg12[%swap3A_731, %swap3A_732] {strides = array<i32>} : memref<16x1024xf32, #tpu.memory_space<vmem>>, vector<1x16xf32>,
        %swap3A_734 = vector.shape_cast %swap3A_733 : vector<1x16xf32> to vector<16xf32>
        %swap3A_735 = vector.shape_cast %add3A_730 : vector<16xf32> to vector<1x16xf32>
        tpu.vector_store %arg12[%swap3A_731, %swap3A_732], %swap3A_735 {strides = array<i32>} : memref<16x1024xf32, #tpu.memory_space<vmem>>, vector<1x16xf32>,
        %get3A_736 = arith.index_cast %scan3A_135 : i32 to index
        %get3A_737 = arith.constant 688 : index
        %get3A_738 = tpu.vector_load %arg10[%get3A_736, %get3A_737] {strides = array<i32>} : memref<16x1024xf32, #tpu.memory_space<vmem>>, vector<1x16xf32>,
        %get3A_739 = vector.shape_cast %get3A_738 : vector<1x16xf32> to vector<16xf32>
        %get3A_740 = arith.index_cast %scan3A_135 : i32 to index
        %get3A_741 = arith.constant 688 : index
        %get3A_742 = tpu.vector_load %arg8[%get3A_740, %get3A_741] {strides = array<i32>} : memref<16x1024xf32, #tpu.memory_space<vmem>>, vector<1x16xf32>,
        %get3A_743 = vector.shape_cast %get3A_742 : vector<1x16xf32> to vector<16xf32>
        %add3A_744 = arith.addf %get3A_739, %get3A_743 : vector<16xf32>
        %swap3A_745 = arith.index_cast %scan3A_135 : i32 to index
        %swap3A_746 = arith.constant 688 : index
        %swap3A_747 = tpu.vector_load %arg12[%swap3A_745, %swap3A_746] {strides = array<i32>} : memref<16x1024xf32, #tpu.memory_space<vmem>>, vector<1x16xf32>,
        %swap3A_748 = vector.shape_cast %swap3A_747 : vector<1x16xf32> to vector<16xf32>
        %swap3A_749 = vector.shape_cast %add3A_744 : vector<16xf32> to vector<1x16xf32>
        tpu.vector_store %arg12[%swap3A_745, %swap3A_746], %swap3A_749 {strides = array<i32>} : memref<16x1024xf32, #tpu.memory_space<vmem>>, vector<1x16xf32>,
        %get3A_750 = arith.index_cast %scan3A_135 : i32 to index
        %get3A_751 = arith.constant 704 : index
        %get3A_752 = tpu.vector_load %arg10[%get3A_750, %get3A_751] {strides = array<i32>} : memref<16x1024xf32, #tpu.memory_space<vmem>>, vector<1x16xf32>,
        %get3A_753 = vector.shape_cast %get3A_752 : vector<1x16xf32> to vector<16xf32>
        %get3A_754 = arith.index_cast %scan3A_135 : i32 to index
        %get3A_755 = arith.constant 704 : index
        %get3A_756 = tpu.vector_load %arg8[%get3A_754, %get3A_755] {strides = array<i32>} : memref<16x1024xf32, #tpu.memory_space<vmem>>, vector<1x16xf32>,
        %get3A_757 = vector.shape_cast %get3A_756 : vector<1x16xf32> to vector<16xf32>
        %add3A_758 = arith.addf %get3A_753, %get3A_757 : vector<16xf32>
        %swap3A_759 = arith.index_cast %scan3A_135 : i32 to index
        %swap3A_760 = arith.constant 704 : index
        %swap3A_761 = tpu.vector_load %arg12[%swap3A_759, %swap3A_760] {strides = array<i32>} : memref<16x1024xf32, #tpu.memory_space<vmem>>, vector<1x16xf32>,
        %swap3A_762 = vector.shape_cast %swap3A_761 : vector<1x16xf32> to vector<16xf32>
        %swap3A_763 = vector.shape_cast %add3A_758 : vector<16xf32> to vector<1x16xf32>
        tpu.vector_store %arg12[%swap3A_759, %swap3A_760], %swap3A_763 {strides = array<i32>} : memref<16x1024xf32, #tpu.memory_space<vmem>>, vector<1x16xf32>,
        %get3A_764 = arith.index_cast %scan3A_135 : i32 to index
        %get3A_765 = arith.constant 720 : index
        %get3A_766 = tpu.vector_load %arg10[%get3A_764, %get3A_765] {strides = array<i32>} : memref<16x1024xf32, #tpu.memory_space<vmem>>, vector<1x16xf32>,
        %get3A_767 = vector.shape_cast %get3A_766 : vector<1x16xf32> to vector<16xf32>
        %get3A_768 = arith.index_cast %scan3A_135 : i32 to index
        %get3A_769 = arith.constant 720 : index
        %get3A_770 = tpu.vector_load %arg8[%get3A_768, %get3A_769] {strides = array<i32>} : memref<16x1024xf32, #tpu.memory_space<vmem>>, vector<1x16xf32>,
        %get3A_771 = vector.shape_cast %get3A_770 : vector<1x16xf32> to vector<16xf32>
        %add3A_772 = arith.addf %get3A_767, %get3A_771 : vector<16xf32>
        %swap3A_773 = arith.index_cast %scan3A_135 : i32 to index
        %swap3A_774 = arith.constant 720 : index
        %swap3A_775 = tpu.vector_load %arg12[%swap3A_773, %swap3A_774] {strides = array<i32>} : memref<16x1024xf32, #tpu.memory_space<vmem>>, vector<1x16xf32>,
        %swap3A_776 = vector.shape_cast %swap3A_775 : vector<1x16xf32> to vector<16xf32>
        %swap3A_777 = vector.shape_cast %add3A_772 : vector<16xf32> to vector<1x16xf32>
        tpu.vector_store %arg12[%swap3A_773, %swap3A_774], %swap3A_777 {strides = array<i32>} : memref<16x1024xf32, #tpu.memory_space<vmem>>, vector<1x16xf32>,
        %get3A_778 = arith.index_cast %scan3A_135 : i32 to index
        %get3A_779 = arith.constant 736 : index
        %get3A_780 = tpu.vector_load %arg10[%get3A_778, %get3A_779] {strides = array<i32>} : memref<16x1024xf32, #tpu.memory_space<vmem>>, vector<1x16xf32>,
        %get3A_781 = vector.shape_cast %get3A_780 : vector<1x16xf32> to vector<16xf32>
        %get3A_782 = arith.index_cast %scan3A_135 : i32 to index
        %get3A_783 = arith.constant 736 : index
        %get3A_784 = tpu.vector_load %arg8[%get3A_782, %get3A_783] {strides = array<i32>} : memref<16x1024xf32, #tpu.memory_space<vmem>>, vector<1x16xf32>,
        %get3A_785 = vector.shape_cast %get3A_784 : vector<1x16xf32> to vector<16xf32>
        %add3A_786 = arith.addf %get3A_781, %get3A_785 : vector<16xf32>
        %swap3A_787 = arith.index_cast %scan3A_135 : i32 to index
        %swap3A_788 = arith.constant 736 : index
        %swap3A_789 = tpu.vector_load %arg12[%swap3A_787, %swap3A_788] {strides = array<i32>} : memref<16x1024xf32, #tpu.memory_space<vmem>>, vector<1x16xf32>,
        %swap3A_790 = vector.shape_cast %swap3A_789 : vector<1x16xf32> to vector<16xf32>
        %swap3A_791 = vector.shape_cast %add3A_786 : vector<16xf32> to vector<1x16xf32>
        tpu.vector_store %arg12[%swap3A_787, %swap3A_788], %swap3A_791 {strides = array<i32>} : memref<16x1024xf32, #tpu.memory_space<vmem>>, vector<1x16xf32>,
        %get3A_792 = arith.index_cast %scan3A_135 : i32 to index
        %get3A_793 = arith.constant 752 : index
        %get3A_794 = tpu.vector_load %arg10[%get3A_792, %get3A_793] {strides = array<i32>} : memref<16x1024xf32, #tpu.memory_space<vmem>>, vector<1x16xf32>,
        %get3A_795 = vector.shape_cast %get3A_794 : vector<1x16xf32> to vector<16xf32>
        %get3A_796 = arith.index_cast %scan3A_135 : i32 to index
        %get3A_797 = arith.constant 752 : index
        %get3A_798 = tpu.vector_load %arg8[%get3A_796, %get3A_797] {strides = array<i32>} : memref<16x1024xf32, #tpu.memory_space<vmem>>, vector<1x16xf32>,
        %get3A_799 = vector.shape_cast %get3A_798 : vector<1x16xf32> to vector<16xf32>
        %add3A_800 = arith.addf %get3A_795, %get3A_799 : vector<16xf32>
        %swap3A_801 = arith.index_cast %scan3A_135 : i32 to index
        %swap3A_802 = arith.constant 752 : index
        %swap3A_803 = tpu.vector_load %arg12[%swap3A_801, %swap3A_802] {strides = array<i32>} : memref<16x1024xf32, #tpu.memory_space<vmem>>, vector<1x16xf32>,
        %swap3A_804 = vector.shape_cast %swap3A_803 : vector<1x16xf32> to vector<16xf32>
        %swap3A_805 = vector.shape_cast %add3A_800 : vector<16xf32> to vector<1x16xf32>
        tpu.vector_store %arg12[%swap3A_801, %swap3A_802], %swap3A_805 {strides = array<i32>} : memref<16x1024xf32, #tpu.memory_space<vmem>>, vector<1x16xf32>,
        %get3A_806 = arith.index_cast %scan3A_135 : i32 to index
        %get3A_807 = arith.constant 768 : index
        %get3A_808 = tpu.vector_load %arg10[%get3A_806, %get3A_807] {strides = array<i32>} : memref<16x1024xf32, #tpu.memory_space<vmem>>, vector<1x16xf32>,
        %get3A_809 = vector.shape_cast %get3A_808 : vector<1x16xf32> to vector<16xf32>
        %get3A_810 = arith.index_cast %scan3A_135 : i32 to index
        %get3A_811 = arith.constant 768 : index
        %get3A_812 = tpu.vector_load %arg8[%get3A_810, %get3A_811] {strides = array<i32>} : memref<16x1024xf32, #tpu.memory_space<vmem>>, vector<1x16xf32>,
        %get3A_813 = vector.shape_cast %get3A_812 : vector<1x16xf32> to vector<16xf32>
        %add3A_814 = arith.addf %get3A_809, %get3A_813 : vector<16xf32>
        %swap3A_815 = arith.index_cast %scan3A_135 : i32 to index
        %swap3A_816 = arith.constant 768 : index
        %swap3A_817 = tpu.vector_load %arg12[%swap3A_815, %swap3A_816] {strides = array<i32>} : memref<16x1024xf32, #tpu.memory_space<vmem>>, vector<1x16xf32>,
        %swap3A_818 = vector.shape_cast %swap3A_817 : vector<1x16xf32> to vector<16xf32>
        %swap3A_819 = vector.shape_cast %add3A_814 : vector<16xf32> to vector<1x16xf32>
        tpu.vector_store %arg12[%swap3A_815, %swap3A_816], %swap3A_819 {strides = array<i32>} : memref<16x1024xf32, #tpu.memory_space<vmem>>, vector<1x16xf32>,
        %get3A_820 = arith.index_cast %scan3A_135 : i32 to index
        %get3A_821 = arith.constant 784 : index
        %get3A_822 = tpu.vector_load %arg10[%get3A_820, %get3A_821] {strides = array<i32>} : memref<16x1024xf32, #tpu.memory_space<vmem>>, vector<1x16xf32>,
        %get3A_823 = vector.shape_cast %get3A_822 : vector<1x16xf32> to vector<16xf32>
        %get3A_824 = arith.index_cast %scan3A_135 : i32 to index
        %get3A_825 = arith.constant 784 : index
        %get3A_826 = tpu.vector_load %arg8[%get3A_824, %get3A_825] {strides = array<i32>} : memref<16x1024xf32, #tpu.memory_space<vmem>>, vector<1x16xf32>,
        %get3A_827 = vector.shape_cast %get3A_826 : vector<1x16xf32> to vector<16xf32>
        %add3A_828 = arith.addf %get3A_823, %get3A_827 : vector<16xf32>
        %swap3A_829 = arith.index_cast %scan3A_135 : i32 to index
        %swap3A_830 = arith.constant 784 : index
        %swap3A_831 = tpu.vector_load %arg12[%swap3A_829, %swap3A_830] {strides = array<i32>} : memref<16x1024xf32, #tpu.memory_space<vmem>>, vector<1x16xf32>,
        %swap3A_832 = vector.shape_cast %swap3A_831 : vector<1x16xf32> to vector<16xf32>
        %swap3A_833 = vector.shape_cast %add3A_828 : vector<16xf32> to vector<1x16xf32>
        tpu.vector_store %arg12[%swap3A_829, %swap3A_830], %swap3A_833 {strides = array<i32>} : memref<16x1024xf32, #tpu.memory_space<vmem>>, vector<1x16xf32>,
        %get3A_834 = arith.index_cast %scan3A_135 : i32 to index
        %get3A_835 = arith.constant 800 : index
        %get3A_836 = tpu.vector_load %arg10[%get3A_834, %get3A_835] {strides = array<i32>} : memref<16x1024xf32, #tpu.memory_space<vmem>>, vector<1x16xf32>,
        %get3A_837 = vector.shape_cast %get3A_836 : vector<1x16xf32> to vector<16xf32>
        %get3A_838 = arith.index_cast %scan3A_135 : i32 to index
        %get3A_839 = arith.constant 800 : index
        %get3A_840 = tpu.vector_load %arg8[%get3A_838, %get3A_839] {strides = array<i32>} : memref<16x1024xf32, #tpu.memory_space<vmem>>, vector<1x16xf32>,
        %get3A_841 = vector.shape_cast %get3A_840 : vector<1x16xf32> to vector<16xf32>
        %add3A_842 = arith.addf %get3A_837, %get3A_841 : vector<16xf32>
        %swap3A_843 = arith.index_cast %scan3A_135 : i32 to index
        %swap3A_844 = arith.constant 800 : index
        %swap3A_845 = tpu.vector_load %arg12[%swap3A_843, %swap3A_844] {strides = array<i32>} : memref<16x1024xf32, #tpu.memory_space<vmem>>, vector<1x16xf32>,
        %swap3A_846 = vector.shape_cast %swap3A_845 : vector<1x16xf32> to vector<16xf32>
        %swap3A_847 = vector.shape_cast %add3A_842 : vector<16xf32> to vector<1x16xf32>
        tpu.vector_store %arg12[%swap3A_843, %swap3A_844], %swap3A_847 {strides = array<i32>} : memref<16x1024xf32, #tpu.memory_space<vmem>>, vector<1x16xf32>,
        %get3A_848 = arith.index_cast %scan3A_135 : i32 to index
        %get3A_849 = arith.constant 816 : index
        %get3A_850 = tpu.vector_load %arg10[%get3A_848, %get3A_849] {strides = array<i32>} : memref<16x1024xf32, #tpu.memory_space<vmem>>, vector<1x16xf32>,
        %get3A_851 = vector.shape_cast %get3A_850 : vector<1x16xf32> to vector<16xf32>
        %get3A_852 = arith.index_cast %scan3A_135 : i32 to index
        %get3A_853 = arith.constant 816 : index
        %get3A_854 = tpu.vector_load %arg8[%get3A_852, %get3A_853] {strides = array<i32>} : memref<16x1024xf32, #tpu.memory_space<vmem>>, vector<1x16xf32>,
        %get3A_855 = vector.shape_cast %get3A_854 : vector<1x16xf32> to vector<16xf32>
        %add3A_856 = arith.addf %get3A_851, %get3A_855 : vector<16xf32>
        %swap3A_857 = arith.index_cast %scan3A_135 : i32 to index
        %swap3A_858 = arith.constant 816 : index
        %swap3A_859 = tpu.vector_load %arg12[%swap3A_857, %swap3A_858] {strides = array<i32>} : memref<16x1024xf32, #tpu.memory_space<vmem>>, vector<1x16xf32>,
        %swap3A_860 = vector.shape_cast %swap3A_859 : vector<1x16xf32> to vector<16xf32>
        %swap3A_861 = vector.shape_cast %add3A_856 : vector<16xf32> to vector<1x16xf32>
        tpu.vector_store %arg12[%swap3A_857, %swap3A_858], %swap3A_861 {strides = array<i32>} : memref<16x1024xf32, #tpu.memory_space<vmem>>, vector<1x16xf32>,
        %get3A_862 = arith.index_cast %scan3A_135 : i32 to index
        %get3A_863 = arith.constant 832 : index
        %get3A_864 = tpu.vector_load %arg10[%get3A_862, %get3A_863] {strides = array<i32>} : memref<16x1024xf32, #tpu.memory_space<vmem>>, vector<1x16xf32>,
        %get3A_865 = vector.shape_cast %get3A_864 : vector<1x16xf32> to vector<16xf32>
        %get3A_866 = arith.index_cast %scan3A_135 : i32 to index
        %get3A_867 = arith.constant 832 : index
        %get3A_868 = tpu.vector_load %arg8[%get3A_866, %get3A_867] {strides = array<i32>} : memref<16x1024xf32, #tpu.memory_space<vmem>>, vector<1x16xf32>,
        %get3A_869 = vector.shape_cast %get3A_868 : vector<1x16xf32> to vector<16xf32>
        %add3A_870 = arith.addf %get3A_865, %get3A_869 : vector<16xf32>
        %swap3A_871 = arith.index_cast %scan3A_135 : i32 to index
        %swap3A_872 = arith.constant 832 : index
        %swap3A_873 = tpu.vector_load %arg12[%swap3A_871, %swap3A_872] {strides = array<i32>} : memref<16x1024xf32, #tpu.memory_space<vmem>>, vector<1x16xf32>,
        %swap3A_874 = vector.shape_cast %swap3A_873 : vector<1x16xf32> to vector<16xf32>
        %swap3A_875 = vector.shape_cast %add3A_870 : vector<16xf32> to vector<1x16xf32>
        tpu.vector_store %arg12[%swap3A_871, %swap3A_872], %swap3A_875 {strides = array<i32>} : memref<16x1024xf32, #tpu.memory_space<vmem>>, vector<1x16xf32>,
        %get3A_876 = arith.index_cast %scan3A_135 : i32 to index
        %get3A_877 = arith.constant 848 : index
        %get3A_878 = tpu.vector_load %arg10[%get3A_876, %get3A_877] {strides = array<i32>} : memref<16x1024xf32, #tpu.memory_space<vmem>>, vector<1x16xf32>,
        %get3A_879 = vector.shape_cast %get3A_878 : vector<1x16xf32> to vector<16xf32>
        %get3A_880 = arith.index_cast %scan3A_135 : i32 to index
        %get3A_881 = arith.constant 848 : index
        %get3A_882 = tpu.vector_load %arg8[%get3A_880, %get3A_881] {strides = array<i32>} : memref<16x1024xf32, #tpu.memory_space<vmem>>, vector<1x16xf32>,
        %get3A_883 = vector.shape_cast %get3A_882 : vector<1x16xf32> to vector<16xf32>
        %add3A_884 = arith.addf %get3A_879, %get3A_883 : vector<16xf32>
        %swap3A_885 = arith.index_cast %scan3A_135 : i32 to index
        %swap3A_886 = arith.constant 848 : index
        %swap3A_887 = tpu.vector_load %arg12[%swap3A_885, %swap3A_886] {strides = array<i32>} : memref<16x1024xf32, #tpu.memory_space<vmem>>, vector<1x16xf32>,
        %swap3A_888 = vector.shape_cast %swap3A_887 : vector<1x16xf32> to vector<16xf32>
        %swap3A_889 = vector.shape_cast %add3A_884 : vector<16xf32> to vector<1x16xf32>
        tpu.vector_store %arg12[%swap3A_885, %swap3A_886], %swap3A_889 {strides = array<i32>} : memref<16x1024xf32, #tpu.memory_space<vmem>>, vector<1x16xf32>,
        %get3A_890 = arith.index_cast %scan3A_135 : i32 to index
        %get3A_891 = arith.constant 864 : index
        %get3A_892 = tpu.vector_load %arg10[%get3A_890, %get3A_891] {strides = array<i32>} : memref<16x1024xf32, #tpu.memory_space<vmem>>, vector<1x16xf32>,
        %get3A_893 = vector.shape_cast %get3A_892 : vector<1x16xf32> to vector<16xf32>
        %get3A_894 = arith.index_cast %scan3A_135 : i32 to index
        %get3A_895 = arith.constant 864 : index
        %get3A_896 = tpu.vector_load %arg8[%get3A_894, %get3A_895] {strides = array<i32>} : memref<16x1024xf32, #tpu.memory_space<vmem>>, vector<1x16xf32>,
        %get3A_897 = vector.shape_cast %get3A_896 : vector<1x16xf32> to vector<16xf32>
        %add3A_898 = arith.addf %get3A_893, %get3A_897 : vector<16xf32>
        %swap3A_899 = arith.index_cast %scan3A_135 : i32 to index
        %swap3A_900 = arith.constant 864 : index
        %swap3A_901 = tpu.vector_load %arg12[%swap3A_899, %swap3A_900] {strides = array<i32>} : memref<16x1024xf32, #tpu.memory_space<vmem>>, vector<1x16xf32>,
        %swap3A_902 = vector.shape_cast %swap3A_901 : vector<1x16xf32> to vector<16xf32>
        %swap3A_903 = vector.shape_cast %add3A_898 : vector<16xf32> to vector<1x16xf32>
        tpu.vector_store %arg12[%swap3A_899, %swap3A_900], %swap3A_903 {strides = array<i32>} : memref<16x1024xf32, #tpu.memory_space<vmem>>, vector<1x16xf32>,
        %get3A_904 = arith.index_cast %scan3A_135 : i32 to index
        %get3A_905 = arith.constant 880 : index
        %get3A_906 = tpu.vector_load %arg10[%get3A_904, %get3A_905] {strides = array<i32>} : memref<16x1024xf32, #tpu.memory_space<vmem>>, vector<1x16xf32>,
        %get3A_907 = vector.shape_cast %get3A_906 : vector<1x16xf32> to vector<16xf32>
        %get3A_908 = arith.index_cast %scan3A_135 : i32 to index
        %get3A_909 = arith.constant 880 : index
        %get3A_910 = tpu.vector_load %arg8[%get3A_908, %get3A_909] {strides = array<i32>} : memref<16x1024xf32, #tpu.memory_space<vmem>>, vector<1x16xf32>,
        %get3A_911 = vector.shape_cast %get3A_910 : vector<1x16xf32> to vector<16xf32>
        %add3A_912 = arith.addf %get3A_907, %get3A_911 : vector<16xf32>
        %swap3A_913 = arith.index_cast %scan3A_135 : i32 to index
        %swap3A_914 = arith.constant 880 : index
        %swap3A_915 = tpu.vector_load %arg12[%swap3A_913, %swap3A_914] {strides = array<i32>} : memref<16x1024xf32, #tpu.memory_space<vmem>>, vector<1x16xf32>,
        %swap3A_916 = vector.shape_cast %swap3A_915 : vector<1x16xf32> to vector<16xf32>
        %swap3A_917 = vector.shape_cast %add3A_912 : vector<16xf32> to vector<1x16xf32>
        tpu.vector_store %arg12[%swap3A_913, %swap3A_914], %swap3A_917 {strides = array<i32>} : memref<16x1024xf32, #tpu.memory_space<vmem>>, vector<1x16xf32>,
        %get3A_918 = arith.index_cast %scan3A_135 : i32 to index
        %get3A_919 = arith.constant 896 : index
        %get3A_920 = tpu.vector_load %arg10[%get3A_918, %get3A_919] {strides = array<i32>} : memref<16x1024xf32, #tpu.memory_space<vmem>>, vector<1x16xf32>,
        %get3A_921 = vector.shape_cast %get3A_920 : vector<1x16xf32> to vector<16xf32>
        %get3A_922 = arith.index_cast %scan3A_135 : i32 to index
        %get3A_923 = arith.constant 896 : index
        %get3A_924 = tpu.vector_load %arg8[%get3A_922, %get3A_923] {strides = array<i32>} : memref<16x1024xf32, #tpu.memory_space<vmem>>, vector<1x16xf32>,
        %get3A_925 = vector.shape_cast %get3A_924 : vector<1x16xf32> to vector<16xf32>
        %add3A_926 = arith.addf %get3A_921, %get3A_925 : vector<16xf32>
        %swap3A_927 = arith.index_cast %scan3A_135 : i32 to index
        %swap3A_928 = arith.constant 896 : index
        %swap3A_929 = tpu.vector_load %arg12[%swap3A_927, %swap3A_928] {strides = array<i32>} : memref<16x1024xf32, #tpu.memory_space<vmem>>, vector<1x16xf32>,
        %swap3A_930 = vector.shape_cast %swap3A_929 : vector<1x16xf32> to vector<16xf32>
        %swap3A_931 = vector.shape_cast %add3A_926 : vector<16xf32> to vector<1x16xf32>
        tpu.vector_store %arg12[%swap3A_927, %swap3A_928], %swap3A_931 {strides = array<i32>} : memref<16x1024xf32, #tpu.memory_space<vmem>>, vector<1x16xf32>,
        %get3A_932 = arith.index_cast %scan3A_135 : i32 to index
        %get3A_933 = arith.constant 912 : index
        %get3A_934 = tpu.vector_load %arg10[%get3A_932, %get3A_933] {strides = array<i32>} : memref<16x1024xf32, #tpu.memory_space<vmem>>, vector<1x16xf32>,
        %get3A_935 = vector.shape_cast %get3A_934 : vector<1x16xf32> to vector<16xf32>
        %get3A_936 = arith.index_cast %scan3A_135 : i32 to index
        %get3A_937 = arith.constant 912 : index
        %get3A_938 = tpu.vector_load %arg8[%get3A_936, %get3A_937] {strides = array<i32>} : memref<16x1024xf32, #tpu.memory_space<vmem>>, vector<1x16xf32>,
        %get3A_939 = vector.shape_cast %get3A_938 : vector<1x16xf32> to vector<16xf32>
        %add3A_940 = arith.addf %get3A_935, %get3A_939 : vector<16xf32>
        %swap3A_941 = arith.index_cast %scan3A_135 : i32 to index
        %swap3A_942 = arith.constant 912 : index
        %swap3A_943 = tpu.vector_load %arg12[%swap3A_941, %swap3A_942] {strides = array<i32>} : memref<16x1024xf32, #tpu.memory_space<vmem>>, vector<1x16xf32>,
        %swap3A_944 = vector.shape_cast %swap3A_943 : vector<1x16xf32> to vector<16xf32>
        %swap3A_945 = vector.shape_cast %add3A_940 : vector<16xf32> to vector<1x16xf32>
        tpu.vector_store %arg12[%swap3A_941, %swap3A_942], %swap3A_945 {strides = array<i32>} : memref<16x1024xf32, #tpu.memory_space<vmem>>, vector<1x16xf32>,
        %get3A_946 = arith.index_cast %scan3A_135 : i32 to index
        %get3A_947 = arith.constant 928 : index
        %get3A_948 = tpu.vector_load %arg10[%get3A_946, %get3A_947] {strides = array<i32>} : memref<16x1024xf32, #tpu.memory_space<vmem>>, vector<1x16xf32>,
        %get3A_949 = vector.shape_cast %get3A_948 : vector<1x16xf32> to vector<16xf32>
        %get3A_950 = arith.index_cast %scan3A_135 : i32 to index
        %get3A_951 = arith.constant 928 : index
        %get3A_952 = tpu.vector_load %arg8[%get3A_950, %get3A_951] {strides = array<i32>} : memref<16x1024xf32, #tpu.memory_space<vmem>>, vector<1x16xf32>,
        %get3A_953 = vector.shape_cast %get3A_952 : vector<1x16xf32> to vector<16xf32>
        %add3A_954 = arith.addf %get3A_949, %get3A_953 : vector<16xf32>
        %swap3A_955 = arith.index_cast %scan3A_135 : i32 to index
        %swap3A_956 = arith.constant 928 : index
        %swap3A_957 = tpu.vector_load %arg12[%swap3A_955, %swap3A_956] {strides = array<i32>} : memref<16x1024xf32, #tpu.memory_space<vmem>>, vector<1x16xf32>,
        %swap3A_958 = vector.shape_cast %swap3A_957 : vector<1x16xf32> to vector<16xf32>
        %swap3A_959 = vector.shape_cast %add3A_954 : vector<16xf32> to vector<1x16xf32>
        tpu.vector_store %arg12[%swap3A_955, %swap3A_956], %swap3A_959 {strides = array<i32>} : memref<16x1024xf32, #tpu.memory_space<vmem>>, vector<1x16xf32>,
        %get3A_960 = arith.index_cast %scan3A_135 : i32 to index
        %get3A_961 = arith.constant 944 : index
        %get3A_962 = tpu.vector_load %arg10[%get3A_960, %get3A_961] {strides = array<i32>} : memref<16x1024xf32, #tpu.memory_space<vmem>>, vector<1x16xf32>,
        %get3A_963 = vector.shape_cast %get3A_962 : vector<1x16xf32> to vector<16xf32>
        %get3A_964 = arith.index_cast %scan3A_135 : i32 to index
        %get3A_965 = arith.constant 944 : index
        %get3A_966 = tpu.vector_load %arg8[%get3A_964, %get3A_965] {strides = array<i32>} : memref<16x1024xf32, #tpu.memory_space<vmem>>, vector<1x16xf32>,
        %get3A_967 = vector.shape_cast %get3A_966 : vector<1x16xf32> to vector<16xf32>
        %add3A_968 = arith.addf %get3A_963, %get3A_967 : vector<16xf32>
        %swap3A_969 = arith.index_cast %scan3A_135 : i32 to index
        %swap3A_970 = arith.constant 944 : index
        %swap3A_971 = tpu.vector_load %arg12[%swap3A_969, %swap3A_970] {strides = array<i32>} : memref<16x1024xf32, #tpu.memory_space<vmem>>, vector<1x16xf32>,
        %swap3A_972 = vector.shape_cast %swap3A_971 : vector<1x16xf32> to vector<16xf32>
        %swap3A_973 = vector.shape_cast %add3A_968 : vector<16xf32> to vector<1x16xf32>
        tpu.vector_store %arg12[%swap3A_969, %swap3A_970], %swap3A_973 {strides = array<i32>} : memref<16x1024xf32, #tpu.memory_space<vmem>>, vector<1x16xf32>,
        %get3A_974 = arith.index_cast %scan3A_135 : i32 to index
        %get3A_975 = arith.constant 960 : index
        %get3A_976 = tpu.vector_load %arg10[%get3A_974, %get3A_975] {strides = array<i32>} : memref<16x1024xf32, #tpu.memory_space<vmem>>, vector<1x16xf32>,
        %get3A_977 = vector.shape_cast %get3A_976 : vector<1x16xf32> to vector<16xf32>
        %get3A_978 = arith.index_cast %scan3A_135 : i32 to index
        %get3A_979 = arith.constant 960 : index
        %get3A_980 = tpu.vector_load %arg8[%get3A_978, %get3A_979] {strides = array<i32>} : memref<16x1024xf32, #tpu.memory_space<vmem>>, vector<1x16xf32>,
        %get3A_981 = vector.shape_cast %get3A_980 : vector<1x16xf32> to vector<16xf32>
        %add3A_982 = arith.addf %get3A_977, %get3A_981 : vector<16xf32>
        %swap3A_983 = arith.index_cast %scan3A_135 : i32 to index
        %swap3A_984 = arith.constant 960 : index
        %swap3A_985 = tpu.vector_load %arg12[%swap3A_983, %swap3A_984] {strides = array<i32>} : memref<16x1024xf32, #tpu.memory_space<vmem>>, vector<1x16xf32>,
        %swap3A_986 = vector.shape_cast %swap3A_985 : vector<1x16xf32> to vector<16xf32>
        %swap3A_987 = vector.shape_cast %add3A_982 : vector<16xf32> to vector<1x16xf32>
        tpu.vector_store %arg12[%swap3A_983, %swap3A_984], %swap3A_987 {strides = array<i32>} : memref<16x1024xf32, #tpu.memory_space<vmem>>, vector<1x16xf32>,
        %get3A_988 = arith.index_cast %scan3A_135 : i32 to index
        %get3A_989 = arith.constant 976 : index
        %get3A_990 = tpu.vector_load %arg10[%get3A_988, %get3A_989] {strides = array<i32>} : memref<16x1024xf32, #tpu.memory_space<vmem>>, vector<1x16xf32>,
        %get3A_991 = vector.shape_cast %get3A_990 : vector<1x16xf32> to vector<16xf32>
        %get3A_992 = arith.index_cast %scan3A_135 : i32 to index
        %get3A_993 = arith.constant 976 : index
        %get3A_994 = tpu.vector_load %arg8[%get3A_992, %get3A_993] {strides = array<i32>} : memref<16x1024xf32, #tpu.memory_space<vmem>>, vector<1x16xf32>,
        %get3A_995 = vector.shape_cast %get3A_994 : vector<1x16xf32> to vector<16xf32>
        %add3A_996 = arith.addf %get3A_991, %get3A_995 : vector<16xf32>
        %swap3A_997 = arith.index_cast %scan3A_135 : i32 to index
        %swap3A_998 = arith.constant 976 : index
        %swap3A_999 = tpu.vector_load %arg12[%swap3A_997, %swap3A_998] {strides = array<i32>} : memref<16x1024xf32, #tpu.memory_space<vmem>>, vector<1x16xf32>,
        %swap3A_1000 = vector.shape_cast %swap3A_999 : vector<1x16xf32> to vector<16xf32>
        %swap3A_1001 = vector.shape_cast %add3A_996 : vector<16xf32> to vector<1x16xf32>
        tpu.vector_store %arg12[%swap3A_997, %swap3A_998], %swap3A_1001 {strides = array<i32>} : memref<16x1024xf32, #tpu.memory_space<vmem>>, vector<1x16xf32>,
        %get3A_1002 = arith.index_cast %scan3A_135 : i32 to index
        %get3A_1003 = arith.constant 992 : index
        %get3A_1004 = tpu.vector_load %arg10[%get3A_1002, %get3A_1003] {strides = array<i32>} : memref<16x1024xf32, #tpu.memory_space<vmem>>, vector<1x16xf32>,
        %get3A_1005 = vector.shape_cast %get3A_1004 : vector<1x16xf32> to vector<16xf32>
        %get3A_1006 = arith.index_cast %scan3A_135 : i32 to index
        %get3A_1007 = arith.constant 992 : index
        %get3A_1008 = tpu.vector_load %arg8[%get3A_1006, %get3A_1007] {strides = array<i32>} : memref<16x1024xf32, #tpu.memory_space<vmem>>, vector<1x16xf32>,
        %get3A_1009 = vector.shape_cast %get3A_1008 : vector<1x16xf32> to vector<16xf32>
        %add3A_1010 = arith.addf %get3A_1005, %get3A_1009 : vector<16xf32>
        %swap3A_1011 = arith.index_cast %scan3A_135 : i32 to index
        %swap3A_1012 = arith.constant 992 : index
        %swap3A_1013 = tpu.vector_load %arg12[%swap3A_1011, %swap3A_1012] {strides = array<i32>} : memref<16x1024xf32, #tpu.memory_space<vmem>>, vector<1x16xf32>,
        %swap3A_1014 = vector.shape_cast %swap3A_1013 : vector<1x16xf32> to vector<16xf32>
        %swap3A_1015 = vector.shape_cast %add3A_1010 : vector<16xf32> to vector<1x16xf32>
        tpu.vector_store %arg12[%swap3A_1011, %swap3A_1012], %swap3A_1015 {strides = array<i32>} : memref<16x1024xf32, #tpu.memory_space<vmem>>, vector<1x16xf32>,
        %get3A_1016 = arith.index_cast %scan3A_135 : i32 to index
        %get3A_1017 = arith.constant 1008 : index
        %get3A_1018 = tpu.vector_load %arg10[%get3A_1016, %get3A_1017] {strides = array<i32>} : memref<16x1024xf32, #tpu.memory_space<vmem>>, vector<1x16xf32>,
        %get3A_1019 = vector.shape_cast %get3A_1018 : vector<1x16xf32> to vector<16xf32>
        %get3A_1020 = arith.index_cast %scan3A_135 : i32 to index
        %get3A_1021 = arith.constant 1008 : index
        %get3A_1022 = tpu.vector_load %arg8[%get3A_1020, %get3A_1021] {strides = array<i32>} : memref<16x1024xf32, #tpu.memory_space<vmem>>, vector<1x16xf32>,
        %get3A_1023 = vector.shape_cast %get3A_1022 : vector<1x16xf32> to vector<16xf32>
        %add3A_1024 = arith.addf %get3A_1019, %get3A_1023 : vector<16xf32>
        %swap3A_1025 = arith.index_cast %scan3A_135 : i32 to index
        %swap3A_1026 = arith.constant 1008 : index
        %swap3A_1027 = tpu.vector_load %arg12[%swap3A_1025, %swap3A_1026] {strides = array<i32>} : memref<16x1024xf32, #tpu.memory_space<vmem>>, vector<1x16xf32>,
        %swap3A_1028 = vector.shape_cast %swap3A_1027 : vector<1x16xf32> to vector<16xf32>
        %swap3A_1029 = vector.shape_cast %add3A_1024 : vector<16xf32> to vector<1x16xf32>
        tpu.vector_store %arg12[%swap3A_1025, %swap3A_1026], %swap3A_1029 {strides = array<i32>} : memref<16x1024xf32, #tpu.memory_space<vmem>>, vector<1x16xf32>,
      }
      %scan3A_125 = arith.constant 16 : i32
      %dma_start3A_126 = arith.constant 0 : i32
      %dma_start3A_127 = tpu.memref_slice %arg5[%add3A_103, %dma_start3A_126] : memref<32768x1024xf32, #tpu.memory_space<hbm>> -> memref<16x1024xf32, #tpu.memory_space<hbm>>
      %dma_start3A_128 = arith.constant 0 : i32
      %dma_start3A_129 = tpu.memref_slice %arg5[%add3A_103, %dma_start3A_128] : memref<32768x1024xf32, #tpu.memory_space<hbm>> -> memref<16x1024xf32, #tpu.memory_space<hbm>>
      tpu.enqueue_dma source(%arg12 : memref<16x1024xf32, #tpu.memory_space<vmem>>) target(%dma_start3A_129 : memref<16x1024xf32, #tpu.memory_space<hbm>>) target_semaphore(%arg18 : memref<!tpu.dma_semaphore, #tpu.memory_space<semaphore_mem>>)
      %lt3A_130 = arith.constant 31 : i32
      %lt3A_131 = arith.cmpi slt, %scan3A_62, %lt3A_130 : i32
      %convert_element_type3A_132 = arith.extui %lt3A_131 : i1 to i32
      %cond3A_133 = arith.constant 0 : i32
      %cond3A_134 = arith.cmpi ne, %convert_element_type3A_132, %cond3A_133 : i32
      scf.if %cond3A_134 {
        %add3A_135 = arith.constant 2 : i32
        %add3A_136 = arith.addi %add3A_100, %add3A_135 : i32
        %mul3A_137 = arith.constant 16 : i32
        %mul3A_138 = arith.muli %add3A_136, %mul3A_137 : i32
        %dma_start3A_139 = tpu.memref_slice %arg6[%mul3A_138] : memref<1024xi32, #tpu.memory_space<vmem>> -> memref<16xi32, #tpu.memory_space<vmem>>
        %dma_start3A_140 = arith.constant 0 : i32
        %dma_start3A_141 = arith.constant 0 : i32
        %dma_start3A_142 = tpu.memref_slice %arg2[%dma_start3A_140, %dma_start3A_141] : memref<8192x1024xf32, #tpu.memory_space<hbm>> -> memref<8192x1024xf32, #tpu.memory_space<hbm>>
        tpu.enqueue_indirect_dma source(%dma_start3A_142 : memref<8192x1024xf32, #tpu.memory_space<hbm>>) target(%arg8 : memref<16x1024xf32, #tpu.memory_space<vmem>>) offsets(%dma_start3A_139 : memref<16xi32, #tpu.memory_space<vmem>>) semaphore(%arg14 : memref<!tpu.dma_semaphore, #tpu.memory_space<semaphore_mem>>)
        %mul3A_143 = arith.constant 16 : i32
        %mul3A_144 = arith.muli %add3A_136, %mul3A_143 : i32
        %add3A_145 = arith.addi %mul3A_2, %mul3A_144 : i32
        %dma_start3A_146 = arith.constant 0 : i32
        %dma_start3A_147 = tpu.memref_slice %arg3[%add3A_145, %dma_start3A_146] : memref<32768x1024xf32, #tpu.memory_space<hbm>> -> memref<16x1024xf32, #tpu.memory_space<hbm>>
        %dma_start3A_148 = arith.constant 0 : i32
        %dma_start3A_149 = tpu.memref_slice %arg3[%add3A_145, %dma_start3A_148] : memref<32768x1024xf32, #tpu.memory_space<hbm>> -> memref<16x1024xf32, #tpu.memory_space<hbm>>
        tpu.enqueue_dma source(%dma_start3A_149 : memref<16x1024xf32, #tpu.memory_space<hbm>>) target(%arg10 : memref<16x1024xf32, #tpu.memory_space<vmem>>) target_semaphore(%arg16 : memref<!tpu.dma_semaphore, #tpu.memory_space<semaphore_mem>>)
      } else {
      }
    }
    %scan3A_50 = arith.constant 32 : i32
    %dma_wait3A = arith.constant 0 : i32
    %dma_wait3A_51 = arith.constant 0 : i32
    %dma_wait3A_52 = tpu.memref_slice %arg5[%dma_wait3A, %dma_wait3A_51] : memref<32768x1024xf32, #tpu.memory_space<hbm>> -> memref<16x1024xf32, #tpu.memory_space<hbm>>
    %dma_wait3A_53 = arith.constant 0 : i32
    %dma_wait3A_54 = arith.constant 0 : i32
    %dma_wait3A_55 = tpu.memref_slice %arg5[%dma_wait3A_53, %dma_wait3A_54] : memref<32768x1024xf32, #tpu.memory_space<hbm>> -> memref<16x1024xf32, #tpu.memory_space<hbm>>
    tpu.wait_dma2 semaphore(%arg17 : memref<!tpu.dma_semaphore, #tpu.memory_space<semaphore_mem>>) src(%arg11 : memref<16x1024xf32, #tpu.memory_space<vmem>>) dst(%dma_wait3A_55 : memref<16x1024xf32, #tpu.memory_space<hbm>>)
    %dma_wait3A_56 = arith.constant 0 : i32
    %dma_wait3A_57 = arith.constant 0 : i32
    %dma_wait3A_58 = tpu.memref_slice %arg5[%dma_wait3A_56, %dma_wait3A_57] : memref<32768x1024xf32, #tpu.memory_space<hbm>> -> memref<16x1024xf32, #tpu.memory_space<hbm>>
    %dma_wait3A_59 = arith.constant 0 : i32
    %dma_wait3A_60 = arith.constant 0 : i32
    %dma_wait3A_61 = tpu.memref_slice %arg5[%dma_wait3A_59, %dma_wait3A_60] : memref<32768x1024xf32, #tpu.memory_space<hbm>> -> memref<16x1024xf32, #tpu.memory_space<hbm>>
    tpu.wait_dma2 semaphore(%arg18 : memref<!tpu.dma_semaphore, #tpu.memory_space<semaphore_mem>>) src(%arg12 : memref<16x1024xf32, #tpu.memory_space<vmem>>) dst(%dma_wait3A_61 : memref<16x1024xf32, #tpu.memory_space<hbm>>)
    return
  }
}

</mosaic_0001>

<sc_bundles>
// kernel: _distribute.3.cloned.1.call-start
scs
__scs_entry_jumppad:
0x0: {  	(pc) =	sbr.rel $0x88, $3  }
0x1: {  	(tag) =	ssettag $0x0;
	lr =	simm.s32 $0x1  }
0x2: {  	[smem:$0x3F9E] =	sst lr;
	_ =	strace $0xD0000000  }
0x3: {  	_ = 	snop  }
0x4: {  	_ = 	snop  }
0x5: {  	_ = 	snop  }
0x6: {  	_ = 	snop  }
0x7: {  	_ = 	snop  }
__scs_overlays_trampoline_lowered:
0x8: {  	[smem:$0x3FAD] =	sst s0  }
0x9: {  	[smem:$0x3FAE] =	sst s1  }
0xa: {  	[smem:$0x3FAF] =	sst s2  }
0xb: {  	[smem:$0x3FB0] =	sst s3  }
0xc: {  	[smem:$0x3FB1] =	sst s4  }
0xd: {  	[smem:$0x3FB2] =	sst s5  }
0xe: {  	[smem:$0x3FB3] =	sst s6  }
0xf: {  	[smem:$0x3FB4] =	sst s7  }
0x10: {  	[smem:$0x3FB5] =	sst s8  }
0x11: {  	[smem:$0x3FB6] =	sst s9;
	s0 =	simm.s32 @!p0 $0x0  }
0x12: {  	s1 =	sld [smem:$0x3F9C];
	s0 =	simm.s32 @p0 $0x1  }
0x13: {  	[smem:$0x3FB7] =	sst s0;
	s0 =	simm.s32 @!p1 $0x0  }
0x14: {  	s2 =	sld [smem:$0x3F9B];
	s0 =	simm.s32 @p1 $0x1  }
0x15: {  	[smem:$0x3FB8] =	sst s0;
	s0 =	simm.s32 @!p2 $0x0  }
0x16: {  	s3 =	sld [smem:$0x3FDB];
	s0 =	simm.s32 @p2 $0x1  }
0x17: {  	s4 =	simm.s32 $0x1BF5;
	[smem:$0x3FBA] =	sst s0  }
0x18: {  	s0 =	sld [smem:$0x3F9D];
	_ =	swait.ge [sflag:s4], $0x0  }
0x19: {  	s7 =	sld [smem:$0x3F9E]  }
0x1a: {  	s8 =	sadd.s32 $0xFFFFE003, lr  }
0x1b: {  	s9 =	sadd.s32 $0xFFFFFEF7, lr;
	s5 =	simm.s32 $0xFFFFFFFF;
	p2 =	slt.u32 s8, $0xFFFFF086  }
0x1c: {  	p1 =	slt.u32 s9, $0xF7A;
	s5 =	simm.s32 @!p2 $0x0  }
0x1d: {  	s5 =	simm.s32 @p1 $0x1;
	p0 =	seq.s32 s7, s2  }
0x1e: {  	s7 =	smul.u32 @!p0 $0xF7A, s2;
	p2 =	seq.s32 @!p0 s5, $0x0  }
0x1f: {  	s9 =	smul.u32 $0xF7A, s1;
	s8 =	simm.s32 @!p0 $0x1BF5;
	p2 =	por !p2, p0  }
0x20: {  	[sflag:s8] =	ssyncset.s32 @!p0 $0xFFFFF086;
	s6 =	sadd.s32 @!p0 s3, s7;
	s7 =	simm.s32 @!p0 $0x108  }
0x21: {  	s3 =	sadd.s32 s3, s9;
	s6 =	sadd.s32 @!p0 $0x88, s6;
	s7 =	simm.s32 @p2 $0x1082  }
0x22: {  	[simem:s7], [sflag:s8] =	dma.local @!p0 [hbm:s6], $0xF7A  }
0x23: {  	s9 =	sor.u32 $0xD0000000, s2;
	s6 =	simm.s32 $0x108;
	_ =	swait.ge @!p0 [sflag:s8], $0x0  }
0x24: {  	s3 =	sadd.s32 $0x88, s3;
	s6 =	simm.s32 @!p1 $0x1082;
	[sflag:s4] =	ssyncset.s32 $0xFFFFF086  }
0x25: {  	[simem:s6], [sflag:s4] =	dma.local [hbm:s3], $0xF7A  }
0x26: {  	[smem:$0x3F9E] =	sst s1;
	(tag) =	ssettag s2;
	_ =	strace s9  }
0x27: {  	s1 =	sld [smem:$0x3FAE]  }
0x28: {  	s2 =	sld [smem:$0x3FAF]  }
0x29: {  	s4 =	sld [smem:$0x3FB1]  }
0x2a: {  	p0 =	seq.s32 s5, $0x0;
	s5 =	sld [smem:$0x3FB2]  }
0x2b: {  	s6 =	sld [smem:$0x3FB3]  }
0x2c: {  	s7 =	sld [smem:$0x3FB4]  }
0x2d: {  	s3 =	simm.s32 $0x108;
	s8 =	sld [smem:$0x3FB5]  }
0x2e: {  	s3 =	simm.s32 @!p0 $0x1082;
	s9 =	sld [smem:$0x3FB6]  }
0x2f: {  	lr =	sadd.s32 s0, s3;
	s0 =	sld [smem:$0x3FAD]  }
0x30: {  	s3 =	sld [smem:$0x3FB0]  }
0x31: {  	[smem:$0x3FB9] =	sst s10  }
0x32: {  	s10 =	sld [smem:$0x3FB7];
	_ =	sdelay $0x3  }
0x33: {  	p0 =	seq.s32 s10, $0x1;
	s10 =	sld [smem:$0x3FB9];
	_ =	sdelay $0x3  }
0x34: {  	[smem:$0x3FB9] =	sst s10  }
0x35: {  	s10 =	sld [smem:$0x3FB8];
	_ =	sdelay $0x3  }
0x36: {  	p1 =	seq.s32 s10, $0x1;
	s10 =	sld [smem:$0x3FB9];
	_ =	sdelay $0x3  }
0x37: {  	[smem:$0x3FB9] =	sst s10  }
0x38: {  	s10 =	sld [smem:$0x3FBA]  }
0x39: {  	_ = 	snop;
	(pc) =	sbr.ind lr, $3  }
0x3a: {  	_ = 	snop  }
0x3b: {  	_ = 	snop  }
0x3c: {  	p2 =	seq.s32 s10, $0x1;
	s10 =	sld [smem:$0x3FB9]  }
0x3d: {  	_ =	shalt  }
0x3e: {  	_ =	shalt  }
0x3f: {  	_ =	shalt  }
0x40: {  	_ =	shalt  }
0x41: {  	_ =	shalt  }
0x42: {  	_ =	shalt  }
0x43: {  	_ =	shalt  }
0x44: {  	_ =	shalt  }
0x45: {  	_ =	shalt  }
0x46: {  	_ =	shalt  }
0x47: {  	_ =	shalt  }
0x48: {  	_ =	shalt  }
0x49: {  	_ =	shalt  }
0x4a: {  	_ =	shalt  }
0x4b: {  	_ =	shalt  }
0x4c: {  	_ =	shalt  }
0x4d: {  	_ =	shalt  }
0x4e: {  	_ =	shalt  }
0x4f: {  	_ =	shalt  }
0x50: {  	_ =	shalt  }
0x51: {  	_ =	shalt  }
0x52: {  	_ =	shalt  }
0x53: {  	_ =	shalt  }
0x54: {  	_ =	shalt  }
0x55: {  	_ =	shalt  }
0x56: {  	_ =	shalt  }
0x57: {  	_ =	shalt  }
0x58: {  	_ =	shalt  }
0x59: {  	_ =	shalt  }
0x5a: {  	_ =	shalt  }
0x5b: {  	_ =	shalt  }
0x5c: {  	_ =	shalt  }
0x5d: {  	_ =	shalt  }
0x5e: {  	_ =	shalt  }
0x5f: {  	_ =	shalt  }
0x60: {  	_ =	shalt  }
0x61: {  	_ =	shalt  }
0x62: {  	_ =	shalt  }
0x63: {  	_ =	shalt  }
0x64: {  	_ =	shalt  }
0x65: {  	_ =	shalt  }
0x66: {  	_ =	shalt  }
0x67: {  	_ =	shalt  }
0x68: {  	_ =	shalt  }
0x69: {  	_ =	shalt  }
0x6a: {  	_ =	shalt  }
0x6b: {  	_ =	shalt  }
0x6c: {  	_ =	shalt  }
0x6d: {  	_ =	shalt  }
0x6e: {  	_ =	shalt  }
0x6f: {  	_ =	shalt  }
0x70: {  	_ =	shalt  }
0x71: {  	_ =	shalt  }
0x72: {  	_ =	shalt  }
0x73: {  	_ =	shalt  }
0x74: {  	_ =	shalt  }
0x75: {  	_ =	shalt  }
0x76: {  	_ =	shalt  }
0x77: {  	_ =	shalt  }
0x78: {  	_ =	shalt  }
0x79: {  	_ =	shalt  }
0x7a: {  	_ =	shalt  }
0x7b: {  	_ =	shalt  }
0x7c: {  	_ =	shalt  }
0x7d: {  	_ =	shalt  }
0x7e: {  	_ =	shalt  }
0x7f: {  	_ =	shalt  }
0x80: {  	_ =	shalt  }
0x81: {  	_ =	shalt  }
0x82: {  	_ =	shalt  }
0x83: {  	_ =	shalt  }
0x84: {  	_ =	shalt  }
0x85: {  	_ =	shalt  }
0x86: {  	_ =	shalt  }
0x87: {  	_ =	shalt  }
.Lfunc_end0:
.L_simem_size_0:
called_computation_lowered:
.L_overlay_start_0:
0x88: {  	s2 =	sld [smem:$0x3FD9]  }
0x89: {  	s3 =	sld [smem:$0x3FFE];
	_ =	sdelay $0x1  }
0x8a: {  	s1 =	srdreg.scid  }
0x8b: {  	s0 =	sand.u32 $0x1, s1  }
0x8c: {  	s18 =	sshll.u32 s0, $0xA;
	s2 =	sadd.s32 s3, s2  }
0x8d: {  	s2 =	sadd.s32 s2, s18  }
0x8e: {  	[smem:$0x3FC5] =	sst s2  }
0x8f: {  	_ = 	snop  }
0x90: {  	s2 =	sld [smem:$0x3FC9]  }
0x91: {  	s19 =	sld [smem:$0x3FC8]  }
0x92: {  	s4 =	sld [smem:$0x3FC7]  }
0x93: {  	s5 =	sld [smem:$0x3FD0];
	(tm) =	ssettm $0x1  }
0x94: {  	s6 =	sld [smem:$0x3FFB];
	_ =	sdelay $0x3  }
0x95: {  	_ =	strace s6  }
0x96: {  	s6 =	sld [smem:$0x3FFC];
	_ =	sdelay $0x3  }
0x97: {  	_ =	strace s6  }
0x98: {  	s6 =	sld [smem:$0x3FFD];
	_ =	sdelay $0x3  }
0x99: {  	_ =	strace s6  }
0x9a: {  	_ =	strace $0x8FFFFFFF  }
0x9b: {  	s20 =	sld [smem:$0x3FDB];
	_ =	sdelay $0x1  }
0x9c: {  	s7 =	simm.s32 $_scs_section_size  }
0x9d: {  	s8 =	simm.s32 $_size__tile_overlayer_lowered;
	s9 =	simm.s32 $_tile_overlayer_lowered  }
0x9e: {  	s23 =	simm.s32 $0x1BFF;
	s22 =	sshll.u32 s9, $0x1;
	s6 =	sadd.s32 s7, s20  }
0x9f: {  	s10 =	simm.s32 $0x0;
	s21 =	sshll.u32 s8, $0x1;
	s8 =	sadd.s32 s22, s6  }
0xa0: {  	[timem:s10], [sflag:s23] =	dma.local [hbm:s8], s21  }
0xa1: {  	_ =	swait.ge [sflag:s23], s21  }
0xa2: {  	s7 =	ssub.s32 $0x0, s21;
	[sflag:s23] =	ssyncset.done $0x0  }
0xa3: {  	[sflag:s23] =	ssyncadd.s32 s7;
	_ =	sdelay $0x1  }
0xa4: {  	s24 =	simm.s32 $0x1B8B  }
0xa5: {  	_ =	swait.ge [sflag:s24], $0x1  }
0xa6: {  	[sflag:s24] =	ssyncset.done $0x0  }
0xa7: {  	s25 =	simm.s32 $0x1B8E;
	[sflag:s24] =	ssyncadd.s32 $0xFFFFFFFF  }
0xa8: {  	s26 =	simm.s32 $execute0_lowered;
	[smem:$0x3FD2] =	sst s25  }
0xa9: {  	s7 =	sshll.u32 s26, $0x1;
	_ =	strace $0x80000046;
	[dreg:$0x1] =	wrdreg $0xFFFFFFFF  }
0xaa: {  	s28 =	simm.s32 $_size_execute0_lowered;
	s6 =	sadd.s32 s6, s7;
	[dreg:$0x0] =	wrdreg $0x0  }
0xab: {  	s7 =	sshll.u32 s28, $0x1;
	[dreg:$0x2] =	wrdreg s6  }
0xac: {  	[dreg:$0x3] =	wrdreg s7  }
0xad: {  	[dreg:$0x4] =	wrdreg $0xC0  }
0xae: {  	_ =	task [dreg:s10], $0x5FFFF  }
0xaf: {  	[dreg:$0x1] =	wrdreg $0xFFFFFFFF  }
0xb0: {  	[dreg:$0x0] =	wrdreg $0x60  }
0xb1: {  	[dreg:$0x2] =	wrdreg s2  }
0xb2: {  	[dreg:$0x3] =	wrdreg s19  }
0xb3: {  	[dreg:$0x4] =	wrdreg s4  }
0xb4: {  	[dreg:$0x5] =	wrdreg s5  }
0xb5: {  	[dreg:$0x6] =	wrdreg $0x9  }
0xb6: {  	_ =	task.clear_ibuf [dreg:s10], $0x7FFFF;
	_ =	strace $0x90000046  }
0xb7: {  	s29 =	simm.s32 $0x9;
	_ =	strace $0x80000048  }
0xb8: {  	_ =	swait.ge [sflag:s29], $0x1  }
0xb9: {  	[sflag:s29] =	ssyncadd.s32 $0xFFFFFFFF  }
0xba: {  	_ =	strace $0x90000048  }
0xbb: {  	_ =	sfence  }
0xbc: {  	s30 =	sld [smem:$0x0];
	_ =	sdelay $0x2  }
0xbd: {  	s31 =	sshll.u32 s1, $0xD;
	s1 =	sshrl.u32 s1, $0x2  }
0xbe: {  	s3 =	sand.u32 $0x4000, s31;
	s1 =	sadd.s32 s1, s30  }
0xbf: {  	s0 =	sor.u32 s3, s0;
	s1 =	sshll.u32 s1, $0x11  }
0xc0: {  	s0 =	sor.u32 s1, s0  }
0xc1: {  	s0 =	sadd.s32 $0x8F2B, s0  }
0xc2: {  	[sflag:s0] =	ssyncadd.remote.s32 $0x1  }
0xc3: {  	_ =	sfence.sel $0xFFFF  }
0xc4: {  	[dreg:$0x0] =	wrdreg $0xFFFFFFFF;
	(pc) =	sbr.abs _section_cstart, $3  }
0xc5: {  	[dreg:$0x1] =	wrdreg $0xFFFFFFFF  }
0xc6: {  	_ =	task.clear_ibuf [dreg:s10], $0x2FFFF;
	_ =	strace $0x9FFFFFFF  }
0xc7: {  	(tm) =	ssettm $0x7FFFFFFF  }
tec
execute0_lowered:
.L_overlay_start_1:
0x0: {  	(tag) =	ssettag $0x1  }
0x1: {  	s1 =	rddreg [dreg:$0x0]  }
0x2: {  	s2 =	rddreg [dreg:$0x1]  }
0x3: {  	s0 =	rddreg [dreg:$0x2]  }
0x4: {  	s12 =	rddreg [dreg:$0x3];
	s4 =	simm.s32 $0x0;
	s3 =	srdreg.scid  }
0x5: {  	s8 =	stileid.u32;
	s28 =	simm.s32 $0x5400;
	s29 =	simm.s32 $0x5C00  }
0x6: {  	s30 =	simm.s32 $0x6400;
	s31 =	simm.s32 $0x6C00;
	s16 =	simm.s32 $0xC400  }
0x7: {  	s17 =	simm.s32 $0x1;
	s18 =	simm.s32 $0x3;
	s19 =	simm.s32 $0x10400  }
0x8: {  	s20 =	simm.s32 $0x2;
	s21 =	simm.s32 $0x4;
	s22 =	simm.s32 $0x14400  }
0x9: {  	[smem:$0x7FF] =	sst s4;
	s3 =	sand.u32 $0x1, s3;
	s7 =	sshll.u32 s8, $0xB  }
0xa: {  	s24 =	sshll.u32 s8, $0x9;
	s8 =	sadd.s32 $0x100, s1;
	s5 =	ssub.s32 $0x2, s3  }
0xb: {  	s10 =	sadd.s32 $0x200, s1;
	s3 =	sshll.u32 s3, $0xA;
	s6 =	sshrl.u32 s5, $0x1  }
0xc: {  	s11 =	sadd.s32 $0x300, s1;
	s5 =	ssub.s32 s5, s6;
	s6 =	sor.u32 s3, s7  }
0xd: {  	_ =	strace $0x80000047;
	s3 =	sand.u32 $0x1800, s24;
	s7 =	sshrl.u32 s6, $0x3  }
.Ltmp0:
0xe: {  	s9 =	sshll.u32 s6, $0x7;
	s26 =	smax.u32 s5, $0x1;
	(pc) =	sbr.rel .LBB2_1-.Ltmp0, $4  }
0xf: {  	s5 =	simm.s32 $0x7C00;
	s0 =	sadd.s32 s0, s7;
	[dreg:$0x8] =	wrdreg s26  }
0x10: {  	v3 =	vlaneseq.u32;
	s25 =	sadd.s32 s2, s9;
	s13 =	sadd.s32 s12, s9;
	[dreg:$0x5] =	wrdreg s0  }
0x11: {  	vm0 =	vmmov $0xffff;
	v1 =	vand.u32 $0x7, v3;
	v2 =	vshrl.u32 v3, $0x3;
	s26 =	simm.s32 $0x4C00;
	[dreg:$0x6] =	wrdreg s25;
	s0 =	sadd.s32 $0x800, s25  }
0x12: {  	v3 =	vor.u32 $0x8, v3;
	[tilespmem:$0x1FFF0] =	vst v1;
	v2 =	vmul.u32 $0x8, v2;
	v0 =	vmov s3;
	s9 =	simm.s32 $0x0;
	[dreg:$0x7] =	wrdreg s0;
	s0 =	simm.s32 $0x7400  }
.LBB2_10:
0x13: {  	s3 =	simm.s32 $0x5  }
0x14: {  	_ =	swait.ge [sflag:s3], $0x4000  }
0x15: {  	[sflag:s3] =	ssyncset.done $0x0  }
0x16: {  	s7 =	simm.s32 $0x6;
	[sflag:s3] =	ssyncadd.s32 $0xFFFFC000  }
0x17: {  	_ =	swait.ge [sflag:s7], $0x4000  }
0x18: {  	s9 =	rddreg [dreg:$0x9]  }
0x19: {  	s25 =	rddreg [dreg:$0x8];
	s9 =	sadd.s32 $0x1, s9  }
0x1a: {  	p0 =	sne.s32 s9, s25  }
.Ltmp1:
0x1b: {  	_ = 	snop;
	(pc) =	sbr.rel @!p0 .LBB2_11-.Ltmp1, $3  }
0x1c: {  	_ =	sdelay $0x1  }
0x1d: {  	[sflag:s7] =	ssyncset.done $0x0  }
0x1e: {  	[sflag:s7] =	ssyncadd.s32 $0xFFFFC000  }
.LBB2_1:
0x1f: {  	s3 =	rddreg [dreg:$0x5];
	s25 =	simm.s32 $0x7  }
0x20: {  	[tilespmem:s4], [sflag:$0x7] =	stream.linear.gather [hbm4b:s3+s4], $0x400, $0x38;
	[tilespmem:$0x18400] =	vst v63  }
0x21: {  	_ =	swait.ge [sflag:s25], $0x400  }
0x22: {  	[sflag:s25] =	ssyncset.done $0x0  }
0x23: {  	s7 =	simm.s32 $0x40;
	s3 =	simm.s32 $0x0;
	[sflag:s25] =	ssyncadd.s32 $0xFFFFFC00  }
.LBB2_2:
0x24: {  	p0 =	sne.s32 s7, $0xFC0;
	v4 =	vld [tilespmem:s3+$0x0];
	_ =	sdelay $0x1  }
.Ltmp2:
0x25: {  	(pc) =	sbr.rel @p0 .LBB2_2-.Ltmp2, $3  }
0x26: {  	_ =	sdelay $0x1  }
0x27: {  	v4 =	vadd.s32 v0, v4  }
0x28: {  	[tilespmem:s3+$0x0] =	vst v4;
	s3 =	sshra.s32 s7, $0x2;
	s7 =	sadd.s32 $0x40, s7  }
0x29: {  	v4 =	vld [tilespmem:s3+$0x0];
	_ =	sdelay $0x4  }
0x2a: {  	v4 =	vadd.s32 v0, v4  }
0x2b: {  	[tilespmem:s3+$0x0] =	vst v4  }
0x2c: {  	v4 =	vld [tilespmem:$0x0];
	_ =	sdelay $0x2  }
0x2d: {  	v1 =	vld [tilespmem:$0x1FFF0];
	_ =	sdelay $0x1  }
0x2e: {  	v5 =	vshll.u32 v4, $0x3  }
0x2f: {  	v4 =	vand.u32 $0x7, v4;
	v5 =	vand.u32 $0xFFFFFFC0, v5  }
0x30: {  	v4 =	vor.u32 v4, v5  }
0x31: {  	v5 =	vperm.xlane v4, v1;
	_ =	sdelay $0x1  }
0x32: {  	v5 =	vadd.s32 v2, v5;
	_ =	sdelay $0x3  }
0x33: {  	s12 =	simm.s32 $0x0;
	s15 =	simm.s32 $0x400  }
0x34: {  	[tilespmem:s15], [sflag:$0x1] =	stream.indirect_vreg.gather [hbm4b:s1+s12], $0x80, v5, vm0, $0xb8;
	[tilespmem:$0x18400] =	vst v63  }
0x35: {  	s23 =	simm.s32 $0xC00;
	v4 =	vperm.xlane v4, v3  }
0x36: {  	[tilespmem:s23], [sflag:$0x1] =	stream.indirect_vreg.gather [hbm4b:s8+s12], $0x80, v5, vm0, $0xb8;
	[tilespmem:$0x18400] =	vst v63  }
0x37: {  	s24 =	simm.s32 $0x1400;
	v4 =	vadd.s32 v2, v4  }
0x38: {  	[tilespmem:s24], [sflag:$0x1] =	stream.indirect_vreg.gather [hbm4b:s10+s12], $0x80, v5, vm0, $0xb8;
	[tilespmem:$0x18400] =	vst v63  }
0x39: {  	s25 =	simm.s32 $0x1C00  }
0x3a: {  	[tilespmem:s25], [sflag:$0x1] =	stream.indirect_vreg.gather [hbm4b:s11+s12], $0x80, v5, vm0, $0xb8;
	[tilespmem:$0x18400] =	vst v63  }
0x3b: {  	s7 =	simm.s32 $0x2400  }
0x3c: {  	[tilespmem:s7], [sflag:$0x1] =	stream.indirect_vreg.gather [hbm4b:s1+s12], $0x80, v4, vm0, $0xb8;
	[tilespmem:$0x18400] =	vst v63  }
0x3d: {  	[dreg:$0x9] =	wrdreg s9;
	s9 =	simm.s32 $0x2C00  }
0x3e: {  	[tilespmem:s9], [sflag:$0x1] =	stream.indirect_vreg.gather [hbm4b:s8+s12], $0x80, v4, vm0, $0xb8;
	[tilespmem:$0x18400] =	vst v63  }
0x3f: {  	s14 =	simm.s32 $0x3400  }
0x40: {  	[tilespmem:s14], [sflag:$0x1] =	stream.indirect_vreg.gather [hbm4b:s10+s12], $0x80, v4, vm0, $0xb8;
	[tilespmem:$0x18400] =	vst v63  }
0x41: {  	s15 =	simm.s32 $0x3C00  }
0x42: {  	[tilespmem:s15], [sflag:$0x1] =	stream.indirect_vreg.gather [hbm4b:s11+s12], $0x80, v4, vm0, $0xb8;
	[tilespmem:$0x18400] =	vst v63  }
0x43: {  	s23 =	rddreg [dreg:$0x6];
	s7 =	simm.s32 $0x8400  }
0x44: {  	[tilespmem:s7], [sflag:$0x3] =	stream.linear.gather [hbm4b:s23+s12], $0x4000, $0x38;
	[tilespmem:$0x18400] =	vst v63  }
0x45: {  	v4 =	vld [tilespmem:$0x10];
	_ =	sdelay $0x4  }
0x46: {  	v5 =	vshll.u32 v4, $0x3  }
0x47: {  	v4 =	vand.u32 $0x7, v4;
	v5 =	vand.u32 $0xFFFFFFC0, v5  }
0x48: {  	v4 =	vor.u32 v4, v5  }
0x49: {  	v5 =	vperm.xlane v4, v1;
	_ =	sdelay $0x1  }
0x4a: {  	v5 =	vadd.s32 v2, v5;
	_ =	sdelay $0x3  }
0x4b: {  	s24 =	simm.s32 $0x4400  }
0x4c: {  	[tilespmem:s24], [sflag:$0x2] =	stream.indirect_vreg.gather [hbm4b:s1+s12], $0x80, v5, vm0, $0xb8;
	[tilespmem:$0x18400] =	vst v63  }
0x4d: {  	v4 =	vperm.xlane v4, v3  }
0x4e: {  	[tilespmem:s26], [sflag:$0x2] =	stream.indirect_vreg.gather [hbm4b:s8+s12], $0x80, v5, vm0, $0xb8;
	[tilespmem:$0x18400] =	vst v63  }
0x4f: {  	v4 =	vadd.s32 v2, v4  }
0x50: {  	[tilespmem:s28], [sflag:$0x2] =	stream.indirect_vreg.gather [hbm4b:s10+s12], $0x80, v5, vm0, $0xb8;
	[tilespmem:$0x18400] =	vst v63  }
0x51: {  	_ = 	snop  }
0x52: {  	[tilespmem:s29], [sflag:$0x2] =	stream.indirect_vreg.gather [hbm4b:s11+s12], $0x80, v5, vm0, $0xb8;
	[tilespmem:$0x18400] =	vst v63  }
0x53: {  	_ = 	snop  }
0x54: {  	[tilespmem:s30], [sflag:$0x2] =	stream.indirect_vreg.gather [hbm4b:s1+s12], $0x80, v4, vm0, $0xb8;
	[tilespmem:$0x18400] =	vst v63  }
0x55: {  	_ = 	snop  }
0x56: {  	[tilespmem:s31], [sflag:$0x2] =	stream.indirect_vreg.gather [hbm4b:s8+s12], $0x80, v4, vm0, $0xb8;
	[tilespmem:$0x18400] =	vst v63  }
0x57: {  	_ = 	snop  }
0x58: {  	[tilespmem:s0], [sflag:$0x2] =	stream.indirect_vreg.gather [hbm4b:s10+s12], $0x80, v4, vm0, $0xb8;
	[tilespmem:$0x18400] =	vst v63  }
0x59: {  	_ = 	snop  }
0x5a: {  	[tilespmem:s5], [sflag:$0x2] =	stream.indirect_vreg.gather [hbm4b:s11+s12], $0x80, v4, vm0, $0xb8;
	[tilespmem:$0x18400] =	vst v63  }
0x5b: {  	s25 =	rddreg [dreg:$0x7]  }
0x5c: {  	[tilespmem:s16], [sflag:$0x4] =	stream.linear.gather [hbm4b:s25+s12], $0x4000, $0x38;
	[tilespmem:$0x18400] =	vst v63  }
.LBB2_4:
0x5d: {  	_ =	swait.ge [sflag:s17], $0x4000  }
0x5e: {  	[sflag:s17] =	ssyncset.done $0x0  }
0x5f: {  	[sflag:s17] =	ssyncadd.s32 $0xFFFFC000  }
0x60: {  	_ =	swait.ge [sflag:s18], $0x4000  }
0x61: {  	p0 =	seq.s32 s12, $0x0;
	[sflag:s18] =	ssyncset.done $0x0  }
0x62: {  	s3 =	simm.s32 @!p0 $0x5;
	[sflag:s18] =	ssyncadd.s32 $0xFFFFC000  }
0x63: {  	s14 =	sshll.u32 s12, $0x5;
	_ =	swait.ge @!p0 [sflag:s3], $0x4000  }
0x64: {  	s9 =	simm.s32 $0xFFFFC000;
	s15 =	simm.s32 $0x0;
	[sflag:s3] =	ssyncset.done @!p0 $0x0  }
0x65: {  	s23 =	simm.s32 $0x0;
	s24 =	simm.s32 $0x0;
	[sflag:s3] =	ssyncadd.s32 @!p0 $0xFFFFC000  }
.LBB2_5:
0x66: {  	s3 =	sadd.s32 $0x4000, s9  }
0x67: {  	s7 =	sand.u32 $0x380, s24;
	s3 =	sand.u32 $0x2000, s3  }
0x68: {  	s7 =	sor.u32 s7, s3  }
0x69: {  	v4 =	vld [tilespmem:s7+$0x8400]  }
0x6a: {  	v5 =	vld [tilespmem:s7+$0x400]  }
0x6b: {  	v6 =	vld [tilespmem:s7+$0x8410]  }
0x6c: {  	v7 =	vld [tilespmem:s7+$0x410]  }
0x6d: {  	v8 =	vld [tilespmem:s7+$0x8420]  }
0x6e: {  	v9 =	vld [tilespmem:s7+$0x420]  }
0x6f: {  	v10 =	vld [tilespmem:s7+$0x8430]  }
0x70: {  	v11 =	vld [tilespmem:s7+$0x430]  }
0x71: {  	v12 =	vld [tilespmem:s7+$0x8440]  }
0x72: {  	v13 =	vld [tilespmem:s7+$0x440]  }
0x73: {  	v14 =	vld [tilespmem:s7+$0x8450]  }
0x74: {  	v15 =	vld [tilespmem:s7+$0x450]  }
0x75: {  	v16 =	vld [tilespmem:s7+$0x8460]  }
0x76: {  	v17 =	vld [tilespmem:s7+$0x460]  }
0x77: {  	v18 =	vld [tilespmem:s7+$0x8470]  }
0x78: {  	v19 =	vld [tilespmem:s7+$0x470]  }
0x79: {  	v20 =	vld [tilespmem:s7+$0x8800]  }
0x7a: {  	v21 =	vld [tilespmem:s7+$0x800]  }
0x7b: {  	v22 =	vld [tilespmem:s7+$0x8810]  }
0x7c: {  	v23 =	vld [tilespmem:s7+$0x810]  }
0x7d: {  	v24 =	vld [tilespmem:s7+$0x8820]  }
0x7e: {  	v25 =	vld [tilespmem:s7+$0x820]  }
0x7f: {  	v26 =	vld [tilespmem:s7+$0x8830]  }
0x80: {  	v27 =	vld [tilespmem:s7+$0x830]  }
0x81: {  	v28 =	vld [tilespmem:s7+$0x8840]  }
0x82: {  	v29 =	vld [tilespmem:s7+$0x840]  }
0x83: {  	v30 =	vld [tilespmem:s7+$0x8850]  }
0x84: {  	v31 =	vld [tilespmem:s7+$0x850]  }
0x85: {  	v32 =	vld [tilespmem:s7+$0x8860]  }
0x86: {  	v33 =	vld [tilespmem:s7+$0x860]  }
0x87: {  	v34 =	vld [tilespmem:s7+$0x8870]  }
0x88: {  	v35 =	vld [tilespmem:s7+$0x870]  }
0x89: {  	v36 =	vld [tilespmem:s7+$0x8C00]  }
0x8a: {  	v37 =	vld [tilespmem:s7+$0xC00]  }
0x8b: {  	v38 =	vld [tilespmem:s7+$0x8C10]  }
0x8c: {  	v39 =	vld [tilespmem:s7+$0xC10]  }
0x8d: {  	v40 =	vld [tilespmem:s7+$0x8C20]  }
0x8e: {  	v41 =	vld [tilespmem:s7+$0xC20]  }
0x8f: {  	v42 =	vld [tilespmem:s7+$0x8C30]  }
0x90: {  	v43 =	vld [tilespmem:s7+$0xC30]  }
0x91: {  	v44 =	vld [tilespmem:s7+$0x8C40]  }
0x92: {  	v45 =	vld [tilespmem:s7+$0xC40]  }
0x93: {  	v46 =	vld [tilespmem:s7+$0x8C50]  }
0x94: {  	v47 =	vld [tilespmem:s7+$0xC50]  }
0x95: {  	v48 =	vld [tilespmem:s7+$0x8C60]  }
0x96: {  	v49 =	vld [tilespmem:s7+$0xC60]  }
0x97: {  	v50 =	vld [tilespmem:s7+$0x8C70]  }
0x98: {  	v51 =	vld [tilespmem:s7+$0xC70]  }
0x99: {  	v52 =	vld [tilespmem:s7+$0x9000]  }
0x9a: {  	v53 =	vld [tilespmem:s7+$0x1000]  }
0x9b: {  	v54 =	vld [tilespmem:s7+$0x9010]  }
0x9c: {  	v55 =	vld [tilespmem:s7+$0x1010]  }
0x9d: {  	v56 =	vld [tilespmem:s7+$0x9020]  }
0x9e: {  	v57 =	vld [tilespmem:s7+$0x1020]  }
0x9f: {  	v58 =	vld [tilespmem:s7+$0x9030]  }
0xa0: {  	v59 =	vld [tilespmem:s7+$0x1030]  }
0xa1: {  	v60 =	vld [tilespmem:s7+$0x9040]  }
0xa2: {  	v61 =	vld [tilespmem:s7+$0x1040]  }
0xa3: {  	v62 =	vld [tilespmem:s7+$0x9050]  }
0xa4: {  	v63 =	vld [tilespmem:s7+$0x1050]  }
0xa5: {  	v1 =	vld [tilespmem:s7+$0x9060]  }
0xa6: {  	v4 =	vadd.f32 v5, v4;
	v5 =	vld [tilespmem:s7+$0x1060]  }
0xa7: {  	v6 =	vadd.f32 v7, v6;
	v7 =	vld [tilespmem:s7+$0x9070]  }
0xa8: {  	v19 =	vadd.f32 v19, v18;
	v18 =	vld [tilespmem:s7+$0x1440];
	[tilespmem:s7+$0x10400] =	vst v4  }
0xa9: {  	v23 =	vadd.f32 v23, v22;
	v22 =	vld [tilespmem:s7+$0x1460];
	[tilespmem:s7+$0x10410] =	vst v6  }
0xaa: {  	v27 =	vadd.f32 v27, v26;
	v30 =	vadd.f32 v31, v30;
	v26 =	vld [tilespmem:s7+$0x1800];
	[tilespmem:s7+$0x10470] =	vst v19  }
0xab: {  	v31 =	vadd.f32 v35, v34;
	v34 =	vadd.f32 v47, v46;
	v46 =	vld [tilespmem:s7+$0x1860];
	[tilespmem:s7+$0x10810] =	vst v23  }
0xac: {  	v47 =	vld [tilespmem:s7+$0x9870];
	[tilespmem:s7+$0x10830] =	vst v27  }
0xad: {  	v35 =	vadd.f32 v51, v50;
	v50 =	vld [tilespmem:s7+$0x1C00];
	[tilespmem:s7+$0x10850] =	vst v30  }
0xae: {  	v4 =	vadd.f32 v9, v8;
	v8 =	vld [tilespmem:s7+$0x1070];
	[tilespmem:s7+$0x10870] =	vst v31  }
0xaf: {  	v9 =	vld [tilespmem:s7+$0x9400];
	[tilespmem:s7+$0x10C50] =	vst v34  }
0xb0: {  	v6 =	vadd.f32 v11, v10;
	v10 =	vld [tilespmem:s7+$0x1400];
	[tilespmem:s7+$0x10C70] =	vst v35  }
0xb1: {  	v11 =	vld [tilespmem:s7+$0x9410];
	[tilespmem:s7+$0x10420] =	vst v4;
	v4 =	vadd.f32 v13, v12  }
0xb2: {  	[tilespmem:s7+$0x10430] =	vst v6;
	v6 =	vadd.f32 v15, v14;
	v12 =	vld [tilespmem:s7+$0x1410]  }
0xb3: {  	v13 =	vld [tilespmem:s7+$0x9420];
	v1 =	vadd.f32 v5, v1;
	[tilespmem:s7+$0x10440] =	vst v4  }
0xb4: {  	v14 =	vld [tilespmem:s7+$0x1420];
	v4 =	vadd.f32 v17, v16;
	[tilespmem:s7+$0x10450] =	vst v6  }
0xb5: {  	v15 =	vld [tilespmem:s7+$0x9430];
	v5 =	vadd.f32 v8, v7;
	[tilespmem:s7+$0x11060] =	vst v1  }
0xb6: {  	v16 =	vld [tilespmem:s7+$0x1430];
	v1 =	vadd.f32 v10, v9;
	[tilespmem:s7+$0x10460] =	vst v4  }
0xb7: {  	v51 =	vld [tilespmem:s7+$0x9C10];
	v4 =	vadd.f32 v21, v20;
	[tilespmem:s7+$0x11070] =	vst v5  }
0xb8: {  	v17 =	vld [tilespmem:s7+$0x9440];
	v5 =	vadd.f32 v12, v11;
	[tilespmem:s7+$0x11400] =	vst v1  }
0xb9: {  	v19 =	vld [tilespmem:s7+$0x9450];
	v1 =	vadd.f32 v14, v13;
	[tilespmem:s7+$0x10800] =	vst v4  }
0xba: {  	v20 =	vld [tilespmem:s7+$0x1450];
	v4 =	vadd.f32 v25, v24;
	[tilespmem:s7+$0x11410] =	vst v5  }
0xbb: {  	v23 =	vld [tilespmem:s7+$0x9470];
	v5 =	vadd.f32 v16, v15;
	[tilespmem:s7+$0x11420] =	vst v1  }
0xbc: {  	v21 =	vld [tilespmem:s7+$0x9460];
	[tilespmem:s7+$0x10820] =	vst v4;
	v4 =	vadd.f32 v29, v28  }
0xbd: {  	v27 =	vld [tilespmem:s7+$0x9810];
	v1 =	vadd.f32 v18, v17;
	[tilespmem:s7+$0x11430] =	vst v5  }
0xbe: {  	v24 =	vld [tilespmem:s7+$0x1470];
	[tilespmem:s7+$0x10840] =	vst v4;
	v4 =	vadd.f32 v33, v32  }
0xbf: {  	v25 =	vld [tilespmem:s7+$0x9800];
	v5 =	vadd.f32 v20, v19;
	[tilespmem:s7+$0x11440] =	vst v1  }
0xc0: {  	v28 =	vld [tilespmem:s7+$0x1810];
	[tilespmem:s7+$0x10860] =	vst v4;
	v4 =	vadd.f32 v37, v36  }
0xc1: {  	v29 =	vld [tilespmem:s7+$0x9820];
	v1 =	vadd.f32 v22, v21;
	[tilespmem:s7+$0x11450] =	vst v5  }
0xc2: {  	v32 =	vadd.f32 v39, v38;
	v38 =	vld [tilespmem:s7+$0x9830];
	[tilespmem:s7+$0x10C00] =	vst v4;
	v4 =	vadd.f32 v41, v40  }
0xc3: {  	v39 =	vld [tilespmem:s7+$0x1830];
	[tilespmem:s7+$0x11460] =	vst v1  }
0xc4: {  	v33 =	vadd.f32 v43, v42;
	v42 =	vld [tilespmem:s7+$0x1840];
	[tilespmem:s7+$0x10C20] =	vst v4;
	v4 =	vadd.f32 v45, v44  }
0xc5: {  	v43 =	vadd.f32 v63, v62;
	v62 =	vld [tilespmem:s7+$0x9C70];
	[tilespmem:s7+$0x10C10] =	vst v32  }
0xc6: {  	v36 =	vld [tilespmem:s7+$0x1820];
	[tilespmem:s7+$0x10C40] =	vst v4;
	v4 =	vadd.f32 v49, v48  }
0xc7: {  	[tilespmem:s7+$0x10C30] =	vst v33;
	v37 =	vadd.f32 v55, v54;
	v54 =	vld [tilespmem:s7+$0x1C20]  }
0xc8: {  	v55 =	vld [tilespmem:s7+$0x9C30];
	[tilespmem:s7+$0x10C60] =	vst v4;
	v4 =	vadd.f32 v53, v52  }
0xc9: {  	v5 =	vadd.f32 v24, v23;
	[tilespmem:s7+$0x11050] =	vst v43;
	v41 =	vld [tilespmem:s7+$0x9840]  }
0xca: {  	v40 =	vadd.f32 v59, v58;
	v58 =	vld [tilespmem:s7+$0x1C40];
	[tilespmem:s7+$0x11000] =	vst v4;
	v4 =	vadd.f32 v57, v56  }
0xcb: {  	[tilespmem:s7+$0x11470] =	vst v5;
	v5 =	vadd.f32 v28, v27;
	v59 =	vld [tilespmem:s7+$0x1C50]  }
0xcc: {  	v44 =	vld [tilespmem:s7+$0x9850];
	[tilespmem:s7+$0x11020] =	vst v4;
	v4 =	vadd.f32 v61, v60  }
0xcd: {  	[tilespmem:s7+$0x11810] =	vst v5;
	v5 =	vadd.f32 v39, v38;
	v45 =	vld [tilespmem:s7+$0x9860]  }
0xce: {  	v1 =	vadd.f32 v26, v25;
	[tilespmem:s7+$0x11040] =	vst v4;
	v4 =	vld [tilespmem:s7+$0x1850]  }
0xcf: {  	[tilespmem:s7+$0x11830] =	vst v5;
	v5 =	vld [tilespmem:s7+$0x9C50]  }
0xd0: {  	[tilespmem:s7+$0x11800] =	vst v1;
	v1 =	vadd.f32 v36, v29;
	v48 =	vld [tilespmem:s7+$0x1870]  }
0xd1: {  	[tilespmem:s7+$0x11010] =	vst v37;
	v49 =	vld [tilespmem:s7+$0x9C00]  }
0xd2: {  	[tilespmem:s7+$0x11820] =	vst v1;
	v1 =	vadd.f32 v42, v41;
	v52 =	vld [tilespmem:s7+$0x1C10]  }
0xd3: {  	[tilespmem:s7+$0x11030] =	vst v40;
	v53 =	vld [tilespmem:s7+$0x9C20];
	v4 =	vadd.f32 v4, v44  }
0xd4: {  	[tilespmem:s7+$0x11840] =	vst v1;
	v1 =	vadd.f32 v46, v45;
	v56 =	vld [tilespmem:s7+$0x1C30]  }
0xd5: {  	v57 =	vld [tilespmem:s7+$0x9C40];
	[tilespmem:s7+$0x11850] =	vst v4;
	v4 =	vadd.f32 v48, v47  }
0xd6: {  	[tilespmem:s7+$0x11860] =	vst v1;
	v1 =	vadd.f32 v50, v49;
	v60 =	vld [tilespmem:s7+$0x9C60]  }
0xd7: {  	v61 =	vld [tilespmem:s7+$0x1C60];
	[tilespmem:s7+$0x11870] =	vst v4;
	v4 =	vadd.f32 v52, v51  }
0xd8: {  	v63 =	vld [tilespmem:s7+$0x1C70];
	[tilespmem:s7+$0x11C00] =	vst v1;
	v1 =	vadd.f32 v54, v53  }
0xd9: {  	[tilespmem:s7+$0x11C10] =	vst v4;
	v4 =	vadd.f32 v56, v55  }
0xda: {  	[tilespmem:s7+$0x11C20] =	vst v1;
	v1 =	vadd.f32 v58, v57  }
0xdb: {  	[tilespmem:s7+$0x11C30] =	vst v4;
	v4 =	vadd.f32 v59, v5  }
0xdc: {  	s25 =	sand.u32 $0x7, s15;
	[tilespmem:s7+$0x11C40] =	vst v1;
	v1 =	vadd.f32 v61, v60  }
0xdd: {  	s3 =	sshll.u32 s25, $0x7;
	[tilespmem:s7+$0x11C50] =	vst v4;
	v4 =	vadd.f32 v63, v62  }
0xde: {  	s3 =	sadd.s32 s3, s23;
	[tilespmem:s7+$0x11C60] =	vst v1  }
0xdf: {  	s25 =	sor.u32 $0x1C00, s3;
	[tilespmem:s7+$0x11C70] =	vst v4  }
0xe0: {  	v1 =	vld [tilespmem:s25+$0x8400]  }
0xe1: {  	v4 =	vld [tilespmem:s25+$0x400];
	_ =	sdelay $0x4  }
0xe2: {  	v1 =	vadd.f32 v4, v1;
	_ =	sdelay $0x1  }
0xe3: {  	[tilespmem:s25+$0x10400] =	vst v1;
	s25 =	sor.u32 $0x1C10, s3  }
0xe4: {  	v1 =	vld [tilespmem:s25+$0x8400]  }
0xe5: {  	v4 =	vld [tilespmem:s25+$0x400];
	_ =	sdelay $0x4  }
0xe6: {  	v1 =	vadd.f32 v4, v1;
	_ =	sdelay $0x1  }
0xe7: {  	[tilespmem:s25+$0x10400] =	vst v1;
	s25 =	sor.u32 $0x1C20, s3  }
0xe8: {  	v1 =	vld [tilespmem:s25+$0x8400]  }
0xe9: {  	v4 =	vld [tilespmem:s25+$0x400];
	_ =	sdelay $0x4  }
0xea: {  	v1 =	vadd.f32 v4, v1;
	_ =	sdelay $0x1  }
0xeb: {  	[tilespmem:s25+$0x10400] =	vst v1;
	s25 =	sor.u32 $0x1C30, s3  }
0xec: {  	v1 =	vld [tilespmem:s25+$0x8400]  }
0xed: {  	v4 =	vld [tilespmem:s25+$0x400];
	_ =	sdelay $0x4  }
0xee: {  	v1 =	vadd.f32 v4, v1;
	_ =	sdelay $0x1  }
0xef: {  	[tilespmem:s25+$0x10400] =	vst v1;
	s25 =	sor.u32 $0x1C40, s3  }
0xf0: {  	v1 =	vld [tilespmem:s25+$0x8400]  }
0xf1: {  	v4 =	vld [tilespmem:s25+$0x400];
	_ =	sdelay $0x4  }
0xf2: {  	v1 =	vadd.f32 v4, v1;
	_ =	sdelay $0x1  }
0xf3: {  	[tilespmem:s25+$0x10400] =	vst v1;
	s25 =	sor.u32 $0x1C50, s3  }
0xf4: {  	v1 =	vld [tilespmem:s25+$0x8400]  }
0xf5: {  	v4 =	vld [tilespmem:s25+$0x400];
	_ =	sdelay $0x4  }
0xf6: {  	v1 =	vadd.f32 v4, v1;
	_ =	sdelay $0x1  }
0xf7: {  	[tilespmem:s25+$0x10400] =	vst v1;
	s25 =	sor.u32 $0x1C60, s3  }
0xf8: {  	v1 =	vld [tilespmem:s25+$0x8400]  }
0xf9: {  	v4 =	vld [tilespmem:s25+$0x400];
	_ =	sdelay $0x4  }
0xfa: {  	v1 =	vadd.f32 v4, v1;
	_ =	sdelay $0x1  }
0xfb: {  	s3 =	sor.u32 $0x1C70, s3;
	[tilespmem:s25+$0x10400] =	vst v1  }
0xfc: {  	v1 =	vld [tilespmem:s3+$0x8400]  }
0xfd: {  	v4 =	vld [tilespmem:s3+$0x400];
	_ =	sdelay $0x1  }
0xfe: {  	p1 =	sne.s32 s24, $0x780  }
.Ltmp3:
0xff: {  	_ = 	snop;
	(pc) =	sbr.rel @p1 .LBB2_5-.Ltmp3, $4  }
0x100: {  	_ = 	snop  }
0x101: {  	v1 =	vadd.f32 v4, v1  }
0x102: {  	s15 =	sadd.s32 $0x1, s15  }
0x103: {  	s9 =	sadd.s32 $0x400, s9;
	s24 =	sadd.s32 $0x80, s24;
	s23 =	sadd.s32 $0x400, s23;
	[tilespmem:s3+$0x10400] =	vst v1  }
0x104: {  	s3 =	sshll.u32 s12, $0xC  }
0x105: {  	p1 =	seq.s32 s12, $0x1F;
	s3 =	sadd.s32 s3, s13  }
0x106: {  	[hbm4b:s3+s4] =	stream.linear.scatter [tilespmem:s19], [sflag:$0x5], $0x4000, $0x38;
	[tilespmem:$0x18400] =	vst v63  }
0x107: {  	v1 =	vld @!p1 [tilespmem:s14+$0x20];
	_ =	sdelay $0x4  }
0x108: {  	v4 =	vshll.u32 @!p1 v1, $0x3  }
0x109: {  	v5 =	vlaneseq.u32 @!p1;
	v1 =	vand.u32 @!p1 $0x7, v1;
	v4 =	vand.u32 @!p1 $0xFFFFFFC0, v4  }
0x10a: {  	v6 =	vshrl.u32 @!p1 v5, $0x3;
	v1 =	vor.u32 @!p1 v1, v4;
	v4 =	vand.u32 @!p1 $0x7, v5  }
0x10b: {  	v6 =	vmul.u32 @!p1 $0x8, v6;
	v4 =	vperm.xlane @!p1 v1, v4;
	_ =	sdelay $0x1  }
0x10c: {  	v4 =	vadd.s32 @!p1 v6, v4;
	_ =	sdelay $0x3  }
0x10d: {  	vm1 =	vmmov @!p1 $0xffff;
	s7 =	simm.s32 @!p1 $0x400;
	s3 =	simm.s32 @!p1 $0x0  }
0x10e: {  	v5 =	vor.u32 @!p1 $0x8, v5;
	[tilespmem:s7], [sflag:$0x1] =	stream.indirect_vreg.gather @!p1 [hbm4b:s1+s3], $0x80, v4, vm1, $0xb8;
	[tilespmem:$0x18400] =	vst v63  }
0x10f: {  	v1 =	vperm.xlane @!p1 v1, v5;
	s7 =	simm.s32 @!p1 $0xC00  }
0x110: {  	[tilespmem:s7], [sflag:$0x1] =	stream.indirect_vreg.gather @!p1 [hbm4b:s8+s3], $0x80, v4, vm1, $0xb8;
	[tilespmem:$0x18400] =	vst v63  }
0x111: {  	v1 =	vadd.s32 @!p1 v6, v1;
	s7 =	simm.s32 @!p1 $0x1400  }
0x112: {  	[tilespmem:s7], [sflag:$0x1] =	stream.indirect_vreg.gather @!p1 [hbm4b:s10+s3], $0x80, v4, vm1, $0xb8;
	[tilespmem:$0x18400] =	vst v63  }
0x113: {  	s7 =	simm.s32 @!p1 $0x1C00  }
0x114: {  	[tilespmem:s7], [sflag:$0x1] =	stream.indirect_vreg.gather @!p1 [hbm4b:s11+s3], $0x80, v4, vm1, $0xb8;
	[tilespmem:$0x18400] =	vst v63  }
0x115: {  	s7 =	simm.s32 @!p1 $0x2400  }
0x116: {  	[tilespmem:s7], [sflag:$0x1] =	stream.indirect_vreg.gather @!p1 [hbm4b:s1+s3], $0x80, v1, vm1, $0xb8;
	[tilespmem:$0x18400] =	vst v63  }
0x117: {  	s7 =	simm.s32 @!p1 $0x2C00  }
0x118: {  	[tilespmem:s7], [sflag:$0x1] =	stream.indirect_vreg.gather @!p1 [hbm4b:s8+s3], $0x80, v1, vm1, $0xb8;
	[tilespmem:$0x18400] =	vst v63  }
0x119: {  	s7 =	simm.s32 @!p1 $0x3400  }
0x11a: {  	[tilespmem:s7], [sflag:$0x1] =	stream.indirect_vreg.gather @!p1 [hbm4b:s10+s3], $0x80, v1, vm1, $0xb8;
	[tilespmem:$0x18400] =	vst v63  }
0x11b: {  	s7 =	sadd.s32 @!p1 $0x20, s14  }
0x11c: {  	s9 =	simm.s32 @!p1 $0x3C00;
	s7 =	sadd.s32 @!p1 s6, s7  }
0x11d: {  	[tilespmem:s9], [sflag:$0x1] =	stream.indirect_vreg.gather @!p1 [hbm4b:s11+s3], $0x80, v1, vm1, $0xb8;
	[tilespmem:$0x18400] =	vst v63  }
0x11e: {  	s7 =	sshll.u32 @!p1 s7, $0x7  }
0x11f: {  	s9 =	simm.s32 @!p1 $0x8400;
	s7 =	sadd.s32 @!p1 s2, s7  }
0x120: {  	[tilespmem:s9], [sflag:$0x3] =	stream.linear.gather @!p1 [hbm4b:s7+s3], $0x4000, $0x38;
	[tilespmem:$0x18400] =	vst v63  }
0x121: {  	_ =	swait.ge [sflag:s20], $0x4000  }
0x122: {  	[sflag:s20] =	ssyncset.done $0x0  }
0x123: {  	[sflag:s20] =	ssyncadd.s32 $0xFFFFC000  }
0x124: {  	_ =	swait.ge [sflag:s21], $0x4000  }
0x125: {  	[sflag:s21] =	ssyncset.done $0x0  }
0x126: {  	s3 =	simm.s32 @!p0 $0x6;
	[sflag:s21] =	ssyncadd.s32 $0xFFFFC000  }
0x127: {  	s25 =	sadd.s32 s14, s6;
	s15 =	simm.s32 $0x0;
	_ =	swait.ge @!p0 [sflag:s3], $0x4000  }
0x128: {  	s23 =	simm.s32 $0xFFFFC000;
	s24 =	simm.s32 $0x0;
	[sflag:s3] =	ssyncset.done @!p0 $0x0  }
0x129: {  	s9 =	sadd.s32 $0x10, s25;
	s7 =	simm.s32 $0x0;
	[sflag:s3] =	ssyncadd.s32 @!p0 $0xFFFFC000  }
.LBB2_7:
0x12a: {  	s3 =	sadd.s32 $0x4000, s23  }
0x12b: {  	s25 =	sand.u32 $0x380, s7;
	s3 =	sand.u32 $0x2000, s3  }
0x12c: {  	s3 =	sor.u32 s25, s3  }
0x12d: {  	v1 =	vld [tilespmem:s3+$0xC400]  }
0x12e: {  	v4 =	vld [tilespmem:s3+$0x4400]  }
0x12f: {  	v5 =	vld [tilespmem:s3+$0xC410]  }
0x130: {  	v6 =	vld [tilespmem:s3+$0x4410]  }
0x131: {  	v7 =	vld [tilespmem:s3+$0xC420]  }
0x132: {  	v8 =	vld [tilespmem:s3+$0x4420]  }
0x133: {  	v9 =	vld [tilespmem:s3+$0xC430]  }
0x134: {  	v10 =	vld [tilespmem:s3+$0x4430]  }
0x135: {  	v11 =	vld [tilespmem:s3+$0xC440]  }
0x136: {  	v12 =	vld [tilespmem:s3+$0x4440]  }
0x137: {  	v13 =	vld [tilespmem:s3+$0xC450]  }
0x138: {  	v14 =	vld [tilespmem:s3+$0x4450]  }
0x139: {  	v15 =	vld [tilespmem:s3+$0xC460]  }
0x13a: {  	v16 =	vld [tilespmem:s3+$0x4460]  }
0x13b: {  	v17 =	vld [tilespmem:s3+$0xC470]  }
0x13c: {  	v18 =	vld [tilespmem:s3+$0x4470]  }
0x13d: {  	v19 =	vld [tilespmem:s3+$0xC800]  }
0x13e: {  	v20 =	vld [tilespmem:s3+$0x4800]  }
0x13f: {  	v21 =	vld [tilespmem:s3+$0xC810]  }
0x140: {  	v22 =	vld [tilespmem:s3+$0x4810]  }
0x141: {  	v23 =	vld [tilespmem:s3+$0xC820]  }
0x142: {  	v24 =	vld [tilespmem:s3+$0x4820]  }
0x143: {  	v25 =	vld [tilespmem:s3+$0xC830]  }
0x144: {  	v26 =	vld [tilespmem:s3+$0x4830]  }
0x145: {  	v27 =	vld [tilespmem:s3+$0xC840]  }
0x146: {  	v28 =	vld [tilespmem:s3+$0x4840]  }
0x147: {  	v29 =	vld [tilespmem:s3+$0xC850]  }
0x148: {  	v30 =	vld [tilespmem:s3+$0x4850]  }
0x149: {  	v31 =	vld [tilespmem:s3+$0xC860]  }
0x14a: {  	v32 =	vld [tilespmem:s3+$0x4860]  }
0x14b: {  	v33 =	vld [tilespmem:s3+$0xC870]  }
0x14c: {  	v34 =	vld [tilespmem:s3+$0x4870]  }
0x14d: {  	v35 =	vld [tilespmem:s3+$0xCC00]  }
0x14e: {  	v36 =	vld [tilespmem:s3+$0x4C00]  }
0x14f: {  	v37 =	vld [tilespmem:s3+$0xCC10]  }
0x150: {  	v38 =	vld [tilespmem:s3+$0x4C10]  }
0x151: {  	v39 =	vld [tilespmem:s3+$0xCC20]  }
0x152: {  	v40 =	vld [tilespmem:s3+$0x4C20]  }
0x153: {  	v41 =	vld [tilespmem:s3+$0xCC30]  }
0x154: {  	v42 =	vld [tilespmem:s3+$0x4C30]  }
0x155: {  	v43 =	vld [tilespmem:s3+$0xCC40]  }
0x156: {  	v44 =	vld [tilespmem:s3+$0x4C40]  }
0x157: {  	v45 =	vld [tilespmem:s3+$0xCC50]  }
0x158: {  	v46 =	vld [tilespmem:s3+$0x4C50]  }
0x159: {  	v47 =	vld [tilespmem:s3+$0xCC60]  }
0x15a: {  	v48 =	vld [tilespmem:s3+$0x4C60]  }
0x15b: {  	v49 =	vld [tilespmem:s3+$0xCC70]  }
0x15c: {  	v50 =	vld [tilespmem:s3+$0x4C70]  }
0x15d: {  	v51 =	vld [tilespmem:s3+$0xD000]  }
0x15e: {  	v52 =	vld [tilespmem:s3+$0x5000]  }
0x15f: {  	v53 =	vld [tilespmem:s3+$0xD010]  }
0x160: {  	v54 =	vld [tilespmem:s3+$0x5010]  }
0x161: {  	v55 =	vld [tilespmem:s3+$0xD020]  }
0x162: {  	v56 =	vld [tilespmem:s3+$0x5020]  }
0x163: {  	v57 =	vld [tilespmem:s3+$0xD030]  }
0x164: {  	v58 =	vld [tilespmem:s3+$0x5030]  }
0x165: {  	v59 =	vld [tilespmem:s3+$0xD040]  }
0x166: {  	v60 =	vld [tilespmem:s3+$0x5040]  }
0x167: {  	v61 =	vld [tilespmem:s3+$0xD050]  }
0x168: {  	v62 =	vld [tilespmem:s3+$0x5050]  }
0x169: {  	v63 =	vld [tilespmem:s3+$0xD060]  }
0x16a: {  	v1 =	vadd.f32 v4, v1;
	v4 =	vld [tilespmem:s3+$0x5060]  }
0x16b: {  	v5 =	vadd.f32 v6, v5;
	v6 =	vld [tilespmem:s3+$0xD070]  }
0x16c: {  	[tilespmem:s3+$0x14400] =	vst v1;
	v1 =	vadd.f32 v8, v7;
	v7 =	vld [tilespmem:s3+$0x5070]  }
0x16d: {  	[tilespmem:s3+$0x14410] =	vst v5;
	v5 =	vadd.f32 v10, v9;
	v8 =	vld [tilespmem:s3+$0xD400]  }
0x16e: {  	v9 =	vld [tilespmem:s3+$0x5400];
	[tilespmem:s3+$0x14420] =	vst v1;
	v1 =	vadd.f32 v12, v11  }
0x16f: {  	v10 =	vld [tilespmem:s3+$0xD410];
	[tilespmem:s3+$0x14430] =	vst v5;
	v5 =	vadd.f32 v14, v13  }
0x170: {  	v11 =	vld [tilespmem:s3+$0x5410];
	[tilespmem:s3+$0x14440] =	vst v1;
	v1 =	vadd.f32 v16, v15  }
0x171: {  	v12 =	vld [tilespmem:s3+$0xD420];
	[tilespmem:s3+$0x14450] =	vst v5;
	v5 =	vadd.f32 v18, v17  }
0x172: {  	v13 =	vld [tilespmem:s3+$0x5420];
	[tilespmem:s3+$0x14460] =	vst v1;
	v1 =	vadd.f32 v20, v19  }
0x173: {  	v14 =	vld [tilespmem:s3+$0xD430];
	[tilespmem:s3+$0x14470] =	vst v5;
	v5 =	vadd.f32 v22, v21  }
0x174: {  	v15 =	vld [tilespmem:s3+$0x5430];
	[tilespmem:s3+$0x14800] =	vst v1;
	v1 =	vadd.f32 v24, v23  }
0x175: {  	v16 =	vld [tilespmem:s3+$0xD440];
	[tilespmem:s3+$0x14810] =	vst v5;
	v5 =	vadd.f32 v26, v25  }
0x176: {  	v17 =	vld [tilespmem:s3+$0x5440];
	[tilespmem:s3+$0x14820] =	vst v1;
	v1 =	vadd.f32 v28, v27  }
0x177: {  	v18 =	vld [tilespmem:s3+$0xD450];
	[tilespmem:s3+$0x14830] =	vst v5;
	v5 =	vadd.f32 v30, v29  }
0x178: {  	v19 =	vld [tilespmem:s3+$0x5450];
	[tilespmem:s3+$0x14840] =	vst v1;
	v1 =	vadd.f32 v32, v31  }
0x179: {  	v20 =	vld [tilespmem:s3+$0xD460];
	[tilespmem:s3+$0x14850] =	vst v5;
	v5 =	vadd.f32 v34, v33  }
0x17a: {  	v21 =	vld [tilespmem:s3+$0x5460];
	[tilespmem:s3+$0x14860] =	vst v1;
	v1 =	vadd.f32 v36, v35  }
0x17b: {  	v22 =	vld [tilespmem:s3+$0xD470];
	[tilespmem:s3+$0x14870] =	vst v5;
	v5 =	vadd.f32 v38, v37  }
0x17c: {  	v23 =	vld [tilespmem:s3+$0x5470];
	[tilespmem:s3+$0x14C00] =	vst v1;
	v1 =	vadd.f32 v40, v39  }
0x17d: {  	v24 =	vld [tilespmem:s3+$0xD800];
	[tilespmem:s3+$0x14C10] =	vst v5;
	v5 =	vadd.f32 v42, v41  }
0x17e: {  	v25 =	vld [tilespmem:s3+$0x5800];
	[tilespmem:s3+$0x14C20] =	vst v1;
	v1 =	vadd.f32 v44, v43  }
0x17f: {  	v36 =	vld [tilespmem:s3+$0xD810];
	[tilespmem:s3+$0x14C30] =	vst v5;
	v5 =	vadd.f32 v46, v45  }
0x180: {  	v37 =	vld [tilespmem:s3+$0x5810];
	[tilespmem:s3+$0x14C40] =	vst v1;
	v1 =	vadd.f32 v48, v47  }
0x181: {  	v38 =	vld [tilespmem:s3+$0xD820];
	[tilespmem:s3+$0x14C50] =	vst v5;
	v5 =	vadd.f32 v50, v49  }
0x182: {  	v39 =	vld [tilespmem:s3+$0x5820];
	[tilespmem:s3+$0x14C60] =	vst v1;
	v1 =	vadd.f32 v52, v51  }
0x183: {  	v40 =	vld [tilespmem:s3+$0xD830];
	[tilespmem:s3+$0x14C70] =	vst v5;
	v5 =	vadd.f32 v54, v53  }
0x184: {  	v41 =	vld [tilespmem:s3+$0x5830];
	[tilespmem:s3+$0x15000] =	vst v1;
	v1 =	vadd.f32 v56, v55  }
0x185: {  	v42 =	vld [tilespmem:s3+$0xD840];
	[tilespmem:s3+$0x15010] =	vst v5;
	v5 =	vadd.f32 v58, v57  }
0x186: {  	v43 =	vld [tilespmem:s3+$0x5840];
	[tilespmem:s3+$0x15020] =	vst v1;
	v1 =	vadd.f32 v60, v59  }
0x187: {  	v44 =	vld [tilespmem:s3+$0xD850];
	[tilespmem:s3+$0x15030] =	vst v5;
	v5 =	vadd.f32 v62, v61  }
0x188: {  	v45 =	vld [tilespmem:s3+$0xD860];
	[tilespmem:s3+$0x15040] =	vst v1;
	v1 =	vadd.f32 v4, v63  }
0x189: {  	v4 =	vld [tilespmem:s3+$0x5850];
	[tilespmem:s3+$0x15050] =	vst v5;
	v5 =	vadd.f32 v7, v6  }
0x18a: {  	v46 =	vld [tilespmem:s3+$0x5860];
	[tilespmem:s3+$0x15060] =	vst v1;
	v1 =	vadd.f32 v9, v8  }
0x18b: {  	v47 =	vld [tilespmem:s3+$0xD870];
	[tilespmem:s3+$0x15070] =	vst v5;
	v5 =	vadd.f32 v11, v10  }
0x18c: {  	v48 =	vld [tilespmem:s3+$0x5870];
	[tilespmem:s3+$0x15400] =	vst v1;
	v1 =	vadd.f32 v13, v12  }
0x18d: {  	v49 =	vld [tilespmem:s3+$0xDC00];
	[tilespmem:s3+$0x15410] =	vst v5;
	v5 =	vadd.f32 v15, v14  }
0x18e: {  	v50 =	vld [tilespmem:s3+$0x5C00];
	v4 =	vadd.f32 v4, v44;
	[tilespmem:s3+$0x15420] =	vst v1  }
0x18f: {  	v51 =	vld [tilespmem:s3+$0xDC10];
	v1 =	vadd.f32 v17, v16;
	[tilespmem:s3+$0x15430] =	vst v5  }
0x190: {  	v52 =	vld [tilespmem:s3+$0x5C10];
	v5 =	vadd.f32 v19, v18;
	[tilespmem:s3+$0x15850] =	vst v4  }
0x191: {  	v53 =	vld [tilespmem:s3+$0xDC20];
	[tilespmem:s3+$0x15440] =	vst v1;
	v1 =	vadd.f32 v21, v20  }
0x192: {  	v54 =	vld [tilespmem:s3+$0x5C20];
	[tilespmem:s3+$0x15450] =	vst v5;
	v5 =	vadd.f32 v23, v22  }
0x193: {  	v55 =	vld [tilespmem:s3+$0xDC30];
	[tilespmem:s3+$0x15460] =	vst v1;
	v1 =	vadd.f32 v25, v24  }
0x194: {  	v56 =	vld [tilespmem:s3+$0x5C30];
	[tilespmem:s3+$0x15470] =	vst v5;
	v5 =	vadd.f32 v37, v36  }
0x195: {  	v57 =	vld [tilespmem:s3+$0xDC40];
	[tilespmem:s3+$0x15800] =	vst v1;
	v1 =	vadd.f32 v39, v38  }
0x196: {  	v58 =	vld [tilespmem:s3+$0x5C40];
	[tilespmem:s3+$0x15810] =	vst v5;
	v5 =	vadd.f32 v41, v40  }
0x197: {  	v59 =	vld [tilespmem:s3+$0x5C50];
	[tilespmem:s3+$0x15820] =	vst v1;
	v1 =	vadd.f32 v43, v42  }
0x198: {  	v60 =	vld [tilespmem:s3+$0xDC60];
	v4 =	vadd.f32 v48, v47;
	[tilespmem:s3+$0x15830] =	vst v5  }
0x199: {  	v5 =	vld [tilespmem:s3+$0xDC50];
	[tilespmem:s3+$0x15840] =	vst v1;
	v1 =	vadd.f32 v46, v45  }
0x19a: {  	v62 =	vld [tilespmem:s3+$0xDC70];
	[tilespmem:s3+$0x15870] =	vst v4;
	v4 =	vadd.f32 v52, v51  }
0x19b: {  	v63 =	vld [tilespmem:s3+$0x5C70];
	[tilespmem:s3+$0x15860] =	vst v1;
	v1 =	vadd.f32 v50, v49  }
0x19c: {  	v61 =	vld [tilespmem:s3+$0x5C60];
	[tilespmem:s3+$0x15C10] =	vst v4;
	v4 =	vadd.f32 v56, v55  }
0x19d: {  	[tilespmem:s3+$0x15C00] =	vst v1;
	v1 =	vadd.f32 v54, v53  }
0x19e: {  	[tilespmem:s3+$0x15C30] =	vst v4;
	v4 =	vadd.f32 v59, v5  }
0x19f: {  	[tilespmem:s3+$0x15C20] =	vst v1;
	v1 =	vadd.f32 v58, v57  }
0x1a0: {  	s25 =	sand.u32 $0x7, s15;
	[tilespmem:s3+$0x15C50] =	vst v4;
	v4 =	vadd.f32 v63, v62  }
0x1a1: {  	s25 =	sshll.u32 s25, $0x7;
	[tilespmem:s3+$0x15C40] =	vst v1;
	v1 =	vadd.f32 v61, v60  }
0x1a2: {  	s25 =	sadd.s32 s25, s24;
	[tilespmem:s3+$0x15C70] =	vst v4  }
0x1a3: {  	[tilespmem:s3+$0x15C60] =	vst v1;
	s3 =	sor.u32 $0x1C00, s25  }
0x1a4: {  	v1 =	vld [tilespmem:s3+$0xC400]  }
0x1a5: {  	v4 =	vld [tilespmem:s3+$0x4400];
	_ =	sdelay $0x4  }
0x1a6: {  	v1 =	vadd.f32 v4, v1;
	_ =	sdelay $0x1  }
0x1a7: {  	[tilespmem:s3+$0x14400] =	vst v1;
	s3 =	sor.u32 $0x1C10, s25  }
0x1a8: {  	v1 =	vld [tilespmem:s3+$0xC400]  }
0x1a9: {  	v4 =	vld [tilespmem:s3+$0x4400];
	_ =	sdelay $0x4  }
0x1aa: {  	v1 =	vadd.f32 v4, v1;
	_ =	sdelay $0x1  }
0x1ab: {  	[tilespmem:s3+$0x14400] =	vst v1;
	s3 =	sor.u32 $0x1C20, s25  }
0x1ac: {  	v1 =	vld [tilespmem:s3+$0xC400]  }
0x1ad: {  	v4 =	vld [tilespmem:s3+$0x4400];
	_ =	sdelay $0x4  }
0x1ae: {  	v1 =	vadd.f32 v4, v1;
	_ =	sdelay $0x1  }
0x1af: {  	[tilespmem:s3+$0x14400] =	vst v1;
	s3 =	sor.u32 $0x1C30, s25  }
0x1b0: {  	v1 =	vld [tilespmem:s3+$0xC400]  }
0x1b1: {  	v4 =	vld [tilespmem:s3+$0x4400];
	_ =	sdelay $0x4  }
0x1b2: {  	v1 =	vadd.f32 v4, v1;
	_ =	sdelay $0x1  }
0x1b3: {  	[tilespmem:s3+$0x14400] =	vst v1;
	s3 =	sor.u32 $0x1C40, s25  }
0x1b4: {  	v1 =	vld [tilespmem:s3+$0xC400]  }
0x1b5: {  	v4 =	vld [tilespmem:s3+$0x4400];
	_ =	sdelay $0x4  }
0x1b6: {  	v1 =	vadd.f32 v4, v1;
	_ =	sdelay $0x1  }
0x1b7: {  	[tilespmem:s3+$0x14400] =	vst v1;
	s3 =	sor.u32 $0x1C50, s25  }
0x1b8: {  	v1 =	vld [tilespmem:s3+$0xC400]  }
0x1b9: {  	v4 =	vld [tilespmem:s3+$0x4400];
	_ =	sdelay $0x4  }
0x1ba: {  	v1 =	vadd.f32 v4, v1;
	_ =	sdelay $0x1  }
0x1bb: {  	[tilespmem:s3+$0x14400] =	vst v1;
	s3 =	sor.u32 $0x1C60, s25  }
0x1bc: {  	v1 =	vld [tilespmem:s3+$0xC400]  }
0x1bd: {  	v4 =	vld [tilespmem:s3+$0x4400];
	_ =	sdelay $0x4  }
0x1be: {  	v1 =	vadd.f32 v4, v1;
	_ =	sdelay $0x1  }
0x1bf: {  	s25 =	sor.u32 $0x1C70, s25;
	[tilespmem:s3+$0x14400] =	vst v1  }
0x1c0: {  	v1 =	vld [tilespmem:s25+$0xC400]  }
0x1c1: {  	v4 =	vld [tilespmem:s25+$0x4400];
	_ =	sdelay $0x1  }
0x1c2: {  	p0 =	sne.s32 s7, $0x780  }
.Ltmp4:
0x1c3: {  	_ = 	snop;
	(pc) =	sbr.rel @p0 .LBB2_7-.Ltmp4, $4  }
0x1c4: {  	_ = 	snop  }
0x1c5: {  	v1 =	vadd.f32 v4, v1  }
0x1c6: {  	s23 =	sadd.s32 $0x400, s23  }
0x1c7: {  	s7 =	sadd.s32 $0x80, s7;
	s15 =	sadd.s32 $0x1, s15;
	s24 =	sadd.s32 $0x400, s24;
	[tilespmem:s25+$0x14400] =	vst v1  }
.Ltmp5:
0x1c8: {  	(pc) =	sbr.rel @p1 .LBB2_10-.Ltmp5, $4  }
0x1c9: {  	_ = 	snop  }
0x1ca: {  	s3 =	sshll.u32 s9, $0x7;
	s7 =	rddreg [dreg:$0x3]  }
0x1cb: {  	s3 =	sadd.s32 s7, s3  }
0x1cc: {  	[hbm4b:s3+s4] =	stream.linear.scatter [tilespmem:s22], [sflag:$0x6], $0x4000, $0x38;
	[tilespmem:$0x18400] =	vst v63  }
0x1cd: {  	v1 =	vld [tilespmem:s14+$0x30];
	_ =	sdelay $0x4  }
0x1ce: {  	v4 =	vshll.u32 v1, $0x3  }
0x1cf: {  	v1 =	vand.u32 $0x7, v1;
	v4 =	vand.u32 $0xFFFFFFC0, v4  }
0x1d0: {  	v1 =	vor.u32 v1, v4;
	v4 =	vld [tilespmem:$0x1FFF0];
	_ =	sdelay $0x4  }
0x1d1: {  	v4 =	vperm.xlane v1, v4;
	_ =	sdelay $0x1  }
0x1d2: {  	v4 =	vadd.s32 v2, v4;
	_ =	sdelay $0x3  }
0x1d3: {  	s3 =	simm.s32 $0x4400  }
0x1d4: {  	[tilespmem:s3], [sflag:$0x2] =	stream.indirect_vreg.gather [hbm4b:s1+s4], $0x80, v4, vm0, $0xb8;
	[tilespmem:$0x18400] =	vst v63  }
0x1d5: {  	v1 =	vperm.xlane v1, v3  }
0x1d6: {  	[tilespmem:s26], [sflag:$0x2] =	stream.indirect_vreg.gather [hbm4b:s8+s4], $0x80, v4, vm0, $0xb8;
	[tilespmem:$0x18400] =	vst v63  }
0x1d7: {  	v1 =	vadd.s32 v2, v1  }
0x1d8: {  	[tilespmem:s28], [sflag:$0x2] =	stream.indirect_vreg.gather [hbm4b:s10+s4], $0x80, v4, vm0, $0xb8;
	[tilespmem:$0x18400] =	vst v63  }
0x1d9: {  	_ = 	snop  }
0x1da: {  	[tilespmem:s29], [sflag:$0x2] =	stream.indirect_vreg.gather [hbm4b:s11+s4], $0x80, v4, vm0, $0xb8;
	[tilespmem:$0x18400] =	vst v63  }
0x1db: {  	_ = 	snop  }
0x1dc: {  	[tilespmem:s30], [sflag:$0x2] =	stream.indirect_vreg.gather [hbm4b:s1+s4], $0x80, v1, vm0, $0xb8;
	[tilespmem:$0x18400] =	vst v63  }
0x1dd: {  	_ = 	snop  }
0x1de: {  	[tilespmem:s31], [sflag:$0x2] =	stream.indirect_vreg.gather [hbm4b:s8+s4], $0x80, v1, vm0, $0xb8;
	[tilespmem:$0x18400] =	vst v63  }
0x1df: {  	s25 =	sadd.s32 $0x30, s14  }
0x1e0: {  	[tilespmem:s0], [sflag:$0x2] =	stream.indirect_vreg.gather [hbm4b:s10+s4], $0x80, v1, vm0, $0xb8;
	[tilespmem:$0x18400] =	vst v63  }
.Ltmp6:
0x1e1: {  	s3 =	sadd.s32 s6, s25;
	(pc) =	sbr.rel .LBB2_4-.Ltmp6, $4  }
0x1e2: {  	s3 =	sshll.u32 s3, $0x7  }
0x1e3: {  	[tilespmem:s5], [sflag:$0x2] =	stream.indirect_vreg.gather [hbm4b:s11+s4], $0x80, v1, vm0, $0xb8;
	[tilespmem:$0x18400] =	vst v63  }
0x1e4: {  	s12 =	sadd.s32 $0x1, s12;
	s3 =	sadd.s32 s2, s3  }
0x1e5: {  	[tilespmem:s16], [sflag:$0x4] =	stream.linear.gather [hbm4b:s3+s4], $0x4000, $0x38;
	[tilespmem:$0x18400] =	vst v63  }
.LBB2_11:
0x1e6: {  	_ =	sfence.sel $0x180000  }
0x1e7: {  	[bflag:$0x0] =	sbarrier.arrive $0xFFFF  }
0x1e8: {  	_ =	strace $0x90000047  }
0x1e9: {  	s0 =	stileid.u32;
	[bflag:$0x2] =	sbarrier.arrive $0xFFFF  }
0x1ea: {  	p0 =	sne.s32 s0, $0x0;
	s0 =	rddreg [dreg:$0x4]  }
0x1eb: {  	s0 =	sadd.s32 @!p0 $0x100000, s0  }
0x1ec: {  	[sflag:s0] =	ssyncadd.tile.s32 @!p0 $0x1;
	_ =	shalt  }
.Lfunc_end2:
_tile_overlayer_lowered:
.L_overlay_start_2:
0x1ed: {  	(tag) =	ssettag $0x2  }
0x1ee: {  	s0 =	rddreg [dreg:$0x0];
	s2 =	stileid.u32  }
0x1ef: {  	s1 =	rddreg [dreg:$0x1];
	p0 =	sne.s32 s2, $0x0  }
0x1f0: {  	s3 =	rddreg [dreg:$0x2];
	[bflag:$0x3] =	sbarrier.arrive $0xFFFF;
	s2 =	simm.s32 @!p0 $0x1C07  }
0x1f1: {  	[timem:s3], [sflag:s2] =	dma.local @!p0 [hbm:s0], s1  }
0x1f2: {  	s0 =	simm.s32 @!p0 $0x7  }
0x1f3: {  	_ =	swait.ge @!p0 [sflag:s0], s1  }
0x1f4: {  	s1 =	ssub.s32 @!p0 $0x0, s1;
	[sflag:s0] =	ssyncset.done @!p0 $0x0  }
0x1f5: {  	[sflag:s0] =	ssyncadd.s32 @!p0 s1  }
0x1f6: {  	[bflag:$0x3] =	sbarrier.arrive $0xFFFF  }
0x1f7: {  	_ =	shalt  }

</sc_bundles>
